<compile_context>
chip_gen: v7x
topology: tpu7x:2x2x1
jax: 0.10.2.dev20260603
libtpu: 0.0.44.dev20260713+nightly
codegen_flags: <defaults>
</compile_context>

<pallas_src>
import functools

import jax
import jax.numpy as jnp
from jax import lax
from jax.experimental import pallas as pl
from jax.experimental.pallas import tpu as pltpu
from jax.experimental.pallas import tpu_sc as plsc

B = 1024
J = 26
C = 1000
ROW = J * C
NPTS = B * J
NW = 32
NWIN = ROW // 8
WPC = 6
NCHUNK = 17
WINS_W = WPC * NCHUNK
CHUNK_R = WPC * 8
KPAD = 16
SENTINEL = 1 << 30

_mesh = plsc.VectorSubcoreMesh(core_axis_name="c", subcore_axis_name="s")


def _worker_starts():
    return jnp.minimum(jnp.arange(NW, dtype=jnp.int32) * NWIN // NW,
                       NWIN - WINS_W)


@functools.partial(
    pl.kernel,
    mesh=_mesh,
    out_type=jax.ShapeDtypeStruct((ROW, B), jnp.int32),
    scratch_types=[
        pltpu.VMEM((NPTS + KPAD,), jnp.int32),
        pltpu.VMEM((NW,), jnp.int32),
        pltpu.VMEM((CHUNK_R, B), jnp.int32),
        pltpu.VMEM((CHUNK_R, B), jnp.int32),
        pltpu.SemaphoreType.DMA,
        pltpu.SemaphoreType.DMA,
    ],
    compiler_params=pltpu.CompilerParams(needs_layout_passes=False),
)
def _onehot_sc(keys_hbm, starts_hbm, zeros_hbm, out_hbm,
               keysv, startsv, buf0, buf1, s0, s1):
    bufs = (buf0, buf1)
    sems = (s0, s1)
    wid = lax.axis_index("s") * 2 + lax.axis_index("c")
    s_w = jnp.minimum(wid * NWIN // NW, NWIN - WINS_W)

    hk = pltpu.async_copy(keys_hbm, keysv.at[pl.ds(0, NPTS)], s0)
    prime = [pltpu.async_copy(zeros_hbm, buf0, s1),
             pltpu.async_copy(zeros_hbm, buf1, s1)]
    pltpu.sync_copy(starts_hbm, startsv)
    hk.wait()
    keysv[pl.ds(NPTS, KPAD)] = jnp.full((KPAD,), jnp.int32(SENTINEL))

    ones = jnp.full((16,), 1, jnp.int32)
    zeros_v = jnp.zeros((16,), jnp.int32)

    half = startsv[pl.ds((wid >> 4) * 16, 16)]
    lane = lax.broadcasted_iota(jnp.int32, (16,), 0)
    start_pt = jnp.sum(jnp.where(lane == (wid & 15), half, 0))
    v0 = start_pt >> 4

    def walk_chunk(buf, vstart, k, val):
        c0 = (s_w + WPC * k) * 8
        p0 = c0 * B
        p1 = p0 + CHUNK_R * B

        def cond(v):
            kv = keysv[pl.ds(v * 16, 16)]
            return kv[0] < p1

        def body(v):
            kv = keysv[pl.ds(v * 16, 16)]
            m = (kv >= p0) & (kv < p1)
            lr = (kv >> 10) - c0
            lc = kv & 1023
            plsc.store_scatter(buf, [lr, lc], val, mask=m)
            return v + 1

        vend = lax.while_loop(cond, body, vstart)
        return jnp.maximum(vend - 1, vstart)

    handles = [None, None]
    saved = [None, None]
    vptr = v0
    for k in range(NCHUNK):
        slot = k % 2
        if handles[slot] is not None:
            handles[slot].wait()
            walk_chunk(bufs[slot], saved[slot], k - 2, zeros_v)
        else:
            prime[slot].wait()
        saved[slot] = vptr
        vptr = walk_chunk(bufs[slot], vptr, k, ones)
        dst = out_hbm.at[pl.ds((s_w + WPC * k) * 8, CHUNK_R)]
        handles[slot] = pltpu.async_copy(bufs[slot], dst, sems[slot])
    handles[0].wait()
    handles[1].wait()


def kernel(x):
    xi = x.astype(jnp.int32)
    cpos = xi + (jnp.arange(J, dtype=jnp.int32) * C)[None, :]
    keys = cpos * B + jnp.arange(B, dtype=jnp.int32)[:, None]
    keys = jnp.sort(keys.reshape(-1))
    wfirst = _worker_starts() * (8 * B)
    starts = jnp.sum((keys[:, None] < wfirst[None, :]).astype(jnp.int32),
                     axis=0)
    zeros = jnp.zeros((CHUNK_R, B), jnp.int32)
    out_t = _onehot_sc(keys, starts, zeros)
    return out_t.T

# --- scband reference (transcript-rebuilt; emitter-appended) ---
"""Pipeline reference for scband-one-hot-embedding-module-78752520339915 (READ-ONLY COPY).

The authoritative reference and input builder live on the scoring server;
editing this copy changes nothing except your own understanding.
"""

import jax, jax.numpy as jnp
import numpy as np

NUM_CLASSES = 1000

def setup_inputs(seed: int = 0) -> dict:
    key = jax.random.key(seed)
    x = jax.random.randint(key, (1024, 26), 0, NUM_CLASSES, dtype=jnp.int64)
    return {"x": x}

def reference(x) -> jnp.ndarray:
    batch_size = x.shape[0]
    x_flat = x.reshape(-1)
    # F.one_hot(x, num_classes) -> int64 one-hot; use int32 one-hot via comparison, matching semantics
    embeds = (x_flat[:, None] == jnp.arange(NUM_CLASSES, dtype=x_flat.dtype)[None, :]).astype(jnp.int64)
    embeds = embeds.reshape(batch_size, -1)
    return embeds

if __name__ == "__main__":
    import jax
    _d = setup_inputs()
    print(jax.jit(kernel)(*tuple(_d.values())))

</pallas_src>

<mosaic_0001>
#map = affine_map<(d0, d1) -> (0)>
#map1 = affine_map<(d0, d1) -> (0, 0)>
module attributes {stable_mosaic.version = 14 : i64} {
  func.func @_onehot_sc(%arg0: i32, %arg1: i32, %arg2: memref<26624xi32, #tpu.memory_space<hbm>>, %arg3: memref<32xi32, #tpu.memory_space<hbm>>, %arg4: memref<48x1024xi32, #tpu.memory_space<hbm>>, %arg5: memref<26000x1024xi32, #tpu.memory_space<hbm>>, %arg6: memref<26640xi32, #tpu.memory_space<vmem>>, %arg7: memref<32xi32, #tpu.memory_space<vmem>>, %arg8: memref<48x1024xi32, #tpu.memory_space<vmem>>, %arg9: memref<48x1024xi32, #tpu.memory_space<vmem>>, %arg10: memref<!tpu.dma_semaphore, #tpu.memory_space<semaphore_mem>>, %arg11: memref<!tpu.dma_semaphore, #tpu.memory_space<semaphore_mem>>) attributes {dimension_semantics = [#tpu.dimension_semantics<core_parallel>, #tpu.dimension_semantics<subcore_parallel>], iteration_bounds = array<i64: 2, 16>, scalar_prefetch = 0 : i64, scratch_operands = 6 : i64, tpu.core_type = #tpu.core_type<sc_vector_subcore>, window_params = [{transform_indices = #map}, {transform_indices = #map}, {transform_indices = #map1}, {transform_indices = #map1}]} {
    %mul3A = arith.constant 2 : i32
    %mul3A_0 = arith.muli %arg1, %mul3A : i32
    %add3A = arith.addi %mul3A_0, %arg0 : i32
    %mul3A_1 = arith.constant 3250 : i32
    %mul3A_2 = arith.muli %add3A, %mul3A_1 : i32
    %jit3A = arith.constant 32 : i32
    %div3A = arith.divsi %mul3A_2, %jit3A : i32
    %sign3A = arith.constant 0 : i32
    %sign3A_3 = arith.cmpi sgt, %mul3A_2, %sign3A : i32
    %sign3A_4 = arith.extui %sign3A_3 : i1 to i32
    %sign3A_5 = arith.constant 0 : i32
    %sign3A_6 = arith.cmpi slt, %mul3A_2, %sign3A_5 : i32
    %sign3A_7 = arith.extui %sign3A_6 : i1 to i32
    %sign3A_8 = arith.subi %sign3A_4, %sign3A_7 : i32
    %sign3A_9 = arith.constant 0 : i32
    %sign3A_10 = arith.cmpi sgt, %jit3A, %sign3A_9 : i32
    %sign3A_11 = arith.extui %sign3A_10 : i1 to i32
    %sign3A_12 = arith.constant 0 : i32
    %sign3A_13 = arith.cmpi slt, %jit3A, %sign3A_12 : i32
    %sign3A_14 = arith.extui %sign3A_13 : i1 to i32
    %sign3A_15 = arith.subi %sign3A_11, %sign3A_14 : i32
    %ne3A = arith.cmpi ne, %sign3A_8, %sign3A_15 : i32
    %rem3A = arith.remsi %mul3A_2, %jit3A : i32
    %ne3A_16 = arith.constant 0 : i32
    %ne3A_17 = arith.cmpi ne, %rem3A, %ne3A_16 : i32
    %and3A = arith.andi %ne3A, %ne3A_17 : i1
    %sub3A = arith.constant 1 : i32
    %sub3A_18 = arith.subi %div3A, %sub3A : i32
    %select_n3A = arith.select %and3A, %sub3A_18, %div3A : i32
    %min3A = arith.constant 3148 : i32
    %min3A_19 = arith.minsi %select_n3A, %min3A : i32
    %dma_start3A = arith.constant 0 : i32
    %dma_start3A_20 = tpu.memref_slice %arg6[%dma_start3A] : memref<26640xi32, #tpu.memory_space<vmem>> -> memref<26624xi32, #tpu.memory_space<vmem>>
    %dma_start3A_21 = arith.constant 0 : i32
    %dma_start3A_22 = tpu.memref_slice %arg6[%dma_start3A_21] : memref<26640xi32, #tpu.memory_space<vmem>> -> memref<26624xi32, #tpu.memory_space<vmem>>
    tpu.enqueue_dma source(%arg2 : memref<26624xi32, #tpu.memory_space<hbm>>) target(%dma_start3A_22 : memref<26624xi32, #tpu.memory_space<vmem>>) target_semaphore(%arg10 : memref<!tpu.dma_semaphore, #tpu.memory_space<semaphore_mem>>)
    tpu.enqueue_dma source(%arg4 : memref<48x1024xi32, #tpu.memory_space<hbm>>) target(%arg8 : memref<48x1024xi32, #tpu.memory_space<vmem>>) target_semaphore(%arg11 : memref<!tpu.dma_semaphore, #tpu.memory_space<semaphore_mem>>)
    tpu.enqueue_dma source(%arg4 : memref<48x1024xi32, #tpu.memory_space<hbm>>) target(%arg9 : memref<48x1024xi32, #tpu.memory_space<vmem>>) target_semaphore(%arg11 : memref<!tpu.dma_semaphore, #tpu.memory_space<semaphore_mem>>)
    "tpu.region"() ({
      %run_scoped3A = tpu.sem_alloc : memref<!tpu.dma_semaphore, #tpu.memory_space<semaphore_mem>>
      tpu.enqueue_dma source(%arg3 : memref<32xi32, #tpu.memory_space<hbm>>) target(%arg7 : memref<32xi32, #tpu.memory_space<vmem>>) target_semaphore(%run_scoped3A : memref<!tpu.dma_semaphore, #tpu.memory_space<semaphore_mem>>)
      tpu.wait_dma2 semaphore(%run_scoped3A : memref<!tpu.dma_semaphore, #tpu.memory_space<semaphore_mem>>) src(%arg3 : memref<32xi32, #tpu.memory_space<hbm>>) dst(%arg7 : memref<32xi32, #tpu.memory_space<vmem>>)
      tpu.yield
    }) : () -> ()
    %dma_wait3A = arith.constant 0 : i32
    %dma_wait3A_23 = tpu.memref_slice %arg6[%dma_wait3A] : memref<26640xi32, #tpu.memory_space<vmem>> -> memref<26624xi32, #tpu.memory_space<vmem>>
    %dma_wait3A_24 = arith.constant 0 : i32
    %dma_wait3A_25 = tpu.memref_slice %arg6[%dma_wait3A_24] : memref<26640xi32, #tpu.memory_space<vmem>> -> memref<26624xi32, #tpu.memory_space<vmem>>
    tpu.wait_dma2 semaphore(%arg10 : memref<!tpu.dma_semaphore, #tpu.memory_space<semaphore_mem>>) src(%arg2 : memref<26624xi32, #tpu.memory_space<hbm>>) dst(%dma_wait3A_25 : memref<26624xi32, #tpu.memory_space<vmem>>)
    %broadcast_in_dim3A = arith.constant 1073741824 : i32
    %broadcast_in_dim3A_26 = vector.broadcast %broadcast_in_dim3A : i32 to vector<16xi32>
    %swap3A = arith.constant 26624 : index
    %swap3A_27 = tpu.vector_load %arg6[%swap3A] {strides = array<i32>} : memref<26640xi32, #tpu.memory_space<vmem>>, vector<16xi32>,
    tpu.vector_store %arg6[%swap3A], %broadcast_in_dim3A_26 {strides = array<i32>} : memref<26640xi32, #tpu.memory_space<vmem>>, vector<16xi32>,
    %broadcast_in_dim3A_28 = arith.constant 1 : i32
    %broadcast_in_dim3A_29 = vector.broadcast %broadcast_in_dim3A_28 : i32 to vector<16xi32>
    %broadcast_in_dim3A_30 = arith.constant 0 : i32
    %broadcast_in_dim3A_31 = vector.broadcast %broadcast_in_dim3A_30 : i32 to vector<16xi32>
    %shift_right_arithmetic3A = arith.constant 4 : i32
    %shift_right_arithmetic3A_32 = arith.shrsi %add3A, %shift_right_arithmetic3A : i32
    %mul3A_33 = arith.constant 16 : i32
    %mul3A_34 = arith.muli %shift_right_arithmetic3A_32, %mul3A_33 : i32
    %get3A = arith.index_cast %mul3A_34 : i32 to index
    %get3A_35 = tpu.vector_load %arg7[%get3A] {strides = array<i32>} : memref<32xi32, #tpu.memory_space<vmem>>, vector<16xi32>,
    %iota3A = tpu.iota {dimensions = array<i32: 0>} : vector<16xi32>
    %and3A_36 = arith.constant 15 : i32
    %and3A_37 = arith.andi %add3A, %and3A_36 : i32
    %eq3A = vector.broadcast %and3A_37 : i32 to vector<16xi32>
    %eq3A_38 = arith.cmpi eq, %iota3A, %eq3A : vector<16xi32>
    %jit3A_39 = arith.constant 0 : i32
    %broadcast_in_dim3A_40 = vector.broadcast %jit3A_39 : i32 to vector<16xi32>
    %select_n3A_41 = arith.select %eq3A_38, %get3A_35, %broadcast_in_dim3A_40 : vector<16xi1>, vector<16xi32>
    %reduce_sum3A = arith.constant true
    %reduce_sum3A_42 = vector.broadcast %reduce_sum3A : i1 to vector<16xi1>
    %reduce_sum3A_43 = tpu.scan <sum>, %select_n3A_41 masked %reduce_sum3A_42 : vector<16xi32>, vector<16xi1> -> vector<16xi32>
    %reduce_sum3A_44 = vector.extract %reduce_sum3A_43[15] : i32 from vector<16xi32>
    %shift_right_arithmetic3A_45 = arith.constant 4 : i32
    %shift_right_arithmetic3A_46 = arith.shrsi %reduce_sum3A_44, %shift_right_arithmetic3A_45 : i32
    tpu.wait_dma2 semaphore(%arg11 : memref<!tpu.dma_semaphore, #tpu.memory_space<semaphore_mem>>) src(%arg4 : memref<48x1024xi32, #tpu.memory_space<hbm>>) dst(%arg8 : memref<48x1024xi32, #tpu.memory_space<vmem>>)
    %add3A_47 = arith.constant 0 : i32
    %add3A_48 = arith.addi %min3A_19, %add3A_47 : i32
    %mul3A_49 = arith.constant 8 : i32
    %mul3A_50 = arith.muli %add3A_48, %mul3A_49 : i32
    %mul3A_51 = arith.constant 1024 : i32
    %mul3A_52 = arith.muli %mul3A_50, %mul3A_51 : i32
    %add3A_53 = arith.constant 49152 : i32
    %add3A_54 = arith.addi %mul3A_52, %add3A_53 : i32
    %while3A = scf.while (%while3A_633 = %shift_right_arithmetic3A_46) : (i32) -> i32 {
      %mul3A_634 = arith.constant 16 : i32
      %mul3A_635 = arith.muli %while3A_633, %mul3A_634 : i32
      %get3A_636 = arith.index_cast %mul3A_635 : i32 to index
      %get3A_637 = tpu.vector_load %arg6[%get3A_636] {strides = array<i32>} : memref<26640xi32, #tpu.memory_space<vmem>>, vector<16xi32>,
      %slice3A = vector.extract_strided_slice %get3A_637 {offsets = [0], sizes = [1], strides = [1]} : vector<16xi32> to vector<1xi32>
      %squeeze3A = vector.extract %slice3A[0] : i32 from vector<1xi32>
      %lt3A = arith.cmpi slt, %squeeze3A, %add3A_54 : i32
      scf.condition(%lt3A) %while3A_633 : i32
    } do {
    ^bb0(%while3A_633: i32):
      %mul3A_634 = arith.constant 16 : i32
      %mul3A_635 = arith.muli %while3A_633, %mul3A_634 : i32
      %get3A_636 = arith.index_cast %mul3A_635 : i32 to index
      %get3A_637 = tpu.vector_load %arg6[%get3A_636] {strides = array<i32>} : memref<26640xi32, #tpu.memory_space<vmem>>, vector<16xi32>,
      %ge3A = vector.broadcast %mul3A_52 : i32 to vector<16xi32>
      %ge3A_638 = arith.cmpi sge, %get3A_637, %ge3A : vector<16xi32>
      %lt3A = vector.broadcast %add3A_54 : i32 to vector<16xi32>
      %lt3A_639 = arith.cmpi slt, %get3A_637, %lt3A : vector<16xi32>
      %and3A_640 = arith.andi %ge3A_638, %lt3A_639 : vector<16xi1>
      %shift_right_arithmetic3A_641 = arith.constant 10 : i32
      %shift_right_arithmetic3A_642 = vector.broadcast %shift_right_arithmetic3A_641 : i32 to vector<16xi32>
      %shift_right_arithmetic3A_643 = arith.shrsi %get3A_637, %shift_right_arithmetic3A_642 : vector<16xi32>
      %sub3A_644 = vector.broadcast %mul3A_50 : i32 to vector<16xi32>
      %sub3A_645 = arith.subi %shift_right_arithmetic3A_643, %sub3A_644 : vector<16xi32>
      %and3A_646 = arith.constant 1023 : i32
      %and3A_647 = vector.broadcast %and3A_646 : i32 to vector<16xi32>
      %and3A_648 = arith.andi %get3A_637, %and3A_647 : vector<16xi32>
      tpu.vector_store_idx %arg8[%sub3A_645, %and3A_648], %broadcast_in_dim3A_29 masked %and3A_640 : memref<48x1024xi32, #tpu.memory_space<vmem>>[vector<16xi32>, vector<16xi32>], vector<16xi32>, vector<16xi1>
      %add3A_649 = arith.constant 1 : i32
      %add3A_650 = arith.addi %while3A_633, %add3A_649 : i32
      scf.yield %add3A_650 : i32
    }
    %sub3A_55 = arith.constant 1 : i32
    %sub3A_56 = arith.subi %while3A, %sub3A_55 : i32
    %max3A = arith.maxsi %sub3A_56, %shift_right_arithmetic3A_46 : i32
    %add3A_57 = arith.constant 0 : i32
    %add3A_58 = arith.addi %min3A_19, %add3A_57 : i32
    %mul3A_59 = arith.constant 8 : i32
    %mul3A_60 = arith.muli %add3A_58, %mul3A_59 : i32
    %dma_start3A_61 = arith.constant 0 : i32
    %dma_start3A_62 = tpu.memref_slice %arg5[%mul3A_60, %dma_start3A_61] : memref<26000x1024xi32, #tpu.memory_space<hbm>> -> memref<48x1024xi32, #tpu.memory_space<hbm>>
    %dma_start3A_63 = arith.constant 0 : i32
    %dma_start3A_64 = tpu.memref_slice %arg5[%mul3A_60, %dma_start3A_63] : memref<26000x1024xi32, #tpu.memory_space<hbm>> -> memref<48x1024xi32, #tpu.memory_space<hbm>>
    tpu.enqueue_dma source(%arg8 : memref<48x1024xi32, #tpu.memory_space<vmem>>) target(%dma_start3A_64 : memref<48x1024xi32, #tpu.memory_space<hbm>>) target_semaphore(%arg10 : memref<!tpu.dma_semaphore, #tpu.memory_space<semaphore_mem>>)
    tpu.wait_dma2 semaphore(%arg11 : memref<!tpu.dma_semaphore, #tpu.memory_space<semaphore_mem>>) src(%arg4 : memref<48x1024xi32, #tpu.memory_space<hbm>>) dst(%arg9 : memref<48x1024xi32, #tpu.memory_space<vmem>>)
    %add3A_65 = arith.constant 6 : i32
    %add3A_66 = arith.addi %min3A_19, %add3A_65 : i32
    %mul3A_67 = arith.constant 8 : i32
    %mul3A_68 = arith.muli %add3A_66, %mul3A_67 : i32
    %mul3A_69 = arith.constant 1024 : i32
    %mul3A_70 = arith.muli %mul3A_68, %mul3A_69 : i32
    %add3A_71 = arith.constant 49152 : i32
    %add3A_72 = arith.addi %mul3A_70, %add3A_71 : i32
    %while3A_73 = scf.while (%while3A_633 = %max3A) : (i32) -> i32 {
      %mul3A_634 = arith.constant 16 : i32
      %mul3A_635 = arith.muli %while3A_633, %mul3A_634 : i32
      %get3A_636 = arith.index_cast %mul3A_635 : i32 to index
      %get3A_637 = tpu.vector_load %arg6[%get3A_636] {strides = array<i32>} : memref<26640xi32, #tpu.memory_space<vmem>>, vector<16xi32>,
      %slice3A = vector.extract_strided_slice %get3A_637 {offsets = [0], sizes = [1], strides = [1]} : vector<16xi32> to vector<1xi32>
      %squeeze3A = vector.extract %slice3A[0] : i32 from vector<1xi32>
      %lt3A = arith.cmpi slt, %squeeze3A, %add3A_72 : i32
      scf.condition(%lt3A) %while3A_633 : i32
    } do {
    ^bb0(%while3A_633: i32):
      %mul3A_634 = arith.constant 16 : i32
      %mul3A_635 = arith.muli %while3A_633, %mul3A_634 : i32
      %get3A_636 = arith.index_cast %mul3A_635 : i32 to index
      %get3A_637 = tpu.vector_load %arg6[%get3A_636] {strides = array<i32>} : memref<26640xi32, #tpu.memory_space<vmem>>, vector<16xi32>,
      %ge3A = vector.broadcast %mul3A_70 : i32 to vector<16xi32>
      %ge3A_638 = arith.cmpi sge, %get3A_637, %ge3A : vector<16xi32>
      %lt3A = vector.broadcast %add3A_72 : i32 to vector<16xi32>
      %lt3A_639 = arith.cmpi slt, %get3A_637, %lt3A : vector<16xi32>
      %and3A_640 = arith.andi %ge3A_638, %lt3A_639 : vector<16xi1>
      %shift_right_arithmetic3A_641 = arith.constant 10 : i32
      %shift_right_arithmetic3A_642 = vector.broadcast %shift_right_arithmetic3A_641 : i32 to vector<16xi32>
      %shift_right_arithmetic3A_643 = arith.shrsi %get3A_637, %shift_right_arithmetic3A_642 : vector<16xi32>
      %sub3A_644 = vector.broadcast %mul3A_68 : i32 to vector<16xi32>
      %sub3A_645 = arith.subi %shift_right_arithmetic3A_643, %sub3A_644 : vector<16xi32>
      %and3A_646 = arith.constant 1023 : i32
      %and3A_647 = vector.broadcast %and3A_646 : i32 to vector<16xi32>
      %and3A_648 = arith.andi %get3A_637, %and3A_647 : vector<16xi32>
      tpu.vector_store_idx %arg9[%sub3A_645, %and3A_648], %broadcast_in_dim3A_29 masked %and3A_640 : memref<48x1024xi32, #tpu.memory_space<vmem>>[vector<16xi32>, vector<16xi32>], vector<16xi32>, vector<16xi1>
      %add3A_649 = arith.constant 1 : i32
      %add3A_650 = arith.addi %while3A_633, %add3A_649 : i32
      scf.yield %add3A_650 : i32
    }
    %sub3A_74 = arith.constant 1 : i32
    %sub3A_75 = arith.subi %while3A_73, %sub3A_74 : i32
    %max3A_76 = arith.maxsi %sub3A_75, %max3A : i32
    %add3A_77 = arith.constant 6 : i32
    %add3A_78 = arith.addi %min3A_19, %add3A_77 : i32
    %mul3A_79 = arith.constant 8 : i32
    %mul3A_80 = arith.muli %add3A_78, %mul3A_79 : i32
    %dma_start3A_81 = arith.constant 0 : i32
    %dma_start3A_82 = tpu.memref_slice %arg5[%mul3A_80, %dma_start3A_81] : memref<26000x1024xi32, #tpu.memory_space<hbm>> -> memref<48x1024xi32, #tpu.memory_space<hbm>>
    %dma_start3A_83 = arith.constant 0 : i32
    %dma_start3A_84 = tpu.memref_slice %arg5[%mul3A_80, %dma_start3A_83] : memref<26000x1024xi32, #tpu.memory_space<hbm>> -> memref<48x1024xi32, #tpu.memory_space<hbm>>
    tpu.enqueue_dma source(%arg9 : memref<48x1024xi32, #tpu.memory_space<vmem>>) target(%dma_start3A_84 : memref<48x1024xi32, #tpu.memory_space<hbm>>) target_semaphore(%arg11 : memref<!tpu.dma_semaphore, #tpu.memory_space<semaphore_mem>>)
    %dma_wait3A_85 = arith.constant 0 : i32
    %dma_wait3A_86 = tpu.memref_slice %arg5[%mul3A_60, %dma_wait3A_85] : memref<26000x1024xi32, #tpu.memory_space<hbm>> -> memref<48x1024xi32, #tpu.memory_space<hbm>>
    %dma_wait3A_87 = arith.constant 0 : i32
    %dma_wait3A_88 = tpu.memref_slice %arg5[%mul3A_60, %dma_wait3A_87] : memref<26000x1024xi32, #tpu.memory_space<hbm>> -> memref<48x1024xi32, #tpu.memory_space<hbm>>
    tpu.wait_dma2 semaphore(%arg10 : memref<!tpu.dma_semaphore, #tpu.memory_space<semaphore_mem>>) src(%arg8 : memref<48x1024xi32, #tpu.memory_space<vmem>>) dst(%dma_wait3A_88 : memref<48x1024xi32, #tpu.memory_space<hbm>>)
    %add3A_89 = arith.constant 0 : i32
    %add3A_90 = arith.addi %min3A_19, %add3A_89 : i32
    %mul3A_91 = arith.constant 8 : i32
    %mul3A_92 = arith.muli %add3A_90, %mul3A_91 : i32
    %mul3A_93 = arith.constant 1024 : i32
    %mul3A_94 = arith.muli %mul3A_92, %mul3A_93 : i32
    %add3A_95 = arith.constant 49152 : i32
    %add3A_96 = arith.addi %mul3A_94, %add3A_95 : i32
    %while3A_97 = scf.while (%while3A_633 = %shift_right_arithmetic3A_46) : (i32) -> i32 {
      %mul3A_634 = arith.constant 16 : i32
      %mul3A_635 = arith.muli %while3A_633, %mul3A_634 : i32
      %get3A_636 = arith.index_cast %mul3A_635 : i32 to index
      %get3A_637 = tpu.vector_load %arg6[%get3A_636] {strides = array<i32>} : memref<26640xi32, #tpu.memory_space<vmem>>, vector<16xi32>,
      %slice3A = vector.extract_strided_slice %get3A_637 {offsets = [0], sizes = [1], strides = [1]} : vector<16xi32> to vector<1xi32>
      %squeeze3A = vector.extract %slice3A[0] : i32 from vector<1xi32>
      %lt3A = arith.cmpi slt, %squeeze3A, %add3A_96 : i32
      scf.condition(%lt3A) %while3A_633 : i32
    } do {
    ^bb0(%while3A_633: i32):
      %mul3A_634 = arith.constant 16 : i32
      %mul3A_635 = arith.muli %while3A_633, %mul3A_634 : i32
      %get3A_636 = arith.index_cast %mul3A_635 : i32 to index
      %get3A_637 = tpu.vector_load %arg6[%get3A_636] {strides = array<i32>} : memref<26640xi32, #tpu.memory_space<vmem>>, vector<16xi32>,
      %ge3A = vector.broadcast %mul3A_94 : i32 to vector<16xi32>
      %ge3A_638 = arith.cmpi sge, %get3A_637, %ge3A : vector<16xi32>
      %lt3A = vector.broadcast %add3A_96 : i32 to vector<16xi32>
      %lt3A_639 = arith.cmpi slt, %get3A_637, %lt3A : vector<16xi32>
      %and3A_640 = arith.andi %ge3A_638, %lt3A_639 : vector<16xi1>
      %shift_right_arithmetic3A_641 = arith.constant 10 : i32
      %shift_right_arithmetic3A_642 = vector.broadcast %shift_right_arithmetic3A_641 : i32 to vector<16xi32>
      %shift_right_arithmetic3A_643 = arith.shrsi %get3A_637, %shift_right_arithmetic3A_642 : vector<16xi32>
      %sub3A_644 = vector.broadcast %mul3A_92 : i32 to vector<16xi32>
      %sub3A_645 = arith.subi %shift_right_arithmetic3A_643, %sub3A_644 : vector<16xi32>
      %and3A_646 = arith.constant 1023 : i32
      %and3A_647 = vector.broadcast %and3A_646 : i32 to vector<16xi32>
      %and3A_648 = arith.andi %get3A_637, %and3A_647 : vector<16xi32>
      tpu.vector_store_idx %arg8[%sub3A_645, %and3A_648], %broadcast_in_dim3A_31 masked %and3A_640 : memref<48x1024xi32, #tpu.memory_space<vmem>>[vector<16xi32>, vector<16xi32>], vector<16xi32>, vector<16xi1>
      %add3A_649 = arith.constant 1 : i32
      %add3A_650 = arith.addi %while3A_633, %add3A_649 : i32
      scf.yield %add3A_650 : i32
    }
    %sub3A_98 = arith.constant 1 : i32
    %sub3A_99 = arith.subi %while3A_97, %sub3A_98 : i32
    %max3A_100 = arith.maxsi %sub3A_99, %shift_right_arithmetic3A_46 : i32
    %add3A_101 = arith.constant 12 : i32
    %add3A_102 = arith.addi %min3A_19, %add3A_101 : i32
    %mul3A_103 = arith.constant 8 : i32
    %mul3A_104 = arith.muli %add3A_102, %mul3A_103 : i32
    %mul3A_105 = arith.constant 1024 : i32
    %mul3A_106 = arith.muli %mul3A_104, %mul3A_105 : i32
    %add3A_107 = arith.constant 49152 : i32
    %add3A_108 = arith.addi %mul3A_106, %add3A_107 : i32
    %while3A_109 = scf.while (%while3A_633 = %max3A_76) : (i32) -> i32 {
      %mul3A_634 = arith.constant 16 : i32
      %mul3A_635 = arith.muli %while3A_633, %mul3A_634 : i32
      %get3A_636 = arith.index_cast %mul3A_635 : i32 to index
      %get3A_637 = tpu.vector_load %arg6[%get3A_636] {strides = array<i32>} : memref<26640xi32, #tpu.memory_space<vmem>>, vector<16xi32>,
      %slice3A = vector.extract_strided_slice %get3A_637 {offsets = [0], sizes = [1], strides = [1]} : vector<16xi32> to vector<1xi32>
      %squeeze3A = vector.extract %slice3A[0] : i32 from vector<1xi32>
      %lt3A = arith.cmpi slt, %squeeze3A, %add3A_108 : i32
      scf.condition(%lt3A) %while3A_633 : i32
    } do {
    ^bb0(%while3A_633: i32):
      %mul3A_634 = arith.constant 16 : i32
      %mul3A_635 = arith.muli %while3A_633, %mul3A_634 : i32
      %get3A_636 = arith.index_cast %mul3A_635 : i32 to index
      %get3A_637 = tpu.vector_load %arg6[%get3A_636] {strides = array<i32>} : memref<26640xi32, #tpu.memory_space<vmem>>, vector<16xi32>,
      %ge3A = vector.broadcast %mul3A_106 : i32 to vector<16xi32>
      %ge3A_638 = arith.cmpi sge, %get3A_637, %ge3A : vector<16xi32>
      %lt3A = vector.broadcast %add3A_108 : i32 to vector<16xi32>
      %lt3A_639 = arith.cmpi slt, %get3A_637, %lt3A : vector<16xi32>
      %and3A_640 = arith.andi %ge3A_638, %lt3A_639 : vector<16xi1>
      %shift_right_arithmetic3A_641 = arith.constant 10 : i32
      %shift_right_arithmetic3A_642 = vector.broadcast %shift_right_arithmetic3A_641 : i32 to vector<16xi32>
      %shift_right_arithmetic3A_643 = arith.shrsi %get3A_637, %shift_right_arithmetic3A_642 : vector<16xi32>
      %sub3A_644 = vector.broadcast %mul3A_104 : i32 to vector<16xi32>
      %sub3A_645 = arith.subi %shift_right_arithmetic3A_643, %sub3A_644 : vector<16xi32>
      %and3A_646 = arith.constant 1023 : i32
      %and3A_647 = vector.broadcast %and3A_646 : i32 to vector<16xi32>
      %and3A_648 = arith.andi %get3A_637, %and3A_647 : vector<16xi32>
      tpu.vector_store_idx %arg8[%sub3A_645, %and3A_648], %broadcast_in_dim3A_29 masked %and3A_640 : memref<48x1024xi32, #tpu.memory_space<vmem>>[vector<16xi32>, vector<16xi32>], vector<16xi32>, vector<16xi1>
      %add3A_649 = arith.constant 1 : i32
      %add3A_650 = arith.addi %while3A_633, %add3A_649 : i32
      scf.yield %add3A_650 : i32
    }
    %sub3A_110 = arith.constant 1 : i32
    %sub3A_111 = arith.subi %while3A_109, %sub3A_110 : i32
    %max3A_112 = arith.maxsi %sub3A_111, %max3A_76 : i32
    %add3A_113 = arith.constant 12 : i32
    %add3A_114 = arith.addi %min3A_19, %add3A_113 : i32
    %mul3A_115 = arith.constant 8 : i32
    %mul3A_116 = arith.muli %add3A_114, %mul3A_115 : i32
    %dma_start3A_117 = arith.constant 0 : i32
    %dma_start3A_118 = tpu.memref_slice %arg5[%mul3A_116, %dma_start3A_117] : memref<26000x1024xi32, #tpu.memory_space<hbm>> -> memref<48x1024xi32, #tpu.memory_space<hbm>>
    %dma_start3A_119 = arith.constant 0 : i32
    %dma_start3A_120 = tpu.memref_slice %arg5[%mul3A_116, %dma_start3A_119] : memref<26000x1024xi32, #tpu.memory_space<hbm>> -> memref<48x1024xi32, #tpu.memory_space<hbm>>
    tpu.enqueue_dma source(%arg8 : memref<48x1024xi32, #tpu.memory_space<vmem>>) target(%dma_start3A_120 : memref<48x1024xi32, #tpu.memory_space<hbm>>) target_semaphore(%arg10 : memref<!tpu.dma_semaphore, #tpu.memory_space<semaphore_mem>>)
    %dma_wait3A_121 = arith.constant 0 : i32
    %dma_wait3A_122 = tpu.memref_slice %arg5[%mul3A_80, %dma_wait3A_121] : memref<26000x1024xi32, #tpu.memory_space<hbm>> -> memref<48x1024xi32, #tpu.memory_space<hbm>>
    %dma_wait3A_123 = arith.constant 0 : i32
    %dma_wait3A_124 = tpu.memref_slice %arg5[%mul3A_80, %dma_wait3A_123] : memref<26000x1024xi32, #tpu.memory_space<hbm>> -> memref<48x1024xi32, #tpu.memory_space<hbm>>
    tpu.wait_dma2 semaphore(%arg11 : memref<!tpu.dma_semaphore, #tpu.memory_space<semaphore_mem>>) src(%arg9 : memref<48x1024xi32, #tpu.memory_space<vmem>>) dst(%dma_wait3A_124 : memref<48x1024xi32, #tpu.memory_space<hbm>>)
    %add3A_125 = arith.constant 6 : i32
    %add3A_126 = arith.addi %min3A_19, %add3A_125 : i32
    %mul3A_127 = arith.constant 8 : i32
    %mul3A_128 = arith.muli %add3A_126, %mul3A_127 : i32
    %mul3A_129 = arith.constant 1024 : i32
    %mul3A_130 = arith.muli %mul3A_128, %mul3A_129 : i32
    %add3A_131 = arith.constant 49152 : i32
    %add3A_132 = arith.addi %mul3A_130, %add3A_131 : i32
    %while3A_133 = scf.while (%while3A_633 = %max3A) : (i32) -> i32 {
      %mul3A_634 = arith.constant 16 : i32
      %mul3A_635 = arith.muli %while3A_633, %mul3A_634 : i32
      %get3A_636 = arith.index_cast %mul3A_635 : i32 to index
      %get3A_637 = tpu.vector_load %arg6[%get3A_636] {strides = array<i32>} : memref<26640xi32, #tpu.memory_space<vmem>>, vector<16xi32>,
      %slice3A = vector.extract_strided_slice %get3A_637 {offsets = [0], sizes = [1], strides = [1]} : vector<16xi32> to vector<1xi32>
      %squeeze3A = vector.extract %slice3A[0] : i32 from vector<1xi32>
      %lt3A = arith.cmpi slt, %squeeze3A, %add3A_132 : i32
      scf.condition(%lt3A) %while3A_633 : i32
    } do {
    ^bb0(%while3A_633: i32):
      %mul3A_634 = arith.constant 16 : i32
      %mul3A_635 = arith.muli %while3A_633, %mul3A_634 : i32
      %get3A_636 = arith.index_cast %mul3A_635 : i32 to index
      %get3A_637 = tpu.vector_load %arg6[%get3A_636] {strides = array<i32>} : memref<26640xi32, #tpu.memory_space<vmem>>, vector<16xi32>,
      %ge3A = vector.broadcast %mul3A_130 : i32 to vector<16xi32>
      %ge3A_638 = arith.cmpi sge, %get3A_637, %ge3A : vector<16xi32>
      %lt3A = vector.broadcast %add3A_132 : i32 to vector<16xi32>
      %lt3A_639 = arith.cmpi slt, %get3A_637, %lt3A : vector<16xi32>
      %and3A_640 = arith.andi %ge3A_638, %lt3A_639 : vector<16xi1>
      %shift_right_arithmetic3A_641 = arith.constant 10 : i32
      %shift_right_arithmetic3A_642 = vector.broadcast %shift_right_arithmetic3A_641 : i32 to vector<16xi32>
      %shift_right_arithmetic3A_643 = arith.shrsi %get3A_637, %shift_right_arithmetic3A_642 : vector<16xi32>
      %sub3A_644 = vector.broadcast %mul3A_128 : i32 to vector<16xi32>
      %sub3A_645 = arith.subi %shift_right_arithmetic3A_643, %sub3A_644 : vector<16xi32>
      %and3A_646 = arith.constant 1023 : i32
      %and3A_647 = vector.broadcast %and3A_646 : i32 to vector<16xi32>
      %and3A_648 = arith.andi %get3A_637, %and3A_647 : vector<16xi32>
      tpu.vector_store_idx %arg9[%sub3A_645, %and3A_648], %broadcast_in_dim3A_31 masked %and3A_640 : memref<48x1024xi32, #tpu.memory_space<vmem>>[vector<16xi32>, vector<16xi32>], vector<16xi32>, vector<16xi1>
      %add3A_649 = arith.constant 1 : i32
      %add3A_650 = arith.addi %while3A_633, %add3A_649 : i32
      scf.yield %add3A_650 : i32
    }
    %sub3A_134 = arith.constant 1 : i32
    %sub3A_135 = arith.subi %while3A_133, %sub3A_134 : i32
    %max3A_136 = arith.maxsi %sub3A_135, %max3A : i32
    %add3A_137 = arith.constant 18 : i32
    %add3A_138 = arith.addi %min3A_19, %add3A_137 : i32
    %mul3A_139 = arith.constant 8 : i32
    %mul3A_140 = arith.muli %add3A_138, %mul3A_139 : i32
    %mul3A_141 = arith.constant 1024 : i32
    %mul3A_142 = arith.muli %mul3A_140, %mul3A_141 : i32
    %add3A_143 = arith.constant 49152 : i32
    %add3A_144 = arith.addi %mul3A_142, %add3A_143 : i32
    %while3A_145 = scf.while (%while3A_633 = %max3A_112) : (i32) -> i32 {
      %mul3A_634 = arith.constant 16 : i32
      %mul3A_635 = arith.muli %while3A_633, %mul3A_634 : i32
      %get3A_636 = arith.index_cast %mul3A_635 : i32 to index
      %get3A_637 = tpu.vector_load %arg6[%get3A_636] {strides = array<i32>} : memref<26640xi32, #tpu.memory_space<vmem>>, vector<16xi32>,
      %slice3A = vector.extract_strided_slice %get3A_637 {offsets = [0], sizes = [1], strides = [1]} : vector<16xi32> to vector<1xi32>
      %squeeze3A = vector.extract %slice3A[0] : i32 from vector<1xi32>
      %lt3A = arith.cmpi slt, %squeeze3A, %add3A_144 : i32
      scf.condition(%lt3A) %while3A_633 : i32
    } do {
    ^bb0(%while3A_633: i32):
      %mul3A_634 = arith.constant 16 : i32
      %mul3A_635 = arith.muli %while3A_633, %mul3A_634 : i32
      %get3A_636 = arith.index_cast %mul3A_635 : i32 to index
      %get3A_637 = tpu.vector_load %arg6[%get3A_636] {strides = array<i32>} : memref<26640xi32, #tpu.memory_space<vmem>>, vector<16xi32>,
      %ge3A = vector.broadcast %mul3A_142 : i32 to vector<16xi32>
      %ge3A_638 = arith.cmpi sge, %get3A_637, %ge3A : vector<16xi32>
      %lt3A = vector.broadcast %add3A_144 : i32 to vector<16xi32>
      %lt3A_639 = arith.cmpi slt, %get3A_637, %lt3A : vector<16xi32>
      %and3A_640 = arith.andi %ge3A_638, %lt3A_639 : vector<16xi1>
      %shift_right_arithmetic3A_641 = arith.constant 10 : i32
      %shift_right_arithmetic3A_642 = vector.broadcast %shift_right_arithmetic3A_641 : i32 to vector<16xi32>
      %shift_right_arithmetic3A_643 = arith.shrsi %get3A_637, %shift_right_arithmetic3A_642 : vector<16xi32>
      %sub3A_644 = vector.broadcast %mul3A_140 : i32 to vector<16xi32>
      %sub3A_645 = arith.subi %shift_right_arithmetic3A_643, %sub3A_644 : vector<16xi32>
      %and3A_646 = arith.constant 1023 : i32
      %and3A_647 = vector.broadcast %and3A_646 : i32 to vector<16xi32>
      %and3A_648 = arith.andi %get3A_637, %and3A_647 : vector<16xi32>
      tpu.vector_store_idx %arg9[%sub3A_645, %and3A_648], %broadcast_in_dim3A_29 masked %and3A_640 : memref<48x1024xi32, #tpu.memory_space<vmem>>[vector<16xi32>, vector<16xi32>], vector<16xi32>, vector<16xi1>
      %add3A_649 = arith.constant 1 : i32
      %add3A_650 = arith.addi %while3A_633, %add3A_649 : i32
      scf.yield %add3A_650 : i32
    }
    %sub3A_146 = arith.constant 1 : i32
    %sub3A_147 = arith.subi %while3A_145, %sub3A_146 : i32
    %max3A_148 = arith.maxsi %sub3A_147, %max3A_112 : i32
    %add3A_149 = arith.constant 18 : i32
    %add3A_150 = arith.addi %min3A_19, %add3A_149 : i32
    %mul3A_151 = arith.constant 8 : i32
    %mul3A_152 = arith.muli %add3A_150, %mul3A_151 : i32
    %dma_start3A_153 = arith.constant 0 : i32
    %dma_start3A_154 = tpu.memref_slice %arg5[%mul3A_152, %dma_start3A_153] : memref<26000x1024xi32, #tpu.memory_space<hbm>> -> memref<48x1024xi32, #tpu.memory_space<hbm>>
    %dma_start3A_155 = arith.constant 0 : i32
    %dma_start3A_156 = tpu.memref_slice %arg5[%mul3A_152, %dma_start3A_155] : memref<26000x1024xi32, #tpu.memory_space<hbm>> -> memref<48x1024xi32, #tpu.memory_space<hbm>>
    tpu.enqueue_dma source(%arg9 : memref<48x1024xi32, #tpu.memory_space<vmem>>) target(%dma_start3A_156 : memref<48x1024xi32, #tpu.memory_space<hbm>>) target_semaphore(%arg11 : memref<!tpu.dma_semaphore, #tpu.memory_space<semaphore_mem>>)
    %dma_wait3A_157 = arith.constant 0 : i32
    %dma_wait3A_158 = tpu.memref_slice %arg5[%mul3A_116, %dma_wait3A_157] : memref<26000x1024xi32, #tpu.memory_space<hbm>> -> memref<48x1024xi32, #tpu.memory_space<hbm>>
    %dma_wait3A_159 = arith.constant 0 : i32
    %dma_wait3A_160 = tpu.memref_slice %arg5[%mul3A_116, %dma_wait3A_159] : memref<26000x1024xi32, #tpu.memory_space<hbm>> -> memref<48x1024xi32, #tpu.memory_space<hbm>>
    tpu.wait_dma2 semaphore(%arg10 : memref<!tpu.dma_semaphore, #tpu.memory_space<semaphore_mem>>) src(%arg8 : memref<48x1024xi32, #tpu.memory_space<vmem>>) dst(%dma_wait3A_160 : memref<48x1024xi32, #tpu.memory_space<hbm>>)
    %add3A_161 = arith.constant 12 : i32
    %add3A_162 = arith.addi %min3A_19, %add3A_161 : i32
    %mul3A_163 = arith.constant 8 : i32
    %mul3A_164 = arith.muli %add3A_162, %mul3A_163 : i32
    %mul3A_165 = arith.constant 1024 : i32
    %mul3A_166 = arith.muli %mul3A_164, %mul3A_165 : i32
    %add3A_167 = arith.constant 49152 : i32
    %add3A_168 = arith.addi %mul3A_166, %add3A_167 : i32
    %while3A_169 = scf.while (%while3A_633 = %max3A_76) : (i32) -> i32 {
      %mul3A_634 = arith.constant 16 : i32
      %mul3A_635 = arith.muli %while3A_633, %mul3A_634 : i32
      %get3A_636 = arith.index_cast %mul3A_635 : i32 to index
      %get3A_637 = tpu.vector_load %arg6[%get3A_636] {strides = array<i32>} : memref<26640xi32, #tpu.memory_space<vmem>>, vector<16xi32>,
      %slice3A = vector.extract_strided_slice %get3A_637 {offsets = [0], sizes = [1], strides = [1]} : vector<16xi32> to vector<1xi32>
      %squeeze3A = vector.extract %slice3A[0] : i32 from vector<1xi32>
      %lt3A = arith.cmpi slt, %squeeze3A, %add3A_168 : i32
      scf.condition(%lt3A) %while3A_633 : i32
    } do {
    ^bb0(%while3A_633: i32):
      %mul3A_634 = arith.constant 16 : i32
      %mul3A_635 = arith.muli %while3A_633, %mul3A_634 : i32
      %get3A_636 = arith.index_cast %mul3A_635 : i32 to index
      %get3A_637 = tpu.vector_load %arg6[%get3A_636] {strides = array<i32>} : memref<26640xi32, #tpu.memory_space<vmem>>, vector<16xi32>,
      %ge3A = vector.broadcast %mul3A_166 : i32 to vector<16xi32>
      %ge3A_638 = arith.cmpi sge, %get3A_637, %ge3A : vector<16xi32>
      %lt3A = vector.broadcast %add3A_168 : i32 to vector<16xi32>
      %lt3A_639 = arith.cmpi slt, %get3A_637, %lt3A : vector<16xi32>
      %and3A_640 = arith.andi %ge3A_638, %lt3A_639 : vector<16xi1>
      %shift_right_arithmetic3A_641 = arith.constant 10 : i32
      %shift_right_arithmetic3A_642 = vector.broadcast %shift_right_arithmetic3A_641 : i32 to vector<16xi32>
      %shift_right_arithmetic3A_643 = arith.shrsi %get3A_637, %shift_right_arithmetic3A_642 : vector<16xi32>
      %sub3A_644 = vector.broadcast %mul3A_164 : i32 to vector<16xi32>
      %sub3A_645 = arith.subi %shift_right_arithmetic3A_643, %sub3A_644 : vector<16xi32>
      %and3A_646 = arith.constant 1023 : i32
      %and3A_647 = vector.broadcast %and3A_646 : i32 to vector<16xi32>
      %and3A_648 = arith.andi %get3A_637, %and3A_647 : vector<16xi32>
      tpu.vector_store_idx %arg8[%sub3A_645, %and3A_648], %broadcast_in_dim3A_31 masked %and3A_640 : memref<48x1024xi32, #tpu.memory_space<vmem>>[vector<16xi32>, vector<16xi32>], vector<16xi32>, vector<16xi1>
      %add3A_649 = arith.constant 1 : i32
      %add3A_650 = arith.addi %while3A_633, %add3A_649 : i32
      scf.yield %add3A_650 : i32
    }
    %sub3A_170 = arith.constant 1 : i32
    %sub3A_171 = arith.subi %while3A_169, %sub3A_170 : i32
    %max3A_172 = arith.maxsi %sub3A_171, %max3A_76 : i32
    %add3A_173 = arith.constant 24 : i32
    %add3A_174 = arith.addi %min3A_19, %add3A_173 : i32
    %mul3A_175 = arith.constant 8 : i32
    %mul3A_176 = arith.muli %add3A_174, %mul3A_175 : i32
    %mul3A_177 = arith.constant 1024 : i32
    %mul3A_178 = arith.muli %mul3A_176, %mul3A_177 : i32
    %add3A_179 = arith.constant 49152 : i32
    %add3A_180 = arith.addi %mul3A_178, %add3A_179 : i32
    %while3A_181 = scf.while (%while3A_633 = %max3A_148) : (i32) -> i32 {
      %mul3A_634 = arith.constant 16 : i32
      %mul3A_635 = arith.muli %while3A_633, %mul3A_634 : i32
      %get3A_636 = arith.index_cast %mul3A_635 : i32 to index
      %get3A_637 = tpu.vector_load %arg6[%get3A_636] {strides = array<i32>} : memref<26640xi32, #tpu.memory_space<vmem>>, vector<16xi32>,
      %slice3A = vector.extract_strided_slice %get3A_637 {offsets = [0], sizes = [1], strides = [1]} : vector<16xi32> to vector<1xi32>
      %squeeze3A = vector.extract %slice3A[0] : i32 from vector<1xi32>
      %lt3A = arith.cmpi slt, %squeeze3A, %add3A_180 : i32
      scf.condition(%lt3A) %while3A_633 : i32
    } do {
    ^bb0(%while3A_633: i32):
      %mul3A_634 = arith.constant 16 : i32
      %mul3A_635 = arith.muli %while3A_633, %mul3A_634 : i32
      %get3A_636 = arith.index_cast %mul3A_635 : i32 to index
      %get3A_637 = tpu.vector_load %arg6[%get3A_636] {strides = array<i32>} : memref<26640xi32, #tpu.memory_space<vmem>>, vector<16xi32>,
      %ge3A = vector.broadcast %mul3A_178 : i32 to vector<16xi32>
      %ge3A_638 = arith.cmpi sge, %get3A_637, %ge3A : vector<16xi32>
      %lt3A = vector.broadcast %add3A_180 : i32 to vector<16xi32>
      %lt3A_639 = arith.cmpi slt, %get3A_637, %lt3A : vector<16xi32>
      %and3A_640 = arith.andi %ge3A_638, %lt3A_639 : vector<16xi1>
      %shift_right_arithmetic3A_641 = arith.constant 10 : i32
      %shift_right_arithmetic3A_642 = vector.broadcast %shift_right_arithmetic3A_641 : i32 to vector<16xi32>
      %shift_right_arithmetic3A_643 = arith.shrsi %get3A_637, %shift_right_arithmetic3A_642 : vector<16xi32>
      %sub3A_644 = vector.broadcast %mul3A_176 : i32 to vector<16xi32>
      %sub3A_645 = arith.subi %shift_right_arithmetic3A_643, %sub3A_644 : vector<16xi32>
      %and3A_646 = arith.constant 1023 : i32
      %and3A_647 = vector.broadcast %and3A_646 : i32 to vector<16xi32>
      %and3A_648 = arith.andi %get3A_637, %and3A_647 : vector<16xi32>
      tpu.vector_store_idx %arg8[%sub3A_645, %and3A_648], %broadcast_in_dim3A_29 masked %and3A_640 : memref<48x1024xi32, #tpu.memory_space<vmem>>[vector<16xi32>, vector<16xi32>], vector<16xi32>, vector<16xi1>
      %add3A_649 = arith.constant 1 : i32
      %add3A_650 = arith.addi %while3A_633, %add3A_649 : i32
      scf.yield %add3A_650 : i32
    }
    %sub3A_182 = arith.constant 1 : i32
    %sub3A_183 = arith.subi %while3A_181, %sub3A_182 : i32
    %max3A_184 = arith.maxsi %sub3A_183, %max3A_148 : i32
    %add3A_185 = arith.constant 24 : i32
    %add3A_186 = arith.addi %min3A_19, %add3A_185 : i32
    %mul3A_187 = arith.constant 8 : i32
    %mul3A_188 = arith.muli %add3A_186, %mul3A_187 : i32
    %dma_start3A_189 = arith.constant 0 : i32
    %dma_start3A_190 = tpu.memref_slice %arg5[%mul3A_188, %dma_start3A_189] : memref<26000x1024xi32, #tpu.memory_space<hbm>> -> memref<48x1024xi32, #tpu.memory_space<hbm>>
    %dma_start3A_191 = arith.constant 0 : i32
    %dma_start3A_192 = tpu.memref_slice %arg5[%mul3A_188, %dma_start3A_191] : memref<26000x1024xi32, #tpu.memory_space<hbm>> -> memref<48x1024xi32, #tpu.memory_space<hbm>>
    tpu.enqueue_dma source(%arg8 : memref<48x1024xi32, #tpu.memory_space<vmem>>) target(%dma_start3A_192 : memref<48x1024xi32, #tpu.memory_space<hbm>>) target_semaphore(%arg10 : memref<!tpu.dma_semaphore, #tpu.memory_space<semaphore_mem>>)
    %dma_wait3A_193 = arith.constant 0 : i32
    %dma_wait3A_194 = tpu.memref_slice %arg5[%mul3A_152, %dma_wait3A_193] : memref<26000x1024xi32, #tpu.memory_space<hbm>> -> memref<48x1024xi32, #tpu.memory_space<hbm>>
    %dma_wait3A_195 = arith.constant 0 : i32
    %dma_wait3A_196 = tpu.memref_slice %arg5[%mul3A_152, %dma_wait3A_195] : memref<26000x1024xi32, #tpu.memory_space<hbm>> -> memref<48x1024xi32, #tpu.memory_space<hbm>>
    tpu.wait_dma2 semaphore(%arg11 : memref<!tpu.dma_semaphore, #tpu.memory_space<semaphore_mem>>) src(%arg9 : memref<48x1024xi32, #tpu.memory_space<vmem>>) dst(%dma_wait3A_196 : memref<48x1024xi32, #tpu.memory_space<hbm>>)
    %add3A_197 = arith.constant 18 : i32
    %add3A_198 = arith.addi %min3A_19, %add3A_197 : i32
    %mul3A_199 = arith.constant 8 : i32
    %mul3A_200 = arith.muli %add3A_198, %mul3A_199 : i32
    %mul3A_201 = arith.constant 1024 : i32
    %mul3A_202 = arith.muli %mul3A_200, %mul3A_201 : i32
    %add3A_203 = arith.constant 49152 : i32
    %add3A_204 = arith.addi %mul3A_202, %add3A_203 : i32
    %while3A_205 = scf.while (%while3A_633 = %max3A_112) : (i32) -> i32 {
      %mul3A_634 = arith.constant 16 : i32
      %mul3A_635 = arith.muli %while3A_633, %mul3A_634 : i32
      %get3A_636 = arith.index_cast %mul3A_635 : i32 to index
      %get3A_637 = tpu.vector_load %arg6[%get3A_636] {strides = array<i32>} : memref<26640xi32, #tpu.memory_space<vmem>>, vector<16xi32>,
      %slice3A = vector.extract_strided_slice %get3A_637 {offsets = [0], sizes = [1], strides = [1]} : vector<16xi32> to vector<1xi32>
      %squeeze3A = vector.extract %slice3A[0] : i32 from vector<1xi32>
      %lt3A = arith.cmpi slt, %squeeze3A, %add3A_204 : i32
      scf.condition(%lt3A) %while3A_633 : i32
    } do {
    ^bb0(%while3A_633: i32):
      %mul3A_634 = arith.constant 16 : i32
      %mul3A_635 = arith.muli %while3A_633, %mul3A_634 : i32
      %get3A_636 = arith.index_cast %mul3A_635 : i32 to index
      %get3A_637 = tpu.vector_load %arg6[%get3A_636] {strides = array<i32>} : memref<26640xi32, #tpu.memory_space<vmem>>, vector<16xi32>,
      %ge3A = vector.broadcast %mul3A_202 : i32 to vector<16xi32>
      %ge3A_638 = arith.cmpi sge, %get3A_637, %ge3A : vector<16xi32>
      %lt3A = vector.broadcast %add3A_204 : i32 to vector<16xi32>
      %lt3A_639 = arith.cmpi slt, %get3A_637, %lt3A : vector<16xi32>
      %and3A_640 = arith.andi %ge3A_638, %lt3A_639 : vector<16xi1>
      %shift_right_arithmetic3A_641 = arith.constant 10 : i32
      %shift_right_arithmetic3A_642 = vector.broadcast %shift_right_arithmetic3A_641 : i32 to vector<16xi32>
      %shift_right_arithmetic3A_643 = arith.shrsi %get3A_637, %shift_right_arithmetic3A_642 : vector<16xi32>
      %sub3A_644 = vector.broadcast %mul3A_200 : i32 to vector<16xi32>
      %sub3A_645 = arith.subi %shift_right_arithmetic3A_643, %sub3A_644 : vector<16xi32>
      %and3A_646 = arith.constant 1023 : i32
      %and3A_647 = vector.broadcast %and3A_646 : i32 to vector<16xi32>
      %and3A_648 = arith.andi %get3A_637, %and3A_647 : vector<16xi32>
      tpu.vector_store_idx %arg9[%sub3A_645, %and3A_648], %broadcast_in_dim3A_31 masked %and3A_640 : memref<48x1024xi32, #tpu.memory_space<vmem>>[vector<16xi32>, vector<16xi32>], vector<16xi32>, vector<16xi1>
      %add3A_649 = arith.constant 1 : i32
      %add3A_650 = arith.addi %while3A_633, %add3A_649 : i32
      scf.yield %add3A_650 : i32
    }
    %sub3A_206 = arith.constant 1 : i32
    %sub3A_207 = arith.subi %while3A_205, %sub3A_206 : i32
    %max3A_208 = arith.maxsi %sub3A_207, %max3A_112 : i32
    %add3A_209 = arith.constant 30 : i32
    %add3A_210 = arith.addi %min3A_19, %add3A_209 : i32
    %mul3A_211 = arith.constant 8 : i32
    %mul3A_212 = arith.muli %add3A_210, %mul3A_211 : i32
    %mul3A_213 = arith.constant 1024 : i32
    %mul3A_214 = arith.muli %mul3A_212, %mul3A_213 : i32
    %add3A_215 = arith.constant 49152 : i32
    %add3A_216 = arith.addi %mul3A_214, %add3A_215 : i32
    %while3A_217 = scf.while (%while3A_633 = %max3A_184) : (i32) -> i32 {
      %mul3A_634 = arith.constant 16 : i32
      %mul3A_635 = arith.muli %while3A_633, %mul3A_634 : i32
      %get3A_636 = arith.index_cast %mul3A_635 : i32 to index
      %get3A_637 = tpu.vector_load %arg6[%get3A_636] {strides = array<i32>} : memref<26640xi32, #tpu.memory_space<vmem>>, vector<16xi32>,
      %slice3A = vector.extract_strided_slice %get3A_637 {offsets = [0], sizes = [1], strides = [1]} : vector<16xi32> to vector<1xi32>
      %squeeze3A = vector.extract %slice3A[0] : i32 from vector<1xi32>
      %lt3A = arith.cmpi slt, %squeeze3A, %add3A_216 : i32
      scf.condition(%lt3A) %while3A_633 : i32
    } do {
    ^bb0(%while3A_633: i32):
      %mul3A_634 = arith.constant 16 : i32
      %mul3A_635 = arith.muli %while3A_633, %mul3A_634 : i32
      %get3A_636 = arith.index_cast %mul3A_635 : i32 to index
      %get3A_637 = tpu.vector_load %arg6[%get3A_636] {strides = array<i32>} : memref<26640xi32, #tpu.memory_space<vmem>>, vector<16xi32>,
      %ge3A = vector.broadcast %mul3A_214 : i32 to vector<16xi32>
      %ge3A_638 = arith.cmpi sge, %get3A_637, %ge3A : vector<16xi32>
      %lt3A = vector.broadcast %add3A_216 : i32 to vector<16xi32>
      %lt3A_639 = arith.cmpi slt, %get3A_637, %lt3A : vector<16xi32>
      %and3A_640 = arith.andi %ge3A_638, %lt3A_639 : vector<16xi1>
      %shift_right_arithmetic3A_641 = arith.constant 10 : i32
      %shift_right_arithmetic3A_642 = vector.broadcast %shift_right_arithmetic3A_641 : i32 to vector<16xi32>
      %shift_right_arithmetic3A_643 = arith.shrsi %get3A_637, %shift_right_arithmetic3A_642 : vector<16xi32>
      %sub3A_644 = vector.broadcast %mul3A_212 : i32 to vector<16xi32>
      %sub3A_645 = arith.subi %shift_right_arithmetic3A_643, %sub3A_644 : vector<16xi32>
      %and3A_646 = arith.constant 1023 : i32
      %and3A_647 = vector.broadcast %and3A_646 : i32 to vector<16xi32>
      %and3A_648 = arith.andi %get3A_637, %and3A_647 : vector<16xi32>
      tpu.vector_store_idx %arg9[%sub3A_645, %and3A_648], %broadcast_in_dim3A_29 masked %and3A_640 : memref<48x1024xi32, #tpu.memory_space<vmem>>[vector<16xi32>, vector<16xi32>], vector<16xi32>, vector<16xi1>
      %add3A_649 = arith.constant 1 : i32
      %add3A_650 = arith.addi %while3A_633, %add3A_649 : i32
      scf.yield %add3A_650 : i32
    }
    %sub3A_218 = arith.constant 1 : i32
    %sub3A_219 = arith.subi %while3A_217, %sub3A_218 : i32
    %max3A_220 = arith.maxsi %sub3A_219, %max3A_184 : i32
    %add3A_221 = arith.constant 30 : i32
    %add3A_222 = arith.addi %min3A_19, %add3A_221 : i32
    %mul3A_223 = arith.constant 8 : i32
    %mul3A_224 = arith.muli %add3A_222, %mul3A_223 : i32
    %dma_start3A_225 = arith.constant 0 : i32
    %dma_start3A_226 = tpu.memref_slice %arg5[%mul3A_224, %dma_start3A_225] : memref<26000x1024xi32, #tpu.memory_space<hbm>> -> memref<48x1024xi32, #tpu.memory_space<hbm>>
    %dma_start3A_227 = arith.constant 0 : i32
    %dma_start3A_228 = tpu.memref_slice %arg5[%mul3A_224, %dma_start3A_227] : memref<26000x1024xi32, #tpu.memory_space<hbm>> -> memref<48x1024xi32, #tpu.memory_space<hbm>>
    tpu.enqueue_dma source(%arg9 : memref<48x1024xi32, #tpu.memory_space<vmem>>) target(%dma_start3A_228 : memref<48x1024xi32, #tpu.memory_space<hbm>>) target_semaphore(%arg11 : memref<!tpu.dma_semaphore, #tpu.memory_space<semaphore_mem>>)
    %dma_wait3A_229 = arith.constant 0 : i32
    %dma_wait3A_230 = tpu.memref_slice %arg5[%mul3A_188, %dma_wait3A_229] : memref<26000x1024xi32, #tpu.memory_space<hbm>> -> memref<48x1024xi32, #tpu.memory_space<hbm>>
    %dma_wait3A_231 = arith.constant 0 : i32
    %dma_wait3A_232 = tpu.memref_slice %arg5[%mul3A_188, %dma_wait3A_231] : memref<26000x1024xi32, #tpu.memory_space<hbm>> -> memref<48x1024xi32, #tpu.memory_space<hbm>>
    tpu.wait_dma2 semaphore(%arg10 : memref<!tpu.dma_semaphore, #tpu.memory_space<semaphore_mem>>) src(%arg8 : memref<48x1024xi32, #tpu.memory_space<vmem>>) dst(%dma_wait3A_232 : memref<48x1024xi32, #tpu.memory_space<hbm>>)
    %add3A_233 = arith.constant 24 : i32
    %add3A_234 = arith.addi %min3A_19, %add3A_233 : i32
    %mul3A_235 = arith.constant 8 : i32
    %mul3A_236 = arith.muli %add3A_234, %mul3A_235 : i32
    %mul3A_237 = arith.constant 1024 : i32
    %mul3A_238 = arith.muli %mul3A_236, %mul3A_237 : i32
    %add3A_239 = arith.constant 49152 : i32
    %add3A_240 = arith.addi %mul3A_238, %add3A_239 : i32
    %while3A_241 = scf.while (%while3A_633 = %max3A_148) : (i32) -> i32 {
      %mul3A_634 = arith.constant 16 : i32
      %mul3A_635 = arith.muli %while3A_633, %mul3A_634 : i32
      %get3A_636 = arith.index_cast %mul3A_635 : i32 to index
      %get3A_637 = tpu.vector_load %arg6[%get3A_636] {strides = array<i32>} : memref<26640xi32, #tpu.memory_space<vmem>>, vector<16xi32>,
      %slice3A = vector.extract_strided_slice %get3A_637 {offsets = [0], sizes = [1], strides = [1]} : vector<16xi32> to vector<1xi32>
      %squeeze3A = vector.extract %slice3A[0] : i32 from vector<1xi32>
      %lt3A = arith.cmpi slt, %squeeze3A, %add3A_240 : i32
      scf.condition(%lt3A) %while3A_633 : i32
    } do {
    ^bb0(%while3A_633: i32):
      %mul3A_634 = arith.constant 16 : i32
      %mul3A_635 = arith.muli %while3A_633, %mul3A_634 : i32
      %get3A_636 = arith.index_cast %mul3A_635 : i32 to index
      %get3A_637 = tpu.vector_load %arg6[%get3A_636] {strides = array<i32>} : memref<26640xi32, #tpu.memory_space<vmem>>, vector<16xi32>,
      %ge3A = vector.broadcast %mul3A_238 : i32 to vector<16xi32>
      %ge3A_638 = arith.cmpi sge, %get3A_637, %ge3A : vector<16xi32>
      %lt3A = vector.broadcast %add3A_240 : i32 to vector<16xi32>
      %lt3A_639 = arith.cmpi slt, %get3A_637, %lt3A : vector<16xi32>
      %and3A_640 = arith.andi %ge3A_638, %lt3A_639 : vector<16xi1>
      %shift_right_arithmetic3A_641 = arith.constant 10 : i32
      %shift_right_arithmetic3A_642 = vector.broadcast %shift_right_arithmetic3A_641 : i32 to vector<16xi32>
      %shift_right_arithmetic3A_643 = arith.shrsi %get3A_637, %shift_right_arithmetic3A_642 : vector<16xi32>
      %sub3A_644 = vector.broadcast %mul3A_236 : i32 to vector<16xi32>
      %sub3A_645 = arith.subi %shift_right_arithmetic3A_643, %sub3A_644 : vector<16xi32>
      %and3A_646 = arith.constant 1023 : i32
      %and3A_647 = vector.broadcast %and3A_646 : i32 to vector<16xi32>
      %and3A_648 = arith.andi %get3A_637, %and3A_647 : vector<16xi32>
      tpu.vector_store_idx %arg8[%sub3A_645, %and3A_648], %broadcast_in_dim3A_31 masked %and3A_640 : memref<48x1024xi32, #tpu.memory_space<vmem>>[vector<16xi32>, vector<16xi32>], vector<16xi32>, vector<16xi1>
      %add3A_649 = arith.constant 1 : i32
      %add3A_650 = arith.addi %while3A_633, %add3A_649 : i32
      scf.yield %add3A_650 : i32
    }
    %sub3A_242 = arith.constant 1 : i32
    %sub3A_243 = arith.subi %while3A_241, %sub3A_242 : i32
    %max3A_244 = arith.maxsi %sub3A_243, %max3A_148 : i32
    %add3A_245 = arith.constant 36 : i32
    %add3A_246 = arith.addi %min3A_19, %add3A_245 : i32
    %mul3A_247 = arith.constant 8 : i32
    %mul3A_248 = arith.muli %add3A_246, %mul3A_247 : i32
    %mul3A_249 = arith.constant 1024 : i32
    %mul3A_250 = arith.muli %mul3A_248, %mul3A_249 : i32
    %add3A_251 = arith.constant 49152 : i32
    %add3A_252 = arith.addi %mul3A_250, %add3A_251 : i32
    %while3A_253 = scf.while (%while3A_633 = %max3A_220) : (i32) -> i32 {
      %mul3A_634 = arith.constant 16 : i32
      %mul3A_635 = arith.muli %while3A_633, %mul3A_634 : i32
      %get3A_636 = arith.index_cast %mul3A_635 : i32 to index
      %get3A_637 = tpu.vector_load %arg6[%get3A_636] {strides = array<i32>} : memref<26640xi32, #tpu.memory_space<vmem>>, vector<16xi32>,
      %slice3A = vector.extract_strided_slice %get3A_637 {offsets = [0], sizes = [1], strides = [1]} : vector<16xi32> to vector<1xi32>
      %squeeze3A = vector.extract %slice3A[0] : i32 from vector<1xi32>
      %lt3A = arith.cmpi slt, %squeeze3A, %add3A_252 : i32
      scf.condition(%lt3A) %while3A_633 : i32
    } do {
    ^bb0(%while3A_633: i32):
      %mul3A_634 = arith.constant 16 : i32
      %mul3A_635 = arith.muli %while3A_633, %mul3A_634 : i32
      %get3A_636 = arith.index_cast %mul3A_635 : i32 to index
      %get3A_637 = tpu.vector_load %arg6[%get3A_636] {strides = array<i32>} : memref<26640xi32, #tpu.memory_space<vmem>>, vector<16xi32>,
      %ge3A = vector.broadcast %mul3A_250 : i32 to vector<16xi32>
      %ge3A_638 = arith.cmpi sge, %get3A_637, %ge3A : vector<16xi32>
      %lt3A = vector.broadcast %add3A_252 : i32 to vector<16xi32>
      %lt3A_639 = arith.cmpi slt, %get3A_637, %lt3A : vector<16xi32>
      %and3A_640 = arith.andi %ge3A_638, %lt3A_639 : vector<16xi1>
      %shift_right_arithmetic3A_641 = arith.constant 10 : i32
      %shift_right_arithmetic3A_642 = vector.broadcast %shift_right_arithmetic3A_641 : i32 to vector<16xi32>
      %shift_right_arithmetic3A_643 = arith.shrsi %get3A_637, %shift_right_arithmetic3A_642 : vector<16xi32>
      %sub3A_644 = vector.broadcast %mul3A_248 : i32 to vector<16xi32>
      %sub3A_645 = arith.subi %shift_right_arithmetic3A_643, %sub3A_644 : vector<16xi32>
      %and3A_646 = arith.constant 1023 : i32
      %and3A_647 = vector.broadcast %and3A_646 : i32 to vector<16xi32>
      %and3A_648 = arith.andi %get3A_637, %and3A_647 : vector<16xi32>
      tpu.vector_store_idx %arg8[%sub3A_645, %and3A_648], %broadcast_in_dim3A_29 masked %and3A_640 : memref<48x1024xi32, #tpu.memory_space<vmem>>[vector<16xi32>, vector<16xi32>], vector<16xi32>, vector<16xi1>
      %add3A_649 = arith.constant 1 : i32
      %add3A_650 = arith.addi %while3A_633, %add3A_649 : i32
      scf.yield %add3A_650 : i32
    }
    %sub3A_254 = arith.constant 1 : i32
    %sub3A_255 = arith.subi %while3A_253, %sub3A_254 : i32
    %max3A_256 = arith.maxsi %sub3A_255, %max3A_220 : i32
    %add3A_257 = arith.constant 36 : i32
    %add3A_258 = arith.addi %min3A_19, %add3A_257 : i32
    %mul3A_259 = arith.constant 8 : i32
    %mul3A_260 = arith.muli %add3A_258, %mul3A_259 : i32
    %dma_start3A_261 = arith.constant 0 : i32
    %dma_start3A_262 = tpu.memref_slice %arg5[%mul3A_260, %dma_start3A_261] : memref<26000x1024xi32, #tpu.memory_space<hbm>> -> memref<48x1024xi32, #tpu.memory_space<hbm>>
    %dma_start3A_263 = arith.constant 0 : i32
    %dma_start3A_264 = tpu.memref_slice %arg5[%mul3A_260, %dma_start3A_263] : memref<26000x1024xi32, #tpu.memory_space<hbm>> -> memref<48x1024xi32, #tpu.memory_space<hbm>>
    tpu.enqueue_dma source(%arg8 : memref<48x1024xi32, #tpu.memory_space<vmem>>) target(%dma_start3A_264 : memref<48x1024xi32, #tpu.memory_space<hbm>>) target_semaphore(%arg10 : memref<!tpu.dma_semaphore, #tpu.memory_space<semaphore_mem>>)
    %dma_wait3A_265 = arith.constant 0 : i32
    %dma_wait3A_266 = tpu.memref_slice %arg5[%mul3A_224, %dma_wait3A_265] : memref<26000x1024xi32, #tpu.memory_space<hbm>> -> memref<48x1024xi32, #tpu.memory_space<hbm>>
    %dma_wait3A_267 = arith.constant 0 : i32
    %dma_wait3A_268 = tpu.memref_slice %arg5[%mul3A_224, %dma_wait3A_267] : memref<26000x1024xi32, #tpu.memory_space<hbm>> -> memref<48x1024xi32, #tpu.memory_space<hbm>>
    tpu.wait_dma2 semaphore(%arg11 : memref<!tpu.dma_semaphore, #tpu.memory_space<semaphore_mem>>) src(%arg9 : memref<48x1024xi32, #tpu.memory_space<vmem>>) dst(%dma_wait3A_268 : memref<48x1024xi32, #tpu.memory_space<hbm>>)
    %add3A_269 = arith.constant 30 : i32
    %add3A_270 = arith.addi %min3A_19, %add3A_269 : i32
    %mul3A_271 = arith.constant 8 : i32
    %mul3A_272 = arith.muli %add3A_270, %mul3A_271 : i32
    %mul3A_273 = arith.constant 1024 : i32
    %mul3A_274 = arith.muli %mul3A_272, %mul3A_273 : i32
    %add3A_275 = arith.constant 49152 : i32
    %add3A_276 = arith.addi %mul3A_274, %add3A_275 : i32
    %while3A_277 = scf.while (%while3A_633 = %max3A_184) : (i32) -> i32 {
      %mul3A_634 = arith.constant 16 : i32
      %mul3A_635 = arith.muli %while3A_633, %mul3A_634 : i32
      %get3A_636 = arith.index_cast %mul3A_635 : i32 to index
      %get3A_637 = tpu.vector_load %arg6[%get3A_636] {strides = array<i32>} : memref<26640xi32, #tpu.memory_space<vmem>>, vector<16xi32>,
      %slice3A = vector.extract_strided_slice %get3A_637 {offsets = [0], sizes = [1], strides = [1]} : vector<16xi32> to vector<1xi32>
      %squeeze3A = vector.extract %slice3A[0] : i32 from vector<1xi32>
      %lt3A = arith.cmpi slt, %squeeze3A, %add3A_276 : i32
      scf.condition(%lt3A) %while3A_633 : i32
    } do {
    ^bb0(%while3A_633: i32):
      %mul3A_634 = arith.constant 16 : i32
      %mul3A_635 = arith.muli %while3A_633, %mul3A_634 : i32
      %get3A_636 = arith.index_cast %mul3A_635 : i32 to index
      %get3A_637 = tpu.vector_load %arg6[%get3A_636] {strides = array<i32>} : memref<26640xi32, #tpu.memory_space<vmem>>, vector<16xi32>,
      %ge3A = vector.broadcast %mul3A_274 : i32 to vector<16xi32>
      %ge3A_638 = arith.cmpi sge, %get3A_637, %ge3A : vector<16xi32>
      %lt3A = vector.broadcast %add3A_276 : i32 to vector<16xi32>
      %lt3A_639 = arith.cmpi slt, %get3A_637, %lt3A : vector<16xi32>
      %and3A_640 = arith.andi %ge3A_638, %lt3A_639 : vector<16xi1>
      %shift_right_arithmetic3A_641 = arith.constant 10 : i32
      %shift_right_arithmetic3A_642 = vector.broadcast %shift_right_arithmetic3A_641 : i32 to vector<16xi32>
      %shift_right_arithmetic3A_643 = arith.shrsi %get3A_637, %shift_right_arithmetic3A_642 : vector<16xi32>
      %sub3A_644 = vector.broadcast %mul3A_272 : i32 to vector<16xi32>
      %sub3A_645 = arith.subi %shift_right_arithmetic3A_643, %sub3A_644 : vector<16xi32>
      %and3A_646 = arith.constant 1023 : i32
      %and3A_647 = vector.broadcast %and3A_646 : i32 to vector<16xi32>
      %and3A_648 = arith.andi %get3A_637, %and3A_647 : vector<16xi32>
      tpu.vector_store_idx %arg9[%sub3A_645, %and3A_648], %broadcast_in_dim3A_31 masked %and3A_640 : memref<48x1024xi32, #tpu.memory_space<vmem>>[vector<16xi32>, vector<16xi32>], vector<16xi32>, vector<16xi1>
      %add3A_649 = arith.constant 1 : i32
      %add3A_650 = arith.addi %while3A_633, %add3A_649 : i32
      scf.yield %add3A_650 : i32
    }
    %sub3A_278 = arith.constant 1 : i32
    %sub3A_279 = arith.subi %while3A_277, %sub3A_278 : i32
    %max3A_280 = arith.maxsi %sub3A_279, %max3A_184 : i32
    %add3A_281 = arith.constant 42 : i32
    %add3A_282 = arith.addi %min3A_19, %add3A_281 : i32
    %mul3A_283 = arith.constant 8 : i32
    %mul3A_284 = arith.muli %add3A_282, %mul3A_283 : i32
    %mul3A_285 = arith.constant 1024 : i32
    %mul3A_286 = arith.muli %mul3A_284, %mul3A_285 : i32
    %add3A_287 = arith.constant 49152 : i32
    %add3A_288 = arith.addi %mul3A_286, %add3A_287 : i32
    %while3A_289 = scf.while (%while3A_633 = %max3A_256) : (i32) -> i32 {
      %mul3A_634 = arith.constant 16 : i32
      %mul3A_635 = arith.muli %while3A_633, %mul3A_634 : i32
      %get3A_636 = arith.index_cast %mul3A_635 : i32 to index
      %get3A_637 = tpu.vector_load %arg6[%get3A_636] {strides = array<i32>} : memref<26640xi32, #tpu.memory_space<vmem>>, vector<16xi32>,
      %slice3A = vector.extract_strided_slice %get3A_637 {offsets = [0], sizes = [1], strides = [1]} : vector<16xi32> to vector<1xi32>
      %squeeze3A = vector.extract %slice3A[0] : i32 from vector<1xi32>
      %lt3A = arith.cmpi slt, %squeeze3A, %add3A_288 : i32
      scf.condition(%lt3A) %while3A_633 : i32
    } do {
    ^bb0(%while3A_633: i32):
      %mul3A_634 = arith.constant 16 : i32
      %mul3A_635 = arith.muli %while3A_633, %mul3A_634 : i32
      %get3A_636 = arith.index_cast %mul3A_635 : i32 to index
      %get3A_637 = tpu.vector_load %arg6[%get3A_636] {strides = array<i32>} : memref<26640xi32, #tpu.memory_space<vmem>>, vector<16xi32>,
      %ge3A = vector.broadcast %mul3A_286 : i32 to vector<16xi32>
      %ge3A_638 = arith.cmpi sge, %get3A_637, %ge3A : vector<16xi32>
      %lt3A = vector.broadcast %add3A_288 : i32 to vector<16xi32>
      %lt3A_639 = arith.cmpi slt, %get3A_637, %lt3A : vector<16xi32>
      %and3A_640 = arith.andi %ge3A_638, %lt3A_639 : vector<16xi1>
      %shift_right_arithmetic3A_641 = arith.constant 10 : i32
      %shift_right_arithmetic3A_642 = vector.broadcast %shift_right_arithmetic3A_641 : i32 to vector<16xi32>
      %shift_right_arithmetic3A_643 = arith.shrsi %get3A_637, %shift_right_arithmetic3A_642 : vector<16xi32>
      %sub3A_644 = vector.broadcast %mul3A_284 : i32 to vector<16xi32>
      %sub3A_645 = arith.subi %shift_right_arithmetic3A_643, %sub3A_644 : vector<16xi32>
      %and3A_646 = arith.constant 1023 : i32
      %and3A_647 = vector.broadcast %and3A_646 : i32 to vector<16xi32>
      %and3A_648 = arith.andi %get3A_637, %and3A_647 : vector<16xi32>
      tpu.vector_store_idx %arg9[%sub3A_645, %and3A_648], %broadcast_in_dim3A_29 masked %and3A_640 : memref<48x1024xi32, #tpu.memory_space<vmem>>[vector<16xi32>, vector<16xi32>], vector<16xi32>, vector<16xi1>
      %add3A_649 = arith.constant 1 : i32
      %add3A_650 = arith.addi %while3A_633, %add3A_649 : i32
      scf.yield %add3A_650 : i32
    }
    %sub3A_290 = arith.constant 1 : i32
    %sub3A_291 = arith.subi %while3A_289, %sub3A_290 : i32
    %max3A_292 = arith.maxsi %sub3A_291, %max3A_256 : i32
    %add3A_293 = arith.constant 42 : i32
    %add3A_294 = arith.addi %min3A_19, %add3A_293 : i32
    %mul3A_295 = arith.constant 8 : i32
    %mul3A_296 = arith.muli %add3A_294, %mul3A_295 : i32
    %dma_start3A_297 = arith.constant 0 : i32
    %dma_start3A_298 = tpu.memref_slice %arg5[%mul3A_296, %dma_start3A_297] : memref<26000x1024xi32, #tpu.memory_space<hbm>> -> memref<48x1024xi32, #tpu.memory_space<hbm>>
    %dma_start3A_299 = arith.constant 0 : i32
    %dma_start3A_300 = tpu.memref_slice %arg5[%mul3A_296, %dma_start3A_299] : memref<26000x1024xi32, #tpu.memory_space<hbm>> -> memref<48x1024xi32, #tpu.memory_space<hbm>>
    tpu.enqueue_dma source(%arg9 : memref<48x1024xi32, #tpu.memory_space<vmem>>) target(%dma_start3A_300 : memref<48x1024xi32, #tpu.memory_space<hbm>>) target_semaphore(%arg11 : memref<!tpu.dma_semaphore, #tpu.memory_space<semaphore_mem>>)
    %dma_wait3A_301 = arith.constant 0 : i32
    %dma_wait3A_302 = tpu.memref_slice %arg5[%mul3A_260, %dma_wait3A_301] : memref<26000x1024xi32, #tpu.memory_space<hbm>> -> memref<48x1024xi32, #tpu.memory_space<hbm>>
    %dma_wait3A_303 = arith.constant 0 : i32
    %dma_wait3A_304 = tpu.memref_slice %arg5[%mul3A_260, %dma_wait3A_303] : memref<26000x1024xi32, #tpu.memory_space<hbm>> -> memref<48x1024xi32, #tpu.memory_space<hbm>>
    tpu.wait_dma2 semaphore(%arg10 : memref<!tpu.dma_semaphore, #tpu.memory_space<semaphore_mem>>) src(%arg8 : memref<48x1024xi32, #tpu.memory_space<vmem>>) dst(%dma_wait3A_304 : memref<48x1024xi32, #tpu.memory_space<hbm>>)
    %add3A_305 = arith.constant 36 : i32
    %add3A_306 = arith.addi %min3A_19, %add3A_305 : i32
    %mul3A_307 = arith.constant 8 : i32
    %mul3A_308 = arith.muli %add3A_306, %mul3A_307 : i32
    %mul3A_309 = arith.constant 1024 : i32
    %mul3A_310 = arith.muli %mul3A_308, %mul3A_309 : i32
    %add3A_311 = arith.constant 49152 : i32
    %add3A_312 = arith.addi %mul3A_310, %add3A_311 : i32
    %while3A_313 = scf.while (%while3A_633 = %max3A_220) : (i32) -> i32 {
      %mul3A_634 = arith.constant 16 : i32
      %mul3A_635 = arith.muli %while3A_633, %mul3A_634 : i32
      %get3A_636 = arith.index_cast %mul3A_635 : i32 to index
      %get3A_637 = tpu.vector_load %arg6[%get3A_636] {strides = array<i32>} : memref<26640xi32, #tpu.memory_space<vmem>>, vector<16xi32>,
      %slice3A = vector.extract_strided_slice %get3A_637 {offsets = [0], sizes = [1], strides = [1]} : vector<16xi32> to vector<1xi32>
      %squeeze3A = vector.extract %slice3A[0] : i32 from vector<1xi32>
      %lt3A = arith.cmpi slt, %squeeze3A, %add3A_312 : i32
      scf.condition(%lt3A) %while3A_633 : i32
    } do {
    ^bb0(%while3A_633: i32):
      %mul3A_634 = arith.constant 16 : i32
      %mul3A_635 = arith.muli %while3A_633, %mul3A_634 : i32
      %get3A_636 = arith.index_cast %mul3A_635 : i32 to index
      %get3A_637 = tpu.vector_load %arg6[%get3A_636] {strides = array<i32>} : memref<26640xi32, #tpu.memory_space<vmem>>, vector<16xi32>,
      %ge3A = vector.broadcast %mul3A_310 : i32 to vector<16xi32>
      %ge3A_638 = arith.cmpi sge, %get3A_637, %ge3A : vector<16xi32>
      %lt3A = vector.broadcast %add3A_312 : i32 to vector<16xi32>
      %lt3A_639 = arith.cmpi slt, %get3A_637, %lt3A : vector<16xi32>
      %and3A_640 = arith.andi %ge3A_638, %lt3A_639 : vector<16xi1>
      %shift_right_arithmetic3A_641 = arith.constant 10 : i32
      %shift_right_arithmetic3A_642 = vector.broadcast %shift_right_arithmetic3A_641 : i32 to vector<16xi32>
      %shift_right_arithmetic3A_643 = arith.shrsi %get3A_637, %shift_right_arithmetic3A_642 : vector<16xi32>
      %sub3A_644 = vector.broadcast %mul3A_308 : i32 to vector<16xi32>
      %sub3A_645 = arith.subi %shift_right_arithmetic3A_643, %sub3A_644 : vector<16xi32>
      %and3A_646 = arith.constant 1023 : i32
      %and3A_647 = vector.broadcast %and3A_646 : i32 to vector<16xi32>
      %and3A_648 = arith.andi %get3A_637, %and3A_647 : vector<16xi32>
      tpu.vector_store_idx %arg8[%sub3A_645, %and3A_648], %broadcast_in_dim3A_31 masked %and3A_640 : memref<48x1024xi32, #tpu.memory_space<vmem>>[vector<16xi32>, vector<16xi32>], vector<16xi32>, vector<16xi1>
      %add3A_649 = arith.constant 1 : i32
      %add3A_650 = arith.addi %while3A_633, %add3A_649 : i32
      scf.yield %add3A_650 : i32
    }
    %sub3A_314 = arith.constant 1 : i32
    %sub3A_315 = arith.subi %while3A_313, %sub3A_314 : i32
    %max3A_316 = arith.maxsi %sub3A_315, %max3A_220 : i32
    %add3A_317 = arith.constant 48 : i32
    %add3A_318 = arith.addi %min3A_19, %add3A_317 : i32
    %mul3A_319 = arith.constant 8 : i32
    %mul3A_320 = arith.muli %add3A_318, %mul3A_319 : i32
    %mul3A_321 = arith.constant 1024 : i32
    %mul3A_322 = arith.muli %mul3A_320, %mul3A_321 : i32
    %add3A_323 = arith.constant 49152 : i32
    %add3A_324 = arith.addi %mul3A_322, %add3A_323 : i32
    %while3A_325 = scf.while (%while3A_633 = %max3A_292) : (i32) -> i32 {
      %mul3A_634 = arith.constant 16 : i32
      %mul3A_635 = arith.muli %while3A_633, %mul3A_634 : i32
      %get3A_636 = arith.index_cast %mul3A_635 : i32 to index
      %get3A_637 = tpu.vector_load %arg6[%get3A_636] {strides = array<i32>} : memref<26640xi32, #tpu.memory_space<vmem>>, vector<16xi32>,
      %slice3A = vector.extract_strided_slice %get3A_637 {offsets = [0], sizes = [1], strides = [1]} : vector<16xi32> to vector<1xi32>
      %squeeze3A = vector.extract %slice3A[0] : i32 from vector<1xi32>
      %lt3A = arith.cmpi slt, %squeeze3A, %add3A_324 : i32
      scf.condition(%lt3A) %while3A_633 : i32
    } do {
    ^bb0(%while3A_633: i32):
      %mul3A_634 = arith.constant 16 : i32
      %mul3A_635 = arith.muli %while3A_633, %mul3A_634 : i32
      %get3A_636 = arith.index_cast %mul3A_635 : i32 to index
      %get3A_637 = tpu.vector_load %arg6[%get3A_636] {strides = array<i32>} : memref<26640xi32, #tpu.memory_space<vmem>>, vector<16xi32>,
      %ge3A = vector.broadcast %mul3A_322 : i32 to vector<16xi32>
      %ge3A_638 = arith.cmpi sge, %get3A_637, %ge3A : vector<16xi32>
      %lt3A = vector.broadcast %add3A_324 : i32 to vector<16xi32>
      %lt3A_639 = arith.cmpi slt, %get3A_637, %lt3A : vector<16xi32>
      %and3A_640 = arith.andi %ge3A_638, %lt3A_639 : vector<16xi1>
      %shift_right_arithmetic3A_641 = arith.constant 10 : i32
      %shift_right_arithmetic3A_642 = vector.broadcast %shift_right_arithmetic3A_641 : i32 to vector<16xi32>
      %shift_right_arithmetic3A_643 = arith.shrsi %get3A_637, %shift_right_arithmetic3A_642 : vector<16xi32>
      %sub3A_644 = vector.broadcast %mul3A_320 : i32 to vector<16xi32>
      %sub3A_645 = arith.subi %shift_right_arithmetic3A_643, %sub3A_644 : vector<16xi32>
      %and3A_646 = arith.constant 1023 : i32
      %and3A_647 = vector.broadcast %and3A_646 : i32 to vector<16xi32>
      %and3A_648 = arith.andi %get3A_637, %and3A_647 : vector<16xi32>
      tpu.vector_store_idx %arg8[%sub3A_645, %and3A_648], %broadcast_in_dim3A_29 masked %and3A_640 : memref<48x1024xi32, #tpu.memory_space<vmem>>[vector<16xi32>, vector<16xi32>], vector<16xi32>, vector<16xi1>
      %add3A_649 = arith.constant 1 : i32
      %add3A_650 = arith.addi %while3A_633, %add3A_649 : i32
      scf.yield %add3A_650 : i32
    }
    %sub3A_326 = arith.constant 1 : i32
    %sub3A_327 = arith.subi %while3A_325, %sub3A_326 : i32
    %max3A_328 = arith.maxsi %sub3A_327, %max3A_292 : i32
    %add3A_329 = arith.constant 48 : i32
    %add3A_330 = arith.addi %min3A_19, %add3A_329 : i32
    %mul3A_331 = arith.constant 8 : i32
    %mul3A_332 = arith.muli %add3A_330, %mul3A_331 : i32
    %dma_start3A_333 = arith.constant 0 : i32
    %dma_start3A_334 = tpu.memref_slice %arg5[%mul3A_332, %dma_start3A_333] : memref<26000x1024xi32, #tpu.memory_space<hbm>> -> memref<48x1024xi32, #tpu.memory_space<hbm>>
    %dma_start3A_335 = arith.constant 0 : i32
    %dma_start3A_336 = tpu.memref_slice %arg5[%mul3A_332, %dma_start3A_335] : memref<26000x1024xi32, #tpu.memory_space<hbm>> -> memref<48x1024xi32, #tpu.memory_space<hbm>>
    tpu.enqueue_dma source(%arg8 : memref<48x1024xi32, #tpu.memory_space<vmem>>) target(%dma_start3A_336 : memref<48x1024xi32, #tpu.memory_space<hbm>>) target_semaphore(%arg10 : memref<!tpu.dma_semaphore, #tpu.memory_space<semaphore_mem>>)
    %dma_wait3A_337 = arith.constant 0 : i32
    %dma_wait3A_338 = tpu.memref_slice %arg5[%mul3A_296, %dma_wait3A_337] : memref<26000x1024xi32, #tpu.memory_space<hbm>> -> memref<48x1024xi32, #tpu.memory_space<hbm>>
    %dma_wait3A_339 = arith.constant 0 : i32
    %dma_wait3A_340 = tpu.memref_slice %arg5[%mul3A_296, %dma_wait3A_339] : memref<26000x1024xi32, #tpu.memory_space<hbm>> -> memref<48x1024xi32, #tpu.memory_space<hbm>>
    tpu.wait_dma2 semaphore(%arg11 : memref<!tpu.dma_semaphore, #tpu.memory_space<semaphore_mem>>) src(%arg9 : memref<48x1024xi32, #tpu.memory_space<vmem>>) dst(%dma_wait3A_340 : memref<48x1024xi32, #tpu.memory_space<hbm>>)
    %add3A_341 = arith.constant 42 : i32
    %add3A_342 = arith.addi %min3A_19, %add3A_341 : i32
    %mul3A_343 = arith.constant 8 : i32
    %mul3A_344 = arith.muli %add3A_342, %mul3A_343 : i32
    %mul3A_345 = arith.constant 1024 : i32
    %mul3A_346 = arith.muli %mul3A_344, %mul3A_345 : i32
    %add3A_347 = arith.constant 49152 : i32
    %add3A_348 = arith.addi %mul3A_346, %add3A_347 : i32
    %while3A_349 = scf.while (%while3A_633 = %max3A_256) : (i32) -> i32 {
      %mul3A_634 = arith.constant 16 : i32
      %mul3A_635 = arith.muli %while3A_633, %mul3A_634 : i32
      %get3A_636 = arith.index_cast %mul3A_635 : i32 to index
      %get3A_637 = tpu.vector_load %arg6[%get3A_636] {strides = array<i32>} : memref<26640xi32, #tpu.memory_space<vmem>>, vector<16xi32>,
      %slice3A = vector.extract_strided_slice %get3A_637 {offsets = [0], sizes = [1], strides = [1]} : vector<16xi32> to vector<1xi32>
      %squeeze3A = vector.extract %slice3A[0] : i32 from vector<1xi32>
      %lt3A = arith.cmpi slt, %squeeze3A, %add3A_348 : i32
      scf.condition(%lt3A) %while3A_633 : i32
    } do {
    ^bb0(%while3A_633: i32):
      %mul3A_634 = arith.constant 16 : i32
      %mul3A_635 = arith.muli %while3A_633, %mul3A_634 : i32
      %get3A_636 = arith.index_cast %mul3A_635 : i32 to index
      %get3A_637 = tpu.vector_load %arg6[%get3A_636] {strides = array<i32>} : memref<26640xi32, #tpu.memory_space<vmem>>, vector<16xi32>,
      %ge3A = vector.broadcast %mul3A_346 : i32 to vector<16xi32>
      %ge3A_638 = arith.cmpi sge, %get3A_637, %ge3A : vector<16xi32>
      %lt3A = vector.broadcast %add3A_348 : i32 to vector<16xi32>
      %lt3A_639 = arith.cmpi slt, %get3A_637, %lt3A : vector<16xi32>
      %and3A_640 = arith.andi %ge3A_638, %lt3A_639 : vector<16xi1>
      %shift_right_arithmetic3A_641 = arith.constant 10 : i32
      %shift_right_arithmetic3A_642 = vector.broadcast %shift_right_arithmetic3A_641 : i32 to vector<16xi32>
      %shift_right_arithmetic3A_643 = arith.shrsi %get3A_637, %shift_right_arithmetic3A_642 : vector<16xi32>
      %sub3A_644 = vector.broadcast %mul3A_344 : i32 to vector<16xi32>
      %sub3A_645 = arith.subi %shift_right_arithmetic3A_643, %sub3A_644 : vector<16xi32>
      %and3A_646 = arith.constant 1023 : i32
      %and3A_647 = vector.broadcast %and3A_646 : i32 to vector<16xi32>
      %and3A_648 = arith.andi %get3A_637, %and3A_647 : vector<16xi32>
      tpu.vector_store_idx %arg9[%sub3A_645, %and3A_648], %broadcast_in_dim3A_31 masked %and3A_640 : memref<48x1024xi32, #tpu.memory_space<vmem>>[vector<16xi32>, vector<16xi32>], vector<16xi32>, vector<16xi1>
      %add3A_649 = arith.constant 1 : i32
      %add3A_650 = arith.addi %while3A_633, %add3A_649 : i32
      scf.yield %add3A_650 : i32
    }
    %sub3A_350 = arith.constant 1 : i32
    %sub3A_351 = arith.subi %while3A_349, %sub3A_350 : i32
    %max3A_352 = arith.maxsi %sub3A_351, %max3A_256 : i32
    %add3A_353 = arith.constant 54 : i32
    %add3A_354 = arith.addi %min3A_19, %add3A_353 : i32
    %mul3A_355 = arith.constant 8 : i32
    %mul3A_356 = arith.muli %add3A_354, %mul3A_355 : i32
    %mul3A_357 = arith.constant 1024 : i32
    %mul3A_358 = arith.muli %mul3A_356, %mul3A_357 : i32
    %add3A_359 = arith.constant 49152 : i32
    %add3A_360 = arith.addi %mul3A_358, %add3A_359 : i32
    %while3A_361 = scf.while (%while3A_633 = %max3A_328) : (i32) -> i32 {
      %mul3A_634 = arith.constant 16 : i32
      %mul3A_635 = arith.muli %while3A_633, %mul3A_634 : i32
      %get3A_636 = arith.index_cast %mul3A_635 : i32 to index
      %get3A_637 = tpu.vector_load %arg6[%get3A_636] {strides = array<i32>} : memref<26640xi32, #tpu.memory_space<vmem>>, vector<16xi32>,
      %slice3A = vector.extract_strided_slice %get3A_637 {offsets = [0], sizes = [1], strides = [1]} : vector<16xi32> to vector<1xi32>
      %squeeze3A = vector.extract %slice3A[0] : i32 from vector<1xi32>
      %lt3A = arith.cmpi slt, %squeeze3A, %add3A_360 : i32
      scf.condition(%lt3A) %while3A_633 : i32
    } do {
    ^bb0(%while3A_633: i32):
      %mul3A_634 = arith.constant 16 : i32
      %mul3A_635 = arith.muli %while3A_633, %mul3A_634 : i32
      %get3A_636 = arith.index_cast %mul3A_635 : i32 to index
      %get3A_637 = tpu.vector_load %arg6[%get3A_636] {strides = array<i32>} : memref<26640xi32, #tpu.memory_space<vmem>>, vector<16xi32>,
      %ge3A = vector.broadcast %mul3A_358 : i32 to vector<16xi32>
      %ge3A_638 = arith.cmpi sge, %get3A_637, %ge3A : vector<16xi32>
      %lt3A = vector.broadcast %add3A_360 : i32 to vector<16xi32>
      %lt3A_639 = arith.cmpi slt, %get3A_637, %lt3A : vector<16xi32>
      %and3A_640 = arith.andi %ge3A_638, %lt3A_639 : vector<16xi1>
      %shift_right_arithmetic3A_641 = arith.constant 10 : i32
      %shift_right_arithmetic3A_642 = vector.broadcast %shift_right_arithmetic3A_641 : i32 to vector<16xi32>
      %shift_right_arithmetic3A_643 = arith.shrsi %get3A_637, %shift_right_arithmetic3A_642 : vector<16xi32>
      %sub3A_644 = vector.broadcast %mul3A_356 : i32 to vector<16xi32>
      %sub3A_645 = arith.subi %shift_right_arithmetic3A_643, %sub3A_644 : vector<16xi32>
      %and3A_646 = arith.constant 1023 : i32
      %and3A_647 = vector.broadcast %and3A_646 : i32 to vector<16xi32>
      %and3A_648 = arith.andi %get3A_637, %and3A_647 : vector<16xi32>
      tpu.vector_store_idx %arg9[%sub3A_645, %and3A_648], %broadcast_in_dim3A_29 masked %and3A_640 : memref<48x1024xi32, #tpu.memory_space<vmem>>[vector<16xi32>, vector<16xi32>], vector<16xi32>, vector<16xi1>
      %add3A_649 = arith.constant 1 : i32
      %add3A_650 = arith.addi %while3A_633, %add3A_649 : i32
      scf.yield %add3A_650 : i32
    }
    %sub3A_362 = arith.constant 1 : i32
    %sub3A_363 = arith.subi %while3A_361, %sub3A_362 : i32
    %max3A_364 = arith.maxsi %sub3A_363, %max3A_328 : i32
    %add3A_365 = arith.constant 54 : i32
    %add3A_366 = arith.addi %min3A_19, %add3A_365 : i32
    %mul3A_367 = arith.constant 8 : i32
    %mul3A_368 = arith.muli %add3A_366, %mul3A_367 : i32
    %dma_start3A_369 = arith.constant 0 : i32
    %dma_start3A_370 = tpu.memref_slice %arg5[%mul3A_368, %dma_start3A_369] : memref<26000x1024xi32, #tpu.memory_space<hbm>> -> memref<48x1024xi32, #tpu.memory_space<hbm>>
    %dma_start3A_371 = arith.constant 0 : i32
    %dma_start3A_372 = tpu.memref_slice %arg5[%mul3A_368, %dma_start3A_371] : memref<26000x1024xi32, #tpu.memory_space<hbm>> -> memref<48x1024xi32, #tpu.memory_space<hbm>>
    tpu.enqueue_dma source(%arg9 : memref<48x1024xi32, #tpu.memory_space<vmem>>) target(%dma_start3A_372 : memref<48x1024xi32, #tpu.memory_space<hbm>>) target_semaphore(%arg11 : memref<!tpu.dma_semaphore, #tpu.memory_space<semaphore_mem>>)
    %dma_wait3A_373 = arith.constant 0 : i32
    %dma_wait3A_374 = tpu.memref_slice %arg5[%mul3A_332, %dma_wait3A_373] : memref<26000x1024xi32, #tpu.memory_space<hbm>> -> memref<48x1024xi32, #tpu.memory_space<hbm>>
    %dma_wait3A_375 = arith.constant 0 : i32
    %dma_wait3A_376 = tpu.memref_slice %arg5[%mul3A_332, %dma_wait3A_375] : memref<26000x1024xi32, #tpu.memory_space<hbm>> -> memref<48x1024xi32, #tpu.memory_space<hbm>>
    tpu.wait_dma2 semaphore(%arg10 : memref<!tpu.dma_semaphore, #tpu.memory_space<semaphore_mem>>) src(%arg8 : memref<48x1024xi32, #tpu.memory_space<vmem>>) dst(%dma_wait3A_376 : memref<48x1024xi32, #tpu.memory_space<hbm>>)
    %add3A_377 = arith.constant 48 : i32
    %add3A_378 = arith.addi %min3A_19, %add3A_377 : i32
    %mul3A_379 = arith.constant 8 : i32
    %mul3A_380 = arith.muli %add3A_378, %mul3A_379 : i32
    %mul3A_381 = arith.constant 1024 : i32
    %mul3A_382 = arith.muli %mul3A_380, %mul3A_381 : i32
    %add3A_383 = arith.constant 49152 : i32
    %add3A_384 = arith.addi %mul3A_382, %add3A_383 : i32
    %while3A_385 = scf.while (%while3A_633 = %max3A_292) : (i32) -> i32 {
      %mul3A_634 = arith.constant 16 : i32
      %mul3A_635 = arith.muli %while3A_633, %mul3A_634 : i32
      %get3A_636 = arith.index_cast %mul3A_635 : i32 to index
      %get3A_637 = tpu.vector_load %arg6[%get3A_636] {strides = array<i32>} : memref<26640xi32, #tpu.memory_space<vmem>>, vector<16xi32>,
      %slice3A = vector.extract_strided_slice %get3A_637 {offsets = [0], sizes = [1], strides = [1]} : vector<16xi32> to vector<1xi32>
      %squeeze3A = vector.extract %slice3A[0] : i32 from vector<1xi32>
      %lt3A = arith.cmpi slt, %squeeze3A, %add3A_384 : i32
      scf.condition(%lt3A) %while3A_633 : i32
    } do {
    ^bb0(%while3A_633: i32):
      %mul3A_634 = arith.constant 16 : i32
      %mul3A_635 = arith.muli %while3A_633, %mul3A_634 : i32
      %get3A_636 = arith.index_cast %mul3A_635 : i32 to index
      %get3A_637 = tpu.vector_load %arg6[%get3A_636] {strides = array<i32>} : memref<26640xi32, #tpu.memory_space<vmem>>, vector<16xi32>,
      %ge3A = vector.broadcast %mul3A_382 : i32 to vector<16xi32>
      %ge3A_638 = arith.cmpi sge, %get3A_637, %ge3A : vector<16xi32>
      %lt3A = vector.broadcast %add3A_384 : i32 to vector<16xi32>
      %lt3A_639 = arith.cmpi slt, %get3A_637, %lt3A : vector<16xi32>
      %and3A_640 = arith.andi %ge3A_638, %lt3A_639 : vector<16xi1>
      %shift_right_arithmetic3A_641 = arith.constant 10 : i32
      %shift_right_arithmetic3A_642 = vector.broadcast %shift_right_arithmetic3A_641 : i32 to vector<16xi32>
      %shift_right_arithmetic3A_643 = arith.shrsi %get3A_637, %shift_right_arithmetic3A_642 : vector<16xi32>
      %sub3A_644 = vector.broadcast %mul3A_380 : i32 to vector<16xi32>
      %sub3A_645 = arith.subi %shift_right_arithmetic3A_643, %sub3A_644 : vector<16xi32>
      %and3A_646 = arith.constant 1023 : i32
      %and3A_647 = vector.broadcast %and3A_646 : i32 to vector<16xi32>
      %and3A_648 = arith.andi %get3A_637, %and3A_647 : vector<16xi32>
      tpu.vector_store_idx %arg8[%sub3A_645, %and3A_648], %broadcast_in_dim3A_31 masked %and3A_640 : memref<48x1024xi32, #tpu.memory_space<vmem>>[vector<16xi32>, vector<16xi32>], vector<16xi32>, vector<16xi1>
      %add3A_649 = arith.constant 1 : i32
      %add3A_650 = arith.addi %while3A_633, %add3A_649 : i32
      scf.yield %add3A_650 : i32
    }
    %sub3A_386 = arith.constant 1 : i32
    %sub3A_387 = arith.subi %while3A_385, %sub3A_386 : i32
    %max3A_388 = arith.maxsi %sub3A_387, %max3A_292 : i32
    %add3A_389 = arith.constant 60 : i32
    %add3A_390 = arith.addi %min3A_19, %add3A_389 : i32
    %mul3A_391 = arith.constant 8 : i32
    %mul3A_392 = arith.muli %add3A_390, %mul3A_391 : i32
    %mul3A_393 = arith.constant 1024 : i32
    %mul3A_394 = arith.muli %mul3A_392, %mul3A_393 : i32
    %add3A_395 = arith.constant 49152 : i32
    %add3A_396 = arith.addi %mul3A_394, %add3A_395 : i32
    %while3A_397 = scf.while (%while3A_633 = %max3A_364) : (i32) -> i32 {
      %mul3A_634 = arith.constant 16 : i32
      %mul3A_635 = arith.muli %while3A_633, %mul3A_634 : i32
      %get3A_636 = arith.index_cast %mul3A_635 : i32 to index
      %get3A_637 = tpu.vector_load %arg6[%get3A_636] {strides = array<i32>} : memref<26640xi32, #tpu.memory_space<vmem>>, vector<16xi32>,
      %slice3A = vector.extract_strided_slice %get3A_637 {offsets = [0], sizes = [1], strides = [1]} : vector<16xi32> to vector<1xi32>
      %squeeze3A = vector.extract %slice3A[0] : i32 from vector<1xi32>
      %lt3A = arith.cmpi slt, %squeeze3A, %add3A_396 : i32
      scf.condition(%lt3A) %while3A_633 : i32
    } do {
    ^bb0(%while3A_633: i32):
      %mul3A_634 = arith.constant 16 : i32
      %mul3A_635 = arith.muli %while3A_633, %mul3A_634 : i32
      %get3A_636 = arith.index_cast %mul3A_635 : i32 to index
      %get3A_637 = tpu.vector_load %arg6[%get3A_636] {strides = array<i32>} : memref<26640xi32, #tpu.memory_space<vmem>>, vector<16xi32>,
      %ge3A = vector.broadcast %mul3A_394 : i32 to vector<16xi32>
      %ge3A_638 = arith.cmpi sge, %get3A_637, %ge3A : vector<16xi32>
      %lt3A = vector.broadcast %add3A_396 : i32 to vector<16xi32>
      %lt3A_639 = arith.cmpi slt, %get3A_637, %lt3A : vector<16xi32>
      %and3A_640 = arith.andi %ge3A_638, %lt3A_639 : vector<16xi1>
      %shift_right_arithmetic3A_641 = arith.constant 10 : i32
      %shift_right_arithmetic3A_642 = vector.broadcast %shift_right_arithmetic3A_641 : i32 to vector<16xi32>
      %shift_right_arithmetic3A_643 = arith.shrsi %get3A_637, %shift_right_arithmetic3A_642 : vector<16xi32>
      %sub3A_644 = vector.broadcast %mul3A_392 : i32 to vector<16xi32>
      %sub3A_645 = arith.subi %shift_right_arithmetic3A_643, %sub3A_644 : vector<16xi32>
      %and3A_646 = arith.constant 1023 : i32
      %and3A_647 = vector.broadcast %and3A_646 : i32 to vector<16xi32>
      %and3A_648 = arith.andi %get3A_637, %and3A_647 : vector<16xi32>
      tpu.vector_store_idx %arg8[%sub3A_645, %and3A_648], %broadcast_in_dim3A_29 masked %and3A_640 : memref<48x1024xi32, #tpu.memory_space<vmem>>[vector<16xi32>, vector<16xi32>], vector<16xi32>, vector<16xi1>
      %add3A_649 = arith.constant 1 : i32
      %add3A_650 = arith.addi %while3A_633, %add3A_649 : i32
      scf.yield %add3A_650 : i32
    }
    %sub3A_398 = arith.constant 1 : i32
    %sub3A_399 = arith.subi %while3A_397, %sub3A_398 : i32
    %max3A_400 = arith.maxsi %sub3A_399, %max3A_364 : i32
    %add3A_401 = arith.constant 60 : i32
    %add3A_402 = arith.addi %min3A_19, %add3A_401 : i32
    %mul3A_403 = arith.constant 8 : i32
    %mul3A_404 = arith.muli %add3A_402, %mul3A_403 : i32
    %dma_start3A_405 = arith.constant 0 : i32
    %dma_start3A_406 = tpu.memref_slice %arg5[%mul3A_404, %dma_start3A_405] : memref<26000x1024xi32, #tpu.memory_space<hbm>> -> memref<48x1024xi32, #tpu.memory_space<hbm>>
    %dma_start3A_407 = arith.constant 0 : i32
    %dma_start3A_408 = tpu.memref_slice %arg5[%mul3A_404, %dma_start3A_407] : memref<26000x1024xi32, #tpu.memory_space<hbm>> -> memref<48x1024xi32, #tpu.memory_space<hbm>>
    tpu.enqueue_dma source(%arg8 : memref<48x1024xi32, #tpu.memory_space<vmem>>) target(%dma_start3A_408 : memref<48x1024xi32, #tpu.memory_space<hbm>>) target_semaphore(%arg10 : memref<!tpu.dma_semaphore, #tpu.memory_space<semaphore_mem>>)
    %dma_wait3A_409 = arith.constant 0 : i32
    %dma_wait3A_410 = tpu.memref_slice %arg5[%mul3A_368, %dma_wait3A_409] : memref<26000x1024xi32, #tpu.memory_space<hbm>> -> memref<48x1024xi32, #tpu.memory_space<hbm>>
    %dma_wait3A_411 = arith.constant 0 : i32
    %dma_wait3A_412 = tpu.memref_slice %arg5[%mul3A_368, %dma_wait3A_411] : memref<26000x1024xi32, #tpu.memory_space<hbm>> -> memref<48x1024xi32, #tpu.memory_space<hbm>>
    tpu.wait_dma2 semaphore(%arg11 : memref<!tpu.dma_semaphore, #tpu.memory_space<semaphore_mem>>) src(%arg9 : memref<48x1024xi32, #tpu.memory_space<vmem>>) dst(%dma_wait3A_412 : memref<48x1024xi32, #tpu.memory_space<hbm>>)
    %add3A_413 = arith.constant 54 : i32
    %add3A_414 = arith.addi %min3A_19, %add3A_413 : i32
    %mul3A_415 = arith.constant 8 : i32
    %mul3A_416 = arith.muli %add3A_414, %mul3A_415 : i32
    %mul3A_417 = arith.constant 1024 : i32
    %mul3A_418 = arith.muli %mul3A_416, %mul3A_417 : i32
    %add3A_419 = arith.constant 49152 : i32
    %add3A_420 = arith.addi %mul3A_418, %add3A_419 : i32
    %while3A_421 = scf.while (%while3A_633 = %max3A_328) : (i32) -> i32 {
      %mul3A_634 = arith.constant 16 : i32
      %mul3A_635 = arith.muli %while3A_633, %mul3A_634 : i32
      %get3A_636 = arith.index_cast %mul3A_635 : i32 to index
      %get3A_637 = tpu.vector_load %arg6[%get3A_636] {strides = array<i32>} : memref<26640xi32, #tpu.memory_space<vmem>>, vector<16xi32>,
      %slice3A = vector.extract_strided_slice %get3A_637 {offsets = [0], sizes = [1], strides = [1]} : vector<16xi32> to vector<1xi32>
      %squeeze3A = vector.extract %slice3A[0] : i32 from vector<1xi32>
      %lt3A = arith.cmpi slt, %squeeze3A, %add3A_420 : i32
      scf.condition(%lt3A) %while3A_633 : i32
    } do {
    ^bb0(%while3A_633: i32):
      %mul3A_634 = arith.constant 16 : i32
      %mul3A_635 = arith.muli %while3A_633, %mul3A_634 : i32
      %get3A_636 = arith.index_cast %mul3A_635 : i32 to index
      %get3A_637 = tpu.vector_load %arg6[%get3A_636] {strides = array<i32>} : memref<26640xi32, #tpu.memory_space<vmem>>, vector<16xi32>,
      %ge3A = vector.broadcast %mul3A_418 : i32 to vector<16xi32>
      %ge3A_638 = arith.cmpi sge, %get3A_637, %ge3A : vector<16xi32>
      %lt3A = vector.broadcast %add3A_420 : i32 to vector<16xi32>
      %lt3A_639 = arith.cmpi slt, %get3A_637, %lt3A : vector<16xi32>
      %and3A_640 = arith.andi %ge3A_638, %lt3A_639 : vector<16xi1>
      %shift_right_arithmetic3A_641 = arith.constant 10 : i32
      %shift_right_arithmetic3A_642 = vector.broadcast %shift_right_arithmetic3A_641 : i32 to vector<16xi32>
      %shift_right_arithmetic3A_643 = arith.shrsi %get3A_637, %shift_right_arithmetic3A_642 : vector<16xi32>
      %sub3A_644 = vector.broadcast %mul3A_416 : i32 to vector<16xi32>
      %sub3A_645 = arith.subi %shift_right_arithmetic3A_643, %sub3A_644 : vector<16xi32>
      %and3A_646 = arith.constant 1023 : i32
      %and3A_647 = vector.broadcast %and3A_646 : i32 to vector<16xi32>
      %and3A_648 = arith.andi %get3A_637, %and3A_647 : vector<16xi32>
      tpu.vector_store_idx %arg9[%sub3A_645, %and3A_648], %broadcast_in_dim3A_31 masked %and3A_640 : memref<48x1024xi32, #tpu.memory_space<vmem>>[vector<16xi32>, vector<16xi32>], vector<16xi32>, vector<16xi1>
      %add3A_649 = arith.constant 1 : i32
      %add3A_650 = arith.addi %while3A_633, %add3A_649 : i32
      scf.yield %add3A_650 : i32
    }
    %sub3A_422 = arith.constant 1 : i32
    %sub3A_423 = arith.subi %while3A_421, %sub3A_422 : i32
    %max3A_424 = arith.maxsi %sub3A_423, %max3A_328 : i32
    %add3A_425 = arith.constant 66 : i32
    %add3A_426 = arith.addi %min3A_19, %add3A_425 : i32
    %mul3A_427 = arith.constant 8 : i32
    %mul3A_428 = arith.muli %add3A_426, %mul3A_427 : i32
    %mul3A_429 = arith.constant 1024 : i32
    %mul3A_430 = arith.muli %mul3A_428, %mul3A_429 : i32
    %add3A_431 = arith.constant 49152 : i32
    %add3A_432 = arith.addi %mul3A_430, %add3A_431 : i32
    %while3A_433 = scf.while (%while3A_633 = %max3A_400) : (i32) -> i32 {
      %mul3A_634 = arith.constant 16 : i32
      %mul3A_635 = arith.muli %while3A_633, %mul3A_634 : i32
      %get3A_636 = arith.index_cast %mul3A_635 : i32 to index
      %get3A_637 = tpu.vector_load %arg6[%get3A_636] {strides = array<i32>} : memref<26640xi32, #tpu.memory_space<vmem>>, vector<16xi32>,
      %slice3A = vector.extract_strided_slice %get3A_637 {offsets = [0], sizes = [1], strides = [1]} : vector<16xi32> to vector<1xi32>
      %squeeze3A = vector.extract %slice3A[0] : i32 from vector<1xi32>
      %lt3A = arith.cmpi slt, %squeeze3A, %add3A_432 : i32
      scf.condition(%lt3A) %while3A_633 : i32
    } do {
    ^bb0(%while3A_633: i32):
      %mul3A_634 = arith.constant 16 : i32
      %mul3A_635 = arith.muli %while3A_633, %mul3A_634 : i32
      %get3A_636 = arith.index_cast %mul3A_635 : i32 to index
      %get3A_637 = tpu.vector_load %arg6[%get3A_636] {strides = array<i32>} : memref<26640xi32, #tpu.memory_space<vmem>>, vector<16xi32>,
      %ge3A = vector.broadcast %mul3A_430 : i32 to vector<16xi32>
      %ge3A_638 = arith.cmpi sge, %get3A_637, %ge3A : vector<16xi32>
      %lt3A = vector.broadcast %add3A_432 : i32 to vector<16xi32>
      %lt3A_639 = arith.cmpi slt, %get3A_637, %lt3A : vector<16xi32>
      %and3A_640 = arith.andi %ge3A_638, %lt3A_639 : vector<16xi1>
      %shift_right_arithmetic3A_641 = arith.constant 10 : i32
      %shift_right_arithmetic3A_642 = vector.broadcast %shift_right_arithmetic3A_641 : i32 to vector<16xi32>
      %shift_right_arithmetic3A_643 = arith.shrsi %get3A_637, %shift_right_arithmetic3A_642 : vector<16xi32>
      %sub3A_644 = vector.broadcast %mul3A_428 : i32 to vector<16xi32>
      %sub3A_645 = arith.subi %shift_right_arithmetic3A_643, %sub3A_644 : vector<16xi32>
      %and3A_646 = arith.constant 1023 : i32
      %and3A_647 = vector.broadcast %and3A_646 : i32 to vector<16xi32>
      %and3A_648 = arith.andi %get3A_637, %and3A_647 : vector<16xi32>
      tpu.vector_store_idx %arg9[%sub3A_645, %and3A_648], %broadcast_in_dim3A_29 masked %and3A_640 : memref<48x1024xi32, #tpu.memory_space<vmem>>[vector<16xi32>, vector<16xi32>], vector<16xi32>, vector<16xi1>
      %add3A_649 = arith.constant 1 : i32
      %add3A_650 = arith.addi %while3A_633, %add3A_649 : i32
      scf.yield %add3A_650 : i32
    }
    %sub3A_434 = arith.constant 1 : i32
    %sub3A_435 = arith.subi %while3A_433, %sub3A_434 : i32
    %max3A_436 = arith.maxsi %sub3A_435, %max3A_400 : i32
    %add3A_437 = arith.constant 66 : i32
    %add3A_438 = arith.addi %min3A_19, %add3A_437 : i32
    %mul3A_439 = arith.constant 8 : i32
    %mul3A_440 = arith.muli %add3A_438, %mul3A_439 : i32
    %dma_start3A_441 = arith.constant 0 : i32
    %dma_start3A_442 = tpu.memref_slice %arg5[%mul3A_440, %dma_start3A_441] : memref<26000x1024xi32, #tpu.memory_space<hbm>> -> memref<48x1024xi32, #tpu.memory_space<hbm>>
    %dma_start3A_443 = arith.constant 0 : i32
    %dma_start3A_444 = tpu.memref_slice %arg5[%mul3A_440, %dma_start3A_443] : memref<26000x1024xi32, #tpu.memory_space<hbm>> -> memref<48x1024xi32, #tpu.memory_space<hbm>>
    tpu.enqueue_dma source(%arg9 : memref<48x1024xi32, #tpu.memory_space<vmem>>) target(%dma_start3A_444 : memref<48x1024xi32, #tpu.memory_space<hbm>>) target_semaphore(%arg11 : memref<!tpu.dma_semaphore, #tpu.memory_space<semaphore_mem>>)
    %dma_wait3A_445 = arith.constant 0 : i32
    %dma_wait3A_446 = tpu.memref_slice %arg5[%mul3A_404, %dma_wait3A_445] : memref<26000x1024xi32, #tpu.memory_space<hbm>> -> memref<48x1024xi32, #tpu.memory_space<hbm>>
    %dma_wait3A_447 = arith.constant 0 : i32
    %dma_wait3A_448 = tpu.memref_slice %arg5[%mul3A_404, %dma_wait3A_447] : memref<26000x1024xi32, #tpu.memory_space<hbm>> -> memref<48x1024xi32, #tpu.memory_space<hbm>>
    tpu.wait_dma2 semaphore(%arg10 : memref<!tpu.dma_semaphore, #tpu.memory_space<semaphore_mem>>) src(%arg8 : memref<48x1024xi32, #tpu.memory_space<vmem>>) dst(%dma_wait3A_448 : memref<48x1024xi32, #tpu.memory_space<hbm>>)
    %add3A_449 = arith.constant 60 : i32
    %add3A_450 = arith.addi %min3A_19, %add3A_449 : i32
    %mul3A_451 = arith.constant 8 : i32
    %mul3A_452 = arith.muli %add3A_450, %mul3A_451 : i32
    %mul3A_453 = arith.constant 1024 : i32
    %mul3A_454 = arith.muli %mul3A_452, %mul3A_453 : i32
    %add3A_455 = arith.constant 49152 : i32
    %add3A_456 = arith.addi %mul3A_454, %add3A_455 : i32
    %while3A_457 = scf.while (%while3A_633 = %max3A_364) : (i32) -> i32 {
      %mul3A_634 = arith.constant 16 : i32
      %mul3A_635 = arith.muli %while3A_633, %mul3A_634 : i32
      %get3A_636 = arith.index_cast %mul3A_635 : i32 to index
      %get3A_637 = tpu.vector_load %arg6[%get3A_636] {strides = array<i32>} : memref<26640xi32, #tpu.memory_space<vmem>>, vector<16xi32>,
      %slice3A = vector.extract_strided_slice %get3A_637 {offsets = [0], sizes = [1], strides = [1]} : vector<16xi32> to vector<1xi32>
      %squeeze3A = vector.extract %slice3A[0] : i32 from vector<1xi32>
      %lt3A = arith.cmpi slt, %squeeze3A, %add3A_456 : i32
      scf.condition(%lt3A) %while3A_633 : i32
    } do {
    ^bb0(%while3A_633: i32):
      %mul3A_634 = arith.constant 16 : i32
      %mul3A_635 = arith.muli %while3A_633, %mul3A_634 : i32
      %get3A_636 = arith.index_cast %mul3A_635 : i32 to index
      %get3A_637 = tpu.vector_load %arg6[%get3A_636] {strides = array<i32>} : memref<26640xi32, #tpu.memory_space<vmem>>, vector<16xi32>,
      %ge3A = vector.broadcast %mul3A_454 : i32 to vector<16xi32>
      %ge3A_638 = arith.cmpi sge, %get3A_637, %ge3A : vector<16xi32>
      %lt3A = vector.broadcast %add3A_456 : i32 to vector<16xi32>
      %lt3A_639 = arith.cmpi slt, %get3A_637, %lt3A : vector<16xi32>
      %and3A_640 = arith.andi %ge3A_638, %lt3A_639 : vector<16xi1>
      %shift_right_arithmetic3A_641 = arith.constant 10 : i32
      %shift_right_arithmetic3A_642 = vector.broadcast %shift_right_arithmetic3A_641 : i32 to vector<16xi32>
      %shift_right_arithmetic3A_643 = arith.shrsi %get3A_637, %shift_right_arithmetic3A_642 : vector<16xi32>
      %sub3A_644 = vector.broadcast %mul3A_452 : i32 to vector<16xi32>
      %sub3A_645 = arith.subi %shift_right_arithmetic3A_643, %sub3A_644 : vector<16xi32>
      %and3A_646 = arith.constant 1023 : i32
      %and3A_647 = vector.broadcast %and3A_646 : i32 to vector<16xi32>
      %and3A_648 = arith.andi %get3A_637, %and3A_647 : vector<16xi32>
      tpu.vector_store_idx %arg8[%sub3A_645, %and3A_648], %broadcast_in_dim3A_31 masked %and3A_640 : memref<48x1024xi32, #tpu.memory_space<vmem>>[vector<16xi32>, vector<16xi32>], vector<16xi32>, vector<16xi1>
      %add3A_649 = arith.constant 1 : i32
      %add3A_650 = arith.addi %while3A_633, %add3A_649 : i32
      scf.yield %add3A_650 : i32
    }
    %sub3A_458 = arith.constant 1 : i32
    %sub3A_459 = arith.subi %while3A_457, %sub3A_458 : i32
    %max3A_460 = arith.maxsi %sub3A_459, %max3A_364 : i32
    %add3A_461 = arith.constant 72 : i32
    %add3A_462 = arith.addi %min3A_19, %add3A_461 : i32
    %mul3A_463 = arith.constant 8 : i32
    %mul3A_464 = arith.muli %add3A_462, %mul3A_463 : i32
    %mul3A_465 = arith.constant 1024 : i32
    %mul3A_466 = arith.muli %mul3A_464, %mul3A_465 : i32
    %add3A_467 = arith.constant 49152 : i32
    %add3A_468 = arith.addi %mul3A_466, %add3A_467 : i32
    %while3A_469 = scf.while (%while3A_633 = %max3A_436) : (i32) -> i32 {
      %mul3A_634 = arith.constant 16 : i32
      %mul3A_635 = arith.muli %while3A_633, %mul3A_634 : i32
      %get3A_636 = arith.index_cast %mul3A_635 : i32 to index
      %get3A_637 = tpu.vector_load %arg6[%get3A_636] {strides = array<i32>} : memref<26640xi32, #tpu.memory_space<vmem>>, vector<16xi32>,
      %slice3A = vector.extract_strided_slice %get3A_637 {offsets = [0], sizes = [1], strides = [1]} : vector<16xi32> to vector<1xi32>
      %squeeze3A = vector.extract %slice3A[0] : i32 from vector<1xi32>
      %lt3A = arith.cmpi slt, %squeeze3A, %add3A_468 : i32
      scf.condition(%lt3A) %while3A_633 : i32
    } do {
    ^bb0(%while3A_633: i32):
      %mul3A_634 = arith.constant 16 : i32
      %mul3A_635 = arith.muli %while3A_633, %mul3A_634 : i32
      %get3A_636 = arith.index_cast %mul3A_635 : i32 to index
      %get3A_637 = tpu.vector_load %arg6[%get3A_636] {strides = array<i32>} : memref<26640xi32, #tpu.memory_space<vmem>>, vector<16xi32>,
      %ge3A = vector.broadcast %mul3A_466 : i32 to vector<16xi32>
      %ge3A_638 = arith.cmpi sge, %get3A_637, %ge3A : vector<16xi32>
      %lt3A = vector.broadcast %add3A_468 : i32 to vector<16xi32>
      %lt3A_639 = arith.cmpi slt, %get3A_637, %lt3A : vector<16xi32>
      %and3A_640 = arith.andi %ge3A_638, %lt3A_639 : vector<16xi1>
      %shift_right_arithmetic3A_641 = arith.constant 10 : i32
      %shift_right_arithmetic3A_642 = vector.broadcast %shift_right_arithmetic3A_641 : i32 to vector<16xi32>
      %shift_right_arithmetic3A_643 = arith.shrsi %get3A_637, %shift_right_arithmetic3A_642 : vector<16xi32>
      %sub3A_644 = vector.broadcast %mul3A_464 : i32 to vector<16xi32>
      %sub3A_645 = arith.subi %shift_right_arithmetic3A_643, %sub3A_644 : vector<16xi32>
      %and3A_646 = arith.constant 1023 : i32
      %and3A_647 = vector.broadcast %and3A_646 : i32 to vector<16xi32>
      %and3A_648 = arith.andi %get3A_637, %and3A_647 : vector<16xi32>
      tpu.vector_store_idx %arg8[%sub3A_645, %and3A_648], %broadcast_in_dim3A_29 masked %and3A_640 : memref<48x1024xi32, #tpu.memory_space<vmem>>[vector<16xi32>, vector<16xi32>], vector<16xi32>, vector<16xi1>
      %add3A_649 = arith.constant 1 : i32
      %add3A_650 = arith.addi %while3A_633, %add3A_649 : i32
      scf.yield %add3A_650 : i32
    }
    %sub3A_470 = arith.constant 1 : i32
    %sub3A_471 = arith.subi %while3A_469, %sub3A_470 : i32
    %max3A_472 = arith.maxsi %sub3A_471, %max3A_436 : i32
    %add3A_473 = arith.constant 72 : i32
    %add3A_474 = arith.addi %min3A_19, %add3A_473 : i32
    %mul3A_475 = arith.constant 8 : i32
    %mul3A_476 = arith.muli %add3A_474, %mul3A_475 : i32
    %dma_start3A_477 = arith.constant 0 : i32
    %dma_start3A_478 = tpu.memref_slice %arg5[%mul3A_476, %dma_start3A_477] : memref<26000x1024xi32, #tpu.memory_space<hbm>> -> memref<48x1024xi32, #tpu.memory_space<hbm>>
    %dma_start3A_479 = arith.constant 0 : i32
    %dma_start3A_480 = tpu.memref_slice %arg5[%mul3A_476, %dma_start3A_479] : memref<26000x1024xi32, #tpu.memory_space<hbm>> -> memref<48x1024xi32, #tpu.memory_space<hbm>>
    tpu.enqueue_dma source(%arg8 : memref<48x1024xi32, #tpu.memory_space<vmem>>) target(%dma_start3A_480 : memref<48x1024xi32, #tpu.memory_space<hbm>>) target_semaphore(%arg10 : memref<!tpu.dma_semaphore, #tpu.memory_space<semaphore_mem>>)
    %dma_wait3A_481 = arith.constant 0 : i32
    %dma_wait3A_482 = tpu.memref_slice %arg5[%mul3A_440, %dma_wait3A_481] : memref<26000x1024xi32, #tpu.memory_space<hbm>> -> memref<48x1024xi32, #tpu.memory_space<hbm>>
    %dma_wait3A_483 = arith.constant 0 : i32
    %dma_wait3A_484 = tpu.memref_slice %arg5[%mul3A_440, %dma_wait3A_483] : memref<26000x1024xi32, #tpu.memory_space<hbm>> -> memref<48x1024xi32, #tpu.memory_space<hbm>>
    tpu.wait_dma2 semaphore(%arg11 : memref<!tpu.dma_semaphore, #tpu.memory_space<semaphore_mem>>) src(%arg9 : memref<48x1024xi32, #tpu.memory_space<vmem>>) dst(%dma_wait3A_484 : memref<48x1024xi32, #tpu.memory_space<hbm>>)
    %add3A_485 = arith.constant 66 : i32
    %add3A_486 = arith.addi %min3A_19, %add3A_485 : i32
    %mul3A_487 = arith.constant 8 : i32
    %mul3A_488 = arith.muli %add3A_486, %mul3A_487 : i32
    %mul3A_489 = arith.constant 1024 : i32
    %mul3A_490 = arith.muli %mul3A_488, %mul3A_489 : i32
    %add3A_491 = arith.constant 49152 : i32
    %add3A_492 = arith.addi %mul3A_490, %add3A_491 : i32
    %while3A_493 = scf.while (%while3A_633 = %max3A_400) : (i32) -> i32 {
      %mul3A_634 = arith.constant 16 : i32
      %mul3A_635 = arith.muli %while3A_633, %mul3A_634 : i32
      %get3A_636 = arith.index_cast %mul3A_635 : i32 to index
      %get3A_637 = tpu.vector_load %arg6[%get3A_636] {strides = array<i32>} : memref<26640xi32, #tpu.memory_space<vmem>>, vector<16xi32>,
      %slice3A = vector.extract_strided_slice %get3A_637 {offsets = [0], sizes = [1], strides = [1]} : vector<16xi32> to vector<1xi32>
      %squeeze3A = vector.extract %slice3A[0] : i32 from vector<1xi32>
      %lt3A = arith.cmpi slt, %squeeze3A, %add3A_492 : i32
      scf.condition(%lt3A) %while3A_633 : i32
    } do {
    ^bb0(%while3A_633: i32):
      %mul3A_634 = arith.constant 16 : i32
      %mul3A_635 = arith.muli %while3A_633, %mul3A_634 : i32
      %get3A_636 = arith.index_cast %mul3A_635 : i32 to index
      %get3A_637 = tpu.vector_load %arg6[%get3A_636] {strides = array<i32>} : memref<26640xi32, #tpu.memory_space<vmem>>, vector<16xi32>,
      %ge3A = vector.broadcast %mul3A_490 : i32 to vector<16xi32>
      %ge3A_638 = arith.cmpi sge, %get3A_637, %ge3A : vector<16xi32>
      %lt3A = vector.broadcast %add3A_492 : i32 to vector<16xi32>
      %lt3A_639 = arith.cmpi slt, %get3A_637, %lt3A : vector<16xi32>
      %and3A_640 = arith.andi %ge3A_638, %lt3A_639 : vector<16xi1>
      %shift_right_arithmetic3A_641 = arith.constant 10 : i32
      %shift_right_arithmetic3A_642 = vector.broadcast %shift_right_arithmetic3A_641 : i32 to vector<16xi32>
      %shift_right_arithmetic3A_643 = arith.shrsi %get3A_637, %shift_right_arithmetic3A_642 : vector<16xi32>
      %sub3A_644 = vector.broadcast %mul3A_488 : i32 to vector<16xi32>
      %sub3A_645 = arith.subi %shift_right_arithmetic3A_643, %sub3A_644 : vector<16xi32>
      %and3A_646 = arith.constant 1023 : i32
      %and3A_647 = vector.broadcast %and3A_646 : i32 to vector<16xi32>
      %and3A_648 = arith.andi %get3A_637, %and3A_647 : vector<16xi32>
      tpu.vector_store_idx %arg9[%sub3A_645, %and3A_648], %broadcast_in_dim3A_31 masked %and3A_640 : memref<48x1024xi32, #tpu.memory_space<vmem>>[vector<16xi32>, vector<16xi32>], vector<16xi32>, vector<16xi1>
      %add3A_649 = arith.constant 1 : i32
      %add3A_650 = arith.addi %while3A_633, %add3A_649 : i32
      scf.yield %add3A_650 : i32
    }
    %sub3A_494 = arith.constant 1 : i32
    %sub3A_495 = arith.subi %while3A_493, %sub3A_494 : i32
    %max3A_496 = arith.maxsi %sub3A_495, %max3A_400 : i32
    %add3A_497 = arith.constant 78 : i32
    %add3A_498 = arith.addi %min3A_19, %add3A_497 : i32
    %mul3A_499 = arith.constant 8 : i32
    %mul3A_500 = arith.muli %add3A_498, %mul3A_499 : i32
    %mul3A_501 = arith.constant 1024 : i32
    %mul3A_502 = arith.muli %mul3A_500, %mul3A_501 : i32
    %add3A_503 = arith.constant 49152 : i32
    %add3A_504 = arith.addi %mul3A_502, %add3A_503 : i32
    %while3A_505 = scf.while (%while3A_633 = %max3A_472) : (i32) -> i32 {
      %mul3A_634 = arith.constant 16 : i32
      %mul3A_635 = arith.muli %while3A_633, %mul3A_634 : i32
      %get3A_636 = arith.index_cast %mul3A_635 : i32 to index
      %get3A_637 = tpu.vector_load %arg6[%get3A_636] {strides = array<i32>} : memref<26640xi32, #tpu.memory_space<vmem>>, vector<16xi32>,
      %slice3A = vector.extract_strided_slice %get3A_637 {offsets = [0], sizes = [1], strides = [1]} : vector<16xi32> to vector<1xi32>
      %squeeze3A = vector.extract %slice3A[0] : i32 from vector<1xi32>
      %lt3A = arith.cmpi slt, %squeeze3A, %add3A_504 : i32
      scf.condition(%lt3A) %while3A_633 : i32
    } do {
    ^bb0(%while3A_633: i32):
      %mul3A_634 = arith.constant 16 : i32
      %mul3A_635 = arith.muli %while3A_633, %mul3A_634 : i32
      %get3A_636 = arith.index_cast %mul3A_635 : i32 to index
      %get3A_637 = tpu.vector_load %arg6[%get3A_636] {strides = array<i32>} : memref<26640xi32, #tpu.memory_space<vmem>>, vector<16xi32>,
      %ge3A = vector.broadcast %mul3A_502 : i32 to vector<16xi32>
      %ge3A_638 = arith.cmpi sge, %get3A_637, %ge3A : vector<16xi32>
      %lt3A = vector.broadcast %add3A_504 : i32 to vector<16xi32>
      %lt3A_639 = arith.cmpi slt, %get3A_637, %lt3A : vector<16xi32>
      %and3A_640 = arith.andi %ge3A_638, %lt3A_639 : vector<16xi1>
      %shift_right_arithmetic3A_641 = arith.constant 10 : i32
      %shift_right_arithmetic3A_642 = vector.broadcast %shift_right_arithmetic3A_641 : i32 to vector<16xi32>
      %shift_right_arithmetic3A_643 = arith.shrsi %get3A_637, %shift_right_arithmetic3A_642 : vector<16xi32>
      %sub3A_644 = vector.broadcast %mul3A_500 : i32 to vector<16xi32>
      %sub3A_645 = arith.subi %shift_right_arithmetic3A_643, %sub3A_644 : vector<16xi32>
      %and3A_646 = arith.constant 1023 : i32
      %and3A_647 = vector.broadcast %and3A_646 : i32 to vector<16xi32>
      %and3A_648 = arith.andi %get3A_637, %and3A_647 : vector<16xi32>
      tpu.vector_store_idx %arg9[%sub3A_645, %and3A_648], %broadcast_in_dim3A_29 masked %and3A_640 : memref<48x1024xi32, #tpu.memory_space<vmem>>[vector<16xi32>, vector<16xi32>], vector<16xi32>, vector<16xi1>
      %add3A_649 = arith.constant 1 : i32
      %add3A_650 = arith.addi %while3A_633, %add3A_649 : i32
      scf.yield %add3A_650 : i32
    }
    %sub3A_506 = arith.constant 1 : i32
    %sub3A_507 = arith.subi %while3A_505, %sub3A_506 : i32
    %max3A_508 = arith.maxsi %sub3A_507, %max3A_472 : i32
    %add3A_509 = arith.constant 78 : i32
    %add3A_510 = arith.addi %min3A_19, %add3A_509 : i32
    %mul3A_511 = arith.constant 8 : i32
    %mul3A_512 = arith.muli %add3A_510, %mul3A_511 : i32
    %dma_start3A_513 = arith.constant 0 : i32
    %dma_start3A_514 = tpu.memref_slice %arg5[%mul3A_512, %dma_start3A_513] : memref<26000x1024xi32, #tpu.memory_space<hbm>> -> memref<48x1024xi32, #tpu.memory_space<hbm>>
    %dma_start3A_515 = arith.constant 0 : i32
    %dma_start3A_516 = tpu.memref_slice %arg5[%mul3A_512, %dma_start3A_515] : memref<26000x1024xi32, #tpu.memory_space<hbm>> -> memref<48x1024xi32, #tpu.memory_space<hbm>>
    tpu.enqueue_dma source(%arg9 : memref<48x1024xi32, #tpu.memory_space<vmem>>) target(%dma_start3A_516 : memref<48x1024xi32, #tpu.memory_space<hbm>>) target_semaphore(%arg11 : memref<!tpu.dma_semaphore, #tpu.memory_space<semaphore_mem>>)
    %dma_wait3A_517 = arith.constant 0 : i32
    %dma_wait3A_518 = tpu.memref_slice %arg5[%mul3A_476, %dma_wait3A_517] : memref<26000x1024xi32, #tpu.memory_space<hbm>> -> memref<48x1024xi32, #tpu.memory_space<hbm>>
    %dma_wait3A_519 = arith.constant 0 : i32
    %dma_wait3A_520 = tpu.memref_slice %arg5[%mul3A_476, %dma_wait3A_519] : memref<26000x1024xi32, #tpu.memory_space<hbm>> -> memref<48x1024xi32, #tpu.memory_space<hbm>>
    tpu.wait_dma2 semaphore(%arg10 : memref<!tpu.dma_semaphore, #tpu.memory_space<semaphore_mem>>) src(%arg8 : memref<48x1024xi32, #tpu.memory_space<vmem>>) dst(%dma_wait3A_520 : memref<48x1024xi32, #tpu.memory_space<hbm>>)
    %add3A_521 = arith.constant 72 : i32
    %add3A_522 = arith.addi %min3A_19, %add3A_521 : i32
    %mul3A_523 = arith.constant 8 : i32
    %mul3A_524 = arith.muli %add3A_522, %mul3A_523 : i32
    %mul3A_525 = arith.constant 1024 : i32
    %mul3A_526 = arith.muli %mul3A_524, %mul3A_525 : i32
    %add3A_527 = arith.constant 49152 : i32
    %add3A_528 = arith.addi %mul3A_526, %add3A_527 : i32
    %while3A_529 = scf.while (%while3A_633 = %max3A_436) : (i32) -> i32 {
      %mul3A_634 = arith.constant 16 : i32
      %mul3A_635 = arith.muli %while3A_633, %mul3A_634 : i32
      %get3A_636 = arith.index_cast %mul3A_635 : i32 to index
      %get3A_637 = tpu.vector_load %arg6[%get3A_636] {strides = array<i32>} : memref<26640xi32, #tpu.memory_space<vmem>>, vector<16xi32>,
      %slice3A = vector.extract_strided_slice %get3A_637 {offsets = [0], sizes = [1], strides = [1]} : vector<16xi32> to vector<1xi32>
      %squeeze3A = vector.extract %slice3A[0] : i32 from vector<1xi32>
      %lt3A = arith.cmpi slt, %squeeze3A, %add3A_528 : i32
      scf.condition(%lt3A) %while3A_633 : i32
    } do {
    ^bb0(%while3A_633: i32):
      %mul3A_634 = arith.constant 16 : i32
      %mul3A_635 = arith.muli %while3A_633, %mul3A_634 : i32
      %get3A_636 = arith.index_cast %mul3A_635 : i32 to index
      %get3A_637 = tpu.vector_load %arg6[%get3A_636] {strides = array<i32>} : memref<26640xi32, #tpu.memory_space<vmem>>, vector<16xi32>,
      %ge3A = vector.broadcast %mul3A_526 : i32 to vector<16xi32>
      %ge3A_638 = arith.cmpi sge, %get3A_637, %ge3A : vector<16xi32>
      %lt3A = vector.broadcast %add3A_528 : i32 to vector<16xi32>
      %lt3A_639 = arith.cmpi slt, %get3A_637, %lt3A : vector<16xi32>
      %and3A_640 = arith.andi %ge3A_638, %lt3A_639 : vector<16xi1>
      %shift_right_arithmetic3A_641 = arith.constant 10 : i32
      %shift_right_arithmetic3A_642 = vector.broadcast %shift_right_arithmetic3A_641 : i32 to vector<16xi32>
      %shift_right_arithmetic3A_643 = arith.shrsi %get3A_637, %shift_right_arithmetic3A_642 : vector<16xi32>
      %sub3A_644 = vector.broadcast %mul3A_524 : i32 to vector<16xi32>
      %sub3A_645 = arith.subi %shift_right_arithmetic3A_643, %sub3A_644 : vector<16xi32>
      %and3A_646 = arith.constant 1023 : i32
      %and3A_647 = vector.broadcast %and3A_646 : i32 to vector<16xi32>
      %and3A_648 = arith.andi %get3A_637, %and3A_647 : vector<16xi32>
      tpu.vector_store_idx %arg8[%sub3A_645, %and3A_648], %broadcast_in_dim3A_31 masked %and3A_640 : memref<48x1024xi32, #tpu.memory_space<vmem>>[vector<16xi32>, vector<16xi32>], vector<16xi32>, vector<16xi1>
      %add3A_649 = arith.constant 1 : i32
      %add3A_650 = arith.addi %while3A_633, %add3A_649 : i32
      scf.yield %add3A_650 : i32
    }
    %sub3A_530 = arith.constant 1 : i32
    %sub3A_531 = arith.subi %while3A_529, %sub3A_530 : i32
    %max3A_532 = arith.maxsi %sub3A_531, %max3A_436 : i32
    %add3A_533 = arith.constant 84 : i32
    %add3A_534 = arith.addi %min3A_19, %add3A_533 : i32
    %mul3A_535 = arith.constant 8 : i32
    %mul3A_536 = arith.muli %add3A_534, %mul3A_535 : i32
    %mul3A_537 = arith.constant 1024 : i32
    %mul3A_538 = arith.muli %mul3A_536, %mul3A_537 : i32
    %add3A_539 = arith.constant 49152 : i32
    %add3A_540 = arith.addi %mul3A_538, %add3A_539 : i32
    %while3A_541 = scf.while (%while3A_633 = %max3A_508) : (i32) -> i32 {
      %mul3A_634 = arith.constant 16 : i32
      %mul3A_635 = arith.muli %while3A_633, %mul3A_634 : i32
      %get3A_636 = arith.index_cast %mul3A_635 : i32 to index
      %get3A_637 = tpu.vector_load %arg6[%get3A_636] {strides = array<i32>} : memref<26640xi32, #tpu.memory_space<vmem>>, vector<16xi32>,
      %slice3A = vector.extract_strided_slice %get3A_637 {offsets = [0], sizes = [1], strides = [1]} : vector<16xi32> to vector<1xi32>
      %squeeze3A = vector.extract %slice3A[0] : i32 from vector<1xi32>
      %lt3A = arith.cmpi slt, %squeeze3A, %add3A_540 : i32
      scf.condition(%lt3A) %while3A_633 : i32
    } do {
    ^bb0(%while3A_633: i32):
      %mul3A_634 = arith.constant 16 : i32
      %mul3A_635 = arith.muli %while3A_633, %mul3A_634 : i32
      %get3A_636 = arith.index_cast %mul3A_635 : i32 to index
      %get3A_637 = tpu.vector_load %arg6[%get3A_636] {strides = array<i32>} : memref<26640xi32, #tpu.memory_space<vmem>>, vector<16xi32>,
      %ge3A = vector.broadcast %mul3A_538 : i32 to vector<16xi32>
      %ge3A_638 = arith.cmpi sge, %get3A_637, %ge3A : vector<16xi32>
      %lt3A = vector.broadcast %add3A_540 : i32 to vector<16xi32>
      %lt3A_639 = arith.cmpi slt, %get3A_637, %lt3A : vector<16xi32>
      %and3A_640 = arith.andi %ge3A_638, %lt3A_639 : vector<16xi1>
      %shift_right_arithmetic3A_641 = arith.constant 10 : i32
      %shift_right_arithmetic3A_642 = vector.broadcast %shift_right_arithmetic3A_641 : i32 to vector<16xi32>
      %shift_right_arithmetic3A_643 = arith.shrsi %get3A_637, %shift_right_arithmetic3A_642 : vector<16xi32>
      %sub3A_644 = vector.broadcast %mul3A_536 : i32 to vector<16xi32>
      %sub3A_645 = arith.subi %shift_right_arithmetic3A_643, %sub3A_644 : vector<16xi32>
      %and3A_646 = arith.constant 1023 : i32
      %and3A_647 = vector.broadcast %and3A_646 : i32 to vector<16xi32>
      %and3A_648 = arith.andi %get3A_637, %and3A_647 : vector<16xi32>
      tpu.vector_store_idx %arg8[%sub3A_645, %and3A_648], %broadcast_in_dim3A_29 masked %and3A_640 : memref<48x1024xi32, #tpu.memory_space<vmem>>[vector<16xi32>, vector<16xi32>], vector<16xi32>, vector<16xi1>
      %add3A_649 = arith.constant 1 : i32
      %add3A_650 = arith.addi %while3A_633, %add3A_649 : i32
      scf.yield %add3A_650 : i32
    }
    %sub3A_542 = arith.constant 1 : i32
    %sub3A_543 = arith.subi %while3A_541, %sub3A_542 : i32
    %max3A_544 = arith.maxsi %sub3A_543, %max3A_508 : i32
    %add3A_545 = arith.constant 84 : i32
    %add3A_546 = arith.addi %min3A_19, %add3A_545 : i32
    %mul3A_547 = arith.constant 8 : i32
    %mul3A_548 = arith.muli %add3A_546, %mul3A_547 : i32
    %dma_start3A_549 = arith.constant 0 : i32
    %dma_start3A_550 = tpu.memref_slice %arg5[%mul3A_548, %dma_start3A_549] : memref<26000x1024xi32, #tpu.memory_space<hbm>> -> memref<48x1024xi32, #tpu.memory_space<hbm>>
    %dma_start3A_551 = arith.constant 0 : i32
    %dma_start3A_552 = tpu.memref_slice %arg5[%mul3A_548, %dma_start3A_551] : memref<26000x1024xi32, #tpu.memory_space<hbm>> -> memref<48x1024xi32, #tpu.memory_space<hbm>>
    tpu.enqueue_dma source(%arg8 : memref<48x1024xi32, #tpu.memory_space<vmem>>) target(%dma_start3A_552 : memref<48x1024xi32, #tpu.memory_space<hbm>>) target_semaphore(%arg10 : memref<!tpu.dma_semaphore, #tpu.memory_space<semaphore_mem>>)
    %dma_wait3A_553 = arith.constant 0 : i32
    %dma_wait3A_554 = tpu.memref_slice %arg5[%mul3A_512, %dma_wait3A_553] : memref<26000x1024xi32, #tpu.memory_space<hbm>> -> memref<48x1024xi32, #tpu.memory_space<hbm>>
    %dma_wait3A_555 = arith.constant 0 : i32
    %dma_wait3A_556 = tpu.memref_slice %arg5[%mul3A_512, %dma_wait3A_555] : memref<26000x1024xi32, #tpu.memory_space<hbm>> -> memref<48x1024xi32, #tpu.memory_space<hbm>>
    tpu.wait_dma2 semaphore(%arg11 : memref<!tpu.dma_semaphore, #tpu.memory_space<semaphore_mem>>) src(%arg9 : memref<48x1024xi32, #tpu.memory_space<vmem>>) dst(%dma_wait3A_556 : memref<48x1024xi32, #tpu.memory_space<hbm>>)
    %add3A_557 = arith.constant 78 : i32
    %add3A_558 = arith.addi %min3A_19, %add3A_557 : i32
    %mul3A_559 = arith.constant 8 : i32
    %mul3A_560 = arith.muli %add3A_558, %mul3A_559 : i32
    %mul3A_561 = arith.constant 1024 : i32
    %mul3A_562 = arith.muli %mul3A_560, %mul3A_561 : i32
    %add3A_563 = arith.constant 49152 : i32
    %add3A_564 = arith.addi %mul3A_562, %add3A_563 : i32
    %while3A_565 = scf.while (%while3A_633 = %max3A_472) : (i32) -> i32 {
      %mul3A_634 = arith.constant 16 : i32
      %mul3A_635 = arith.muli %while3A_633, %mul3A_634 : i32
      %get3A_636 = arith.index_cast %mul3A_635 : i32 to index
      %get3A_637 = tpu.vector_load %arg6[%get3A_636] {strides = array<i32>} : memref<26640xi32, #tpu.memory_space<vmem>>, vector<16xi32>,
      %slice3A = vector.extract_strided_slice %get3A_637 {offsets = [0], sizes = [1], strides = [1]} : vector<16xi32> to vector<1xi32>
      %squeeze3A = vector.extract %slice3A[0] : i32 from vector<1xi32>
      %lt3A = arith.cmpi slt, %squeeze3A, %add3A_564 : i32
      scf.condition(%lt3A) %while3A_633 : i32
    } do {
    ^bb0(%while3A_633: i32):
      %mul3A_634 = arith.constant 16 : i32
      %mul3A_635 = arith.muli %while3A_633, %mul3A_634 : i32
      %get3A_636 = arith.index_cast %mul3A_635 : i32 to index
      %get3A_637 = tpu.vector_load %arg6[%get3A_636] {strides = array<i32>} : memref<26640xi32, #tpu.memory_space<vmem>>, vector<16xi32>,
      %ge3A = vector.broadcast %mul3A_562 : i32 to vector<16xi32>
      %ge3A_638 = arith.cmpi sge, %get3A_637, %ge3A : vector<16xi32>
      %lt3A = vector.broadcast %add3A_564 : i32 to vector<16xi32>
      %lt3A_639 = arith.cmpi slt, %get3A_637, %lt3A : vector<16xi32>
      %and3A_640 = arith.andi %ge3A_638, %lt3A_639 : vector<16xi1>
      %shift_right_arithmetic3A_641 = arith.constant 10 : i32
      %shift_right_arithmetic3A_642 = vector.broadcast %shift_right_arithmetic3A_641 : i32 to vector<16xi32>
      %shift_right_arithmetic3A_643 = arith.shrsi %get3A_637, %shift_right_arithmetic3A_642 : vector<16xi32>
      %sub3A_644 = vector.broadcast %mul3A_560 : i32 to vector<16xi32>
      %sub3A_645 = arith.subi %shift_right_arithmetic3A_643, %sub3A_644 : vector<16xi32>
      %and3A_646 = arith.constant 1023 : i32
      %and3A_647 = vector.broadcast %and3A_646 : i32 to vector<16xi32>
      %and3A_648 = arith.andi %get3A_637, %and3A_647 : vector<16xi32>
      tpu.vector_store_idx %arg9[%sub3A_645, %and3A_648], %broadcast_in_dim3A_31 masked %and3A_640 : memref<48x1024xi32, #tpu.memory_space<vmem>>[vector<16xi32>, vector<16xi32>], vector<16xi32>, vector<16xi1>
      %add3A_649 = arith.constant 1 : i32
      %add3A_650 = arith.addi %while3A_633, %add3A_649 : i32
      scf.yield %add3A_650 : i32
    }
    %sub3A_566 = arith.constant 1 : i32
    %sub3A_567 = arith.subi %while3A_565, %sub3A_566 : i32
    %max3A_568 = arith.maxsi %sub3A_567, %max3A_472 : i32
    %add3A_569 = arith.constant 90 : i32
    %add3A_570 = arith.addi %min3A_19, %add3A_569 : i32
    %mul3A_571 = arith.constant 8 : i32
    %mul3A_572 = arith.muli %add3A_570, %mul3A_571 : i32
    %mul3A_573 = arith.constant 1024 : i32
    %mul3A_574 = arith.muli %mul3A_572, %mul3A_573 : i32
    %add3A_575 = arith.constant 49152 : i32
    %add3A_576 = arith.addi %mul3A_574, %add3A_575 : i32
    %while3A_577 = scf.while (%while3A_633 = %max3A_544) : (i32) -> i32 {
      %mul3A_634 = arith.constant 16 : i32
      %mul3A_635 = arith.muli %while3A_633, %mul3A_634 : i32
      %get3A_636 = arith.index_cast %mul3A_635 : i32 to index
      %get3A_637 = tpu.vector_load %arg6[%get3A_636] {strides = array<i32>} : memref<26640xi32, #tpu.memory_space<vmem>>, vector<16xi32>,
      %slice3A = vector.extract_strided_slice %get3A_637 {offsets = [0], sizes = [1], strides = [1]} : vector<16xi32> to vector<1xi32>
      %squeeze3A = vector.extract %slice3A[0] : i32 from vector<1xi32>
      %lt3A = arith.cmpi slt, %squeeze3A, %add3A_576 : i32
      scf.condition(%lt3A) %while3A_633 : i32
    } do {
    ^bb0(%while3A_633: i32):
      %mul3A_634 = arith.constant 16 : i32
      %mul3A_635 = arith.muli %while3A_633, %mul3A_634 : i32
      %get3A_636 = arith.index_cast %mul3A_635 : i32 to index
      %get3A_637 = tpu.vector_load %arg6[%get3A_636] {strides = array<i32>} : memref<26640xi32, #tpu.memory_space<vmem>>, vector<16xi32>,
      %ge3A = vector.broadcast %mul3A_574 : i32 to vector<16xi32>
      %ge3A_638 = arith.cmpi sge, %get3A_637, %ge3A : vector<16xi32>
      %lt3A = vector.broadcast %add3A_576 : i32 to vector<16xi32>
      %lt3A_639 = arith.cmpi slt, %get3A_637, %lt3A : vector<16xi32>
      %and3A_640 = arith.andi %ge3A_638, %lt3A_639 : vector<16xi1>
      %shift_right_arithmetic3A_641 = arith.constant 10 : i32
      %shift_right_arithmetic3A_642 = vector.broadcast %shift_right_arithmetic3A_641 : i32 to vector<16xi32>
      %shift_right_arithmetic3A_643 = arith.shrsi %get3A_637, %shift_right_arithmetic3A_642 : vector<16xi32>
      %sub3A_644 = vector.broadcast %mul3A_572 : i32 to vector<16xi32>
      %sub3A_645 = arith.subi %shift_right_arithmetic3A_643, %sub3A_644 : vector<16xi32>
      %and3A_646 = arith.constant 1023 : i32
      %and3A_647 = vector.broadcast %and3A_646 : i32 to vector<16xi32>
      %and3A_648 = arith.andi %get3A_637, %and3A_647 : vector<16xi32>
      tpu.vector_store_idx %arg9[%sub3A_645, %and3A_648], %broadcast_in_dim3A_29 masked %and3A_640 : memref<48x1024xi32, #tpu.memory_space<vmem>>[vector<16xi32>, vector<16xi32>], vector<16xi32>, vector<16xi1>
      %add3A_649 = arith.constant 1 : i32
      %add3A_650 = arith.addi %while3A_633, %add3A_649 : i32
      scf.yield %add3A_650 : i32
    }
    %sub3A_578 = arith.constant 1 : i32
    %sub3A_579 = arith.subi %while3A_577, %sub3A_578 : i32
    %max3A_580 = arith.maxsi %sub3A_579, %max3A_544 : i32
    %add3A_581 = arith.constant 90 : i32
    %add3A_582 = arith.addi %min3A_19, %add3A_581 : i32
    %mul3A_583 = arith.constant 8 : i32
    %mul3A_584 = arith.muli %add3A_582, %mul3A_583 : i32
    %dma_start3A_585 = arith.constant 0 : i32
    %dma_start3A_586 = tpu.memref_slice %arg5[%mul3A_584, %dma_start3A_585] : memref<26000x1024xi32, #tpu.memory_space<hbm>> -> memref<48x1024xi32, #tpu.memory_space<hbm>>
    %dma_start3A_587 = arith.constant 0 : i32
    %dma_start3A_588 = tpu.memref_slice %arg5[%mul3A_584, %dma_start3A_587] : memref<26000x1024xi32, #tpu.memory_space<hbm>> -> memref<48x1024xi32, #tpu.memory_space<hbm>>
    tpu.enqueue_dma source(%arg9 : memref<48x1024xi32, #tpu.memory_space<vmem>>) target(%dma_start3A_588 : memref<48x1024xi32, #tpu.memory_space<hbm>>) target_semaphore(%arg11 : memref<!tpu.dma_semaphore, #tpu.memory_space<semaphore_mem>>)
    %dma_wait3A_589 = arith.constant 0 : i32
    %dma_wait3A_590 = tpu.memref_slice %arg5[%mul3A_548, %dma_wait3A_589] : memref<26000x1024xi32, #tpu.memory_space<hbm>> -> memref<48x1024xi32, #tpu.memory_space<hbm>>
    %dma_wait3A_591 = arith.constant 0 : i32
    %dma_wait3A_592 = tpu.memref_slice %arg5[%mul3A_548, %dma_wait3A_591] : memref<26000x1024xi32, #tpu.memory_space<hbm>> -> memref<48x1024xi32, #tpu.memory_space<hbm>>
    tpu.wait_dma2 semaphore(%arg10 : memref<!tpu.dma_semaphore, #tpu.memory_space<semaphore_mem>>) src(%arg8 : memref<48x1024xi32, #tpu.memory_space<vmem>>) dst(%dma_wait3A_592 : memref<48x1024xi32, #tpu.memory_space<hbm>>)
    %add3A_593 = arith.constant 84 : i32
    %add3A_594 = arith.addi %min3A_19, %add3A_593 : i32
    %mul3A_595 = arith.constant 8 : i32
    %mul3A_596 = arith.muli %add3A_594, %mul3A_595 : i32
    %mul3A_597 = arith.constant 1024 : i32
    %mul3A_598 = arith.muli %mul3A_596, %mul3A_597 : i32
    %add3A_599 = arith.constant 49152 : i32
    %add3A_600 = arith.addi %mul3A_598, %add3A_599 : i32
    %while3A_601 = scf.while (%while3A_633 = %max3A_508) : (i32) -> i32 {
      %mul3A_634 = arith.constant 16 : i32
      %mul3A_635 = arith.muli %while3A_633, %mul3A_634 : i32
      %get3A_636 = arith.index_cast %mul3A_635 : i32 to index
      %get3A_637 = tpu.vector_load %arg6[%get3A_636] {strides = array<i32>} : memref<26640xi32, #tpu.memory_space<vmem>>, vector<16xi32>,
      %slice3A = vector.extract_strided_slice %get3A_637 {offsets = [0], sizes = [1], strides = [1]} : vector<16xi32> to vector<1xi32>
      %squeeze3A = vector.extract %slice3A[0] : i32 from vector<1xi32>
      %lt3A = arith.cmpi slt, %squeeze3A, %add3A_600 : i32
      scf.condition(%lt3A) %while3A_633 : i32
    } do {
    ^bb0(%while3A_633: i32):
      %mul3A_634 = arith.constant 16 : i32
      %mul3A_635 = arith.muli %while3A_633, %mul3A_634 : i32
      %get3A_636 = arith.index_cast %mul3A_635 : i32 to index
      %get3A_637 = tpu.vector_load %arg6[%get3A_636] {strides = array<i32>} : memref<26640xi32, #tpu.memory_space<vmem>>, vector<16xi32>,
      %ge3A = vector.broadcast %mul3A_598 : i32 to vector<16xi32>
      %ge3A_638 = arith.cmpi sge, %get3A_637, %ge3A : vector<16xi32>
      %lt3A = vector.broadcast %add3A_600 : i32 to vector<16xi32>
      %lt3A_639 = arith.cmpi slt, %get3A_637, %lt3A : vector<16xi32>
      %and3A_640 = arith.andi %ge3A_638, %lt3A_639 : vector<16xi1>
      %shift_right_arithmetic3A_641 = arith.constant 10 : i32
      %shift_right_arithmetic3A_642 = vector.broadcast %shift_right_arithmetic3A_641 : i32 to vector<16xi32>
      %shift_right_arithmetic3A_643 = arith.shrsi %get3A_637, %shift_right_arithmetic3A_642 : vector<16xi32>
      %sub3A_644 = vector.broadcast %mul3A_596 : i32 to vector<16xi32>
      %sub3A_645 = arith.subi %shift_right_arithmetic3A_643, %sub3A_644 : vector<16xi32>
      %and3A_646 = arith.constant 1023 : i32
      %and3A_647 = vector.broadcast %and3A_646 : i32 to vector<16xi32>
      %and3A_648 = arith.andi %get3A_637, %and3A_647 : vector<16xi32>
      tpu.vector_store_idx %arg8[%sub3A_645, %and3A_648], %broadcast_in_dim3A_31 masked %and3A_640 : memref<48x1024xi32, #tpu.memory_space<vmem>>[vector<16xi32>, vector<16xi32>], vector<16xi32>, vector<16xi1>
      %add3A_649 = arith.constant 1 : i32
      %add3A_650 = arith.addi %while3A_633, %add3A_649 : i32
      scf.yield %add3A_650 : i32
    }
    %sub3A_602 = arith.constant 1 : i32
    %sub3A_603 = arith.subi %while3A_601, %sub3A_602 : i32
    %max3A_604 = arith.maxsi %sub3A_603, %max3A_508 : i32
    %add3A_605 = arith.constant 96 : i32
    %add3A_606 = arith.addi %min3A_19, %add3A_605 : i32
    %mul3A_607 = arith.constant 8 : i32
    %mul3A_608 = arith.muli %add3A_606, %mul3A_607 : i32
    %mul3A_609 = arith.constant 1024 : i32
    %mul3A_610 = arith.muli %mul3A_608, %mul3A_609 : i32
    %add3A_611 = arith.constant 49152 : i32
    %add3A_612 = arith.addi %mul3A_610, %add3A_611 : i32
    %while3A_613 = scf.while (%while3A_633 = %max3A_580) : (i32) -> i32 {
      %mul3A_634 = arith.constant 16 : i32
      %mul3A_635 = arith.muli %while3A_633, %mul3A_634 : i32
      %get3A_636 = arith.index_cast %mul3A_635 : i32 to index
      %get3A_637 = tpu.vector_load %arg6[%get3A_636] {strides = array<i32>} : memref<26640xi32, #tpu.memory_space<vmem>>, vector<16xi32>,
      %slice3A = vector.extract_strided_slice %get3A_637 {offsets = [0], sizes = [1], strides = [1]} : vector<16xi32> to vector<1xi32>
      %squeeze3A = vector.extract %slice3A[0] : i32 from vector<1xi32>
      %lt3A = arith.cmpi slt, %squeeze3A, %add3A_612 : i32
      scf.condition(%lt3A) %while3A_633 : i32
    } do {
    ^bb0(%while3A_633: i32):
      %mul3A_634 = arith.constant 16 : i32
      %mul3A_635 = arith.muli %while3A_633, %mul3A_634 : i32
      %get3A_636 = arith.index_cast %mul3A_635 : i32 to index
      %get3A_637 = tpu.vector_load %arg6[%get3A_636] {strides = array<i32>} : memref<26640xi32, #tpu.memory_space<vmem>>, vector<16xi32>,
      %ge3A = vector.broadcast %mul3A_610 : i32 to vector<16xi32>
      %ge3A_638 = arith.cmpi sge, %get3A_637, %ge3A : vector<16xi32>
      %lt3A = vector.broadcast %add3A_612 : i32 to vector<16xi32>
      %lt3A_639 = arith.cmpi slt, %get3A_637, %lt3A : vector<16xi32>
      %and3A_640 = arith.andi %ge3A_638, %lt3A_639 : vector<16xi1>
      %shift_right_arithmetic3A_641 = arith.constant 10 : i32
      %shift_right_arithmetic3A_642 = vector.broadcast %shift_right_arithmetic3A_641 : i32 to vector<16xi32>
      %shift_right_arithmetic3A_643 = arith.shrsi %get3A_637, %shift_right_arithmetic3A_642 : vector<16xi32>
      %sub3A_644 = vector.broadcast %mul3A_608 : i32 to vector<16xi32>
      %sub3A_645 = arith.subi %shift_right_arithmetic3A_643, %sub3A_644 : vector<16xi32>
      %and3A_646 = arith.constant 1023 : i32
      %and3A_647 = vector.broadcast %and3A_646 : i32 to vector<16xi32>
      %and3A_648 = arith.andi %get3A_637, %and3A_647 : vector<16xi32>
      tpu.vector_store_idx %arg8[%sub3A_645, %and3A_648], %broadcast_in_dim3A_29 masked %and3A_640 : memref<48x1024xi32, #tpu.memory_space<vmem>>[vector<16xi32>, vector<16xi32>], vector<16xi32>, vector<16xi1>
      %add3A_649 = arith.constant 1 : i32
      %add3A_650 = arith.addi %while3A_633, %add3A_649 : i32
      scf.yield %add3A_650 : i32
    }
    %sub3A_614 = arith.constant 1 : i32
    %sub3A_615 = arith.subi %while3A_613, %sub3A_614 : i32
    %max3A_616 = arith.maxsi %sub3A_615, %max3A_580 : i32
    %add3A_617 = arith.constant 96 : i32
    %add3A_618 = arith.addi %min3A_19, %add3A_617 : i32
    %mul3A_619 = arith.constant 8 : i32
    %mul3A_620 = arith.muli %add3A_618, %mul3A_619 : i32
    %dma_start3A_621 = arith.constant 0 : i32
    %dma_start3A_622 = tpu.memref_slice %arg5[%mul3A_620, %dma_start3A_621] : memref<26000x1024xi32, #tpu.memory_space<hbm>> -> memref<48x1024xi32, #tpu.memory_space<hbm>>
    %dma_start3A_623 = arith.constant 0 : i32
    %dma_start3A_624 = tpu.memref_slice %arg5[%mul3A_620, %dma_start3A_623] : memref<26000x1024xi32, #tpu.memory_space<hbm>> -> memref<48x1024xi32, #tpu.memory_space<hbm>>
    tpu.enqueue_dma source(%arg8 : memref<48x1024xi32, #tpu.memory_space<vmem>>) target(%dma_start3A_624 : memref<48x1024xi32, #tpu.memory_space<hbm>>) target_semaphore(%arg10 : memref<!tpu.dma_semaphore, #tpu.memory_space<semaphore_mem>>)
    %dma_wait3A_625 = arith.constant 0 : i32
    %dma_wait3A_626 = tpu.memref_slice %arg5[%mul3A_620, %dma_wait3A_625] : memref<26000x1024xi32, #tpu.memory_space<hbm>> -> memref<48x1024xi32, #tpu.memory_space<hbm>>
    %dma_wait3A_627 = arith.constant 0 : i32
    %dma_wait3A_628 = tpu.memref_slice %arg5[%mul3A_620, %dma_wait3A_627] : memref<26000x1024xi32, #tpu.memory_space<hbm>> -> memref<48x1024xi32, #tpu.memory_space<hbm>>
    tpu.wait_dma2 semaphore(%arg10 : memref<!tpu.dma_semaphore, #tpu.memory_space<semaphore_mem>>) src(%arg8 : memref<48x1024xi32, #tpu.memory_space<vmem>>) dst(%dma_wait3A_628 : memref<48x1024xi32, #tpu.memory_space<hbm>>)
    %dma_wait3A_629 = arith.constant 0 : i32
    %dma_wait3A_630 = tpu.memref_slice %arg5[%mul3A_584, %dma_wait3A_629] : memref<26000x1024xi32, #tpu.memory_space<hbm>> -> memref<48x1024xi32, #tpu.memory_space<hbm>>
    %dma_wait3A_631 = arith.constant 0 : i32
    %dma_wait3A_632 = tpu.memref_slice %arg5[%mul3A_584, %dma_wait3A_631] : memref<26000x1024xi32, #tpu.memory_space<hbm>> -> memref<48x1024xi32, #tpu.memory_space<hbm>>
    tpu.wait_dma2 semaphore(%arg11 : memref<!tpu.dma_semaphore, #tpu.memory_space<semaphore_mem>>) src(%arg9 : memref<48x1024xi32, #tpu.memory_space<vmem>>) dst(%dma_wait3A_632 : memref<48x1024xi32, #tpu.memory_space<hbm>>)
    return
  }
}

</mosaic_0001>

<sc_bundles>
// kernel: kernel.3.cloned.1.call-start
scs
__scs_entry_jumppad:
0x0: {  	(pc) =	sbr.rel $0x88, $3  }
0x1: {  	(tag) =	ssettag $0x0;
	lr =	simm.s32 $0x1  }
0x2: {  	[smem:$0x3FA0] =	sst lr;
	_ =	strace $0xD0000000  }
0x3: {  	_ = 	snop  }
0x4: {  	_ = 	snop  }
0x5: {  	_ = 	snop  }
0x6: {  	_ = 	snop  }
0x7: {  	_ = 	snop  }
__scs_overlays_trampoline_lowered:
0x8: {  	[smem:$0x3FAF] =	sst s0  }
0x9: {  	[smem:$0x3FB0] =	sst s1  }
0xa: {  	[smem:$0x3FB1] =	sst s2  }
0xb: {  	[smem:$0x3FB2] =	sst s3  }
0xc: {  	[smem:$0x3FB3] =	sst s4  }
0xd: {  	[smem:$0x3FB4] =	sst s5  }
0xe: {  	[smem:$0x3FB5] =	sst s6  }
0xf: {  	[smem:$0x3FB6] =	sst s7  }
0x10: {  	[smem:$0x3FB7] =	sst s8  }
0x11: {  	[smem:$0x3FB8] =	sst s9;
	s0 =	simm.s32 @!p0 $0x0  }
0x12: {  	s1 =	sld [smem:$0x3F9E];
	s0 =	simm.s32 @p0 $0x1  }
0x13: {  	[smem:$0x3FB9] =	sst s0;
	s0 =	simm.s32 @!p1 $0x0  }
0x14: {  	s2 =	sld [smem:$0x3F9D];
	s0 =	simm.s32 @p1 $0x1  }
0x15: {  	[smem:$0x3FBA] =	sst s0;
	s0 =	simm.s32 @!p2 $0x0  }
0x16: {  	s3 =	sld [smem:$0x3FDB];
	s0 =	simm.s32 @p2 $0x1  }
0x17: {  	s4 =	simm.s32 $0x1BF5;
	[smem:$0x3FBC] =	sst s0  }
0x18: {  	s0 =	sld [smem:$0x3F9F];
	_ =	swait.ge [sflag:s4], $0x0  }
0x19: {  	s7 =	sld [smem:$0x3FA0]  }
0x1a: {  	s8 =	sadd.s32 $0xFFFFE003, lr  }
0x1b: {  	s9 =	sadd.s32 $0xFFFFFEF7, lr;
	s5 =	simm.s32 $0xFFFFFFFF;
	p2 =	slt.u32 s8, $0xFFFFF086  }
0x1c: {  	p1 =	slt.u32 s9, $0xF7A;
	s5 =	simm.s32 @!p2 $0x0  }
0x1d: {  	s5 =	simm.s32 @p1 $0x1;
	p0 =	seq.s32 s7, s2  }
0x1e: {  	s7 =	smul.u32 @!p0 $0xF7A, s2;
	p2 =	seq.s32 @!p0 s5, $0x0  }
0x1f: {  	s9 =	smul.u32 $0xF7A, s1;
	s8 =	simm.s32 @!p0 $0x1BF5;
	p2 =	por !p2, p0  }
0x20: {  	[sflag:s8] =	ssyncset.s32 @!p0 $0xFFFFF086;
	s6 =	sadd.s32 @!p0 s3, s7;
	s7 =	simm.s32 @!p0 $0x108  }
0x21: {  	s3 =	sadd.s32 s3, s9;
	s6 =	sadd.s32 @!p0 $0x88, s6;
	s7 =	simm.s32 @p2 $0x1082  }
0x22: {  	[simem:s7], [sflag:s8] =	dma.local @!p0 [hbm:s6], $0xF7A  }
0x23: {  	s9 =	sor.u32 $0xD0000000, s2;
	s6 =	simm.s32 $0x108;
	_ =	swait.ge @!p0 [sflag:s8], $0x0  }
0x24: {  	s3 =	sadd.s32 $0x88, s3;
	s6 =	simm.s32 @!p1 $0x1082;
	[sflag:s4] =	ssyncset.s32 $0xFFFFF086  }
0x25: {  	[simem:s6], [sflag:s4] =	dma.local [hbm:s3], $0xF7A  }
0x26: {  	[smem:$0x3FA0] =	sst s1;
	(tag) =	ssettag s2;
	_ =	strace s9  }
0x27: {  	s1 =	sld [smem:$0x3FB0]  }
0x28: {  	s2 =	sld [smem:$0x3FB1]  }
0x29: {  	s4 =	sld [smem:$0x3FB3]  }
0x2a: {  	p0 =	seq.s32 s5, $0x0;
	s5 =	sld [smem:$0x3FB4]  }
0x2b: {  	s6 =	sld [smem:$0x3FB5]  }
0x2c: {  	s7 =	sld [smem:$0x3FB6]  }
0x2d: {  	s3 =	simm.s32 $0x108;
	s8 =	sld [smem:$0x3FB7]  }
0x2e: {  	s3 =	simm.s32 @!p0 $0x1082;
	s9 =	sld [smem:$0x3FB8]  }
0x2f: {  	lr =	sadd.s32 s0, s3;
	s0 =	sld [smem:$0x3FAF]  }
0x30: {  	s3 =	sld [smem:$0x3FB2]  }
0x31: {  	[smem:$0x3FBB] =	sst s10  }
0x32: {  	s10 =	sld [smem:$0x3FB9];
	_ =	sdelay $0x3  }
0x33: {  	p0 =	seq.s32 s10, $0x1;
	s10 =	sld [smem:$0x3FBB];
	_ =	sdelay $0x3  }
0x34: {  	[smem:$0x3FBB] =	sst s10  }
0x35: {  	s10 =	sld [smem:$0x3FBA];
	_ =	sdelay $0x3  }
0x36: {  	p1 =	seq.s32 s10, $0x1;
	s10 =	sld [smem:$0x3FBB];
	_ =	sdelay $0x3  }
0x37: {  	[smem:$0x3FBB] =	sst s10  }
0x38: {  	s10 =	sld [smem:$0x3FBC]  }
0x39: {  	_ = 	snop;
	(pc) =	sbr.ind lr, $3  }
0x3a: {  	_ = 	snop  }
0x3b: {  	_ = 	snop  }
0x3c: {  	p2 =	seq.s32 s10, $0x1;
	s10 =	sld [smem:$0x3FBB]  }
0x3d: {  	_ =	shalt  }
0x3e: {  	_ =	shalt  }
0x3f: {  	_ =	shalt  }
0x40: {  	_ =	shalt  }
0x41: {  	_ =	shalt  }
0x42: {  	_ =	shalt  }
0x43: {  	_ =	shalt  }
0x44: {  	_ =	shalt  }
0x45: {  	_ =	shalt  }
0x46: {  	_ =	shalt  }
0x47: {  	_ =	shalt  }
0x48: {  	_ =	shalt  }
0x49: {  	_ =	shalt  }
0x4a: {  	_ =	shalt  }
0x4b: {  	_ =	shalt  }
0x4c: {  	_ =	shalt  }
0x4d: {  	_ =	shalt  }
0x4e: {  	_ =	shalt  }
0x4f: {  	_ =	shalt  }
0x50: {  	_ =	shalt  }
0x51: {  	_ =	shalt  }
0x52: {  	_ =	shalt  }
0x53: {  	_ =	shalt  }
0x54: {  	_ =	shalt  }
0x55: {  	_ =	shalt  }
0x56: {  	_ =	shalt  }
0x57: {  	_ =	shalt  }
0x58: {  	_ =	shalt  }
0x59: {  	_ =	shalt  }
0x5a: {  	_ =	shalt  }
0x5b: {  	_ =	shalt  }
0x5c: {  	_ =	shalt  }
0x5d: {  	_ =	shalt  }
0x5e: {  	_ =	shalt  }
0x5f: {  	_ =	shalt  }
0x60: {  	_ =	shalt  }
0x61: {  	_ =	shalt  }
0x62: {  	_ =	shalt  }
0x63: {  	_ =	shalt  }
0x64: {  	_ =	shalt  }
0x65: {  	_ =	shalt  }
0x66: {  	_ =	shalt  }
0x67: {  	_ =	shalt  }
0x68: {  	_ =	shalt  }
0x69: {  	_ =	shalt  }
0x6a: {  	_ =	shalt  }
0x6b: {  	_ =	shalt  }
0x6c: {  	_ =	shalt  }
0x6d: {  	_ =	shalt  }
0x6e: {  	_ =	shalt  }
0x6f: {  	_ =	shalt  }
0x70: {  	_ =	shalt  }
0x71: {  	_ =	shalt  }
0x72: {  	_ =	shalt  }
0x73: {  	_ =	shalt  }
0x74: {  	_ =	shalt  }
0x75: {  	_ =	shalt  }
0x76: {  	_ =	shalt  }
0x77: {  	_ =	shalt  }
0x78: {  	_ =	shalt  }
0x79: {  	_ =	shalt  }
0x7a: {  	_ =	shalt  }
0x7b: {  	_ =	shalt  }
0x7c: {  	_ =	shalt  }
0x7d: {  	_ =	shalt  }
0x7e: {  	_ =	shalt  }
0x7f: {  	_ =	shalt  }
0x80: {  	_ =	shalt  }
0x81: {  	_ =	shalt  }
0x82: {  	_ =	shalt  }
0x83: {  	_ =	shalt  }
0x84: {  	_ =	shalt  }
0x85: {  	_ =	shalt  }
0x86: {  	_ =	shalt  }
0x87: {  	_ =	shalt  }
.Lfunc_end0:
.L_simem_size_0:
called_computation_lowered:
.L_overlay_start_0:
0x88: {  	s2 =	sld [smem:$0x3FD9]  }
0x89: {  	s3 =	sld [smem:$0x3FFE];
	_ =	sdelay $0x1  }
0x8a: {  	s1 =	srdreg.scid  }
0x8b: {  	s0 =	sand.u32 $0x1, s1  }
0x8c: {  	s17 =	sshll.u32 s0, $0xA;
	s2 =	sadd.s32 s3, s2  }
0x8d: {  	s2 =	sadd.s32 s2, s17  }
0x8e: {  	[smem:$0x3FC7] =	sst s2  }
0x8f: {  	_ = 	snop  }
0x90: {  	s2 =	sld [smem:$0x3FD0];
	(tm) =	ssettm $0x1  }
0x91: {  	s18 =	sld [smem:$0x3FFB];
	_ =	sdelay $0x3  }
0x92: {  	_ =	strace s18  }
0x93: {  	s3 =	sld [smem:$0x3FFC];
	_ =	sdelay $0x3  }
0x94: {  	_ =	strace s3  }
0x95: {  	s3 =	sld [smem:$0x3FFD];
	_ =	sdelay $0x3  }
0x96: {  	_ =	strace s3  }
0x97: {  	_ =	strace $0x8FFFFFFF  }
0x98: {  	s19 =	sld [smem:$0x3FDB];
	_ =	sdelay $0x1  }
0x99: {  	s4 =	simm.s32 $_scs_section_size  }
0x9a: {  	s5 =	simm.s32 $_size__tile_overlayer_lowered;
	s6 =	simm.s32 $_tile_overlayer_lowered  }
0x9b: {  	s22 =	simm.s32 $0x1BFF;
	s21 =	sshll.u32 s6, $0x1;
	s3 =	sadd.s32 s4, s19  }
0x9c: {  	s7 =	simm.s32 $0x0;
	s20 =	sshll.u32 s5, $0x1;
	s5 =	sadd.s32 s21, s3  }
0x9d: {  	[timem:s7], [sflag:s22] =	dma.local [hbm:s5], s20  }
0x9e: {  	_ =	swait.ge [sflag:s22], s20  }
0x9f: {  	s4 =	ssub.s32 $0x0, s20;
	[sflag:s22] =	ssyncset.done $0x0  }
0xa0: {  	[sflag:s22] =	ssyncadd.s32 s4;
	_ =	sdelay $0x1  }
0xa1: {  	s23 =	simm.s32 $0x1B8B  }
0xa2: {  	_ =	swait.ge [sflag:s23], $0x1  }
0xa3: {  	[sflag:s23] =	ssyncset.done $0x0  }
0xa4: {  	s25 =	simm.s32 $0x1B8E;
	s24 =	sld [smem:$0x3FFE];
	[sflag:s23] =	ssyncadd.s32 $0xFFFFFFFF  }
0xa5: {  	s26 =	simm.s32 $execute0_lowered;
	[smem:$0x3FD2] =	sst s25  }
0xa6: {  	s5 =	sshll.u32 s26, $0x1;
	_ =	strace $0x80000046;
	[dreg:$0x1] =	wrdreg $0xFFFFFFFF  }
0xa7: {  	s28 =	simm.s32 $_size_execute0_lowered;
	s3 =	sadd.s32 s3, s5;
	[dreg:$0x0] =	wrdreg $0x0  }
0xa8: {  	s5 =	sshll.u32 s28, $0x1;
	[dreg:$0x2] =	wrdreg s3  }
0xa9: {  	[dreg:$0x3] =	wrdreg s5  }
0xaa: {  	[dreg:$0x4] =	wrdreg $0xC0  }
0xab: {  	_ =	task [dreg:s7], $0x5FFFF  }
0xac: {  	[dreg:$0x1] =	wrdreg $0xFFFFFFFF  }
0xad: {  	[dreg:$0x0] =	wrdreg $0x60  }
0xae: {  	[dreg:$0x2] =	wrdreg s24  }
0xaf: {  	[dreg:$0x3] =	wrdreg s2  }
0xb0: {  	[dreg:$0x4] =	wrdreg $0x9  }
0xb1: {  	_ =	task.clear_ibuf [dreg:s7], $0x5FFFF;
	_ =	strace $0x90000046  }
0xb2: {  	s29 =	simm.s32 $0x9;
	_ =	strace $0x80000048  }
0xb3: {  	_ =	swait.ge [sflag:s29], $0x1  }
0xb4: {  	[sflag:s29] =	ssyncadd.s32 $0xFFFFFFFF  }
0xb5: {  	_ =	strace $0x90000048  }
0xb6: {  	_ =	sfence  }
0xb7: {  	s30 =	sld [smem:$0x0];
	_ =	sdelay $0x2  }
0xb8: {  	s31 =	sshll.u32 s1, $0xD;
	s1 =	sshrl.u32 s1, $0x2  }
0xb9: {  	s3 =	sand.u32 $0x4000, s31;
	s1 =	sadd.s32 s1, s30  }
0xba: {  	s0 =	sor.u32 s3, s0;
	s1 =	sshll.u32 s1, $0x11  }
0xbb: {  	s0 =	sor.u32 s1, s0  }
0xbc: {  	s0 =	sadd.s32 $0x8F2B, s0  }
0xbd: {  	[sflag:s0] =	ssyncadd.remote.s32 $0x1  }
0xbe: {  	_ =	sfence.sel $0xFFFF  }
0xbf: {  	[dreg:$0x0] =	wrdreg $0xFFFFFFFF;
	(pc) =	sbr.abs _section_cstart, $3  }
0xc0: {  	[dreg:$0x1] =	wrdreg $0xFFFFFFFF  }
0xc1: {  	_ =	task.clear_ibuf [dreg:s7], $0x2FFFF;
	_ =	strace $0x9FFFFFFF  }
0xc2: {  	(tm) =	ssettm $0x7FFFFFFF  }
0xc3: {  	_ =	shalt  }
tec
execute0_lowered:
.L_overlay_start_1:
0x0: {  	(tag) =	ssettag $0x1  }
0x1: {  	s0 =	srdreg.scid;
	s1 =	stileid.u32  }
0x2: {  	s0 =	sand.u32 $0x1, s0;
	s16 =	sshll.u32 s1, $0x1  }
0x3: {  	s17 =	sor.u32 s0, s16  }
0x4: {  	s13 =	smul.u32 $0xCB2, s17  }
0x5: {  	s18 =	rddreg [dreg:$0x1];
	s23 =	simm.s32 $0x0;
	s0 =	ssub.s32 $0x2, s0  }
0x6: {  	[smem:$0x7FF] =	sst s23;
	s2 =	sshrl.u32 s0, $0x1;
	s19 =	sshrl.u32 s13, $0x5  }
0x7: {  	s16 =	sand.u32 $0x10, s16;
	s24 =	ssub.s32 s0, s2;
	s20 =	sadd.s32 $0x6, s19  }
0x8: {  	s13 =	sadd.s32 $0xC, s19;
	s14 =	sshll.u32 s19, $0xA;
	s10 =	sadd.s32 $0x1E, s19  }
0x9: {  	s11 =	sadd.s32 $0x24, s19;
	s12 =	sadd.s32 $0x2A, s19;
	s15 =	sshll.u32 s20, $0xA  }
0xa: {  	s3 =	sshll.u32 s13, $0xA;
	s0 =	sadd.s32 s18, s14;
	s14 =	sadd.s32 $0x12, s19  }
0xb: {  	s1 =	sshll.u32 s10, $0xA;
	s6 =	sshll.u32 s11, $0xA;
	s7 =	sshll.u32 s12, $0xA  }
0xc: {  	[dreg:$0x3] =	wrdreg s0;
	s21 =	sadd.s32 s18, s15;
	s22 =	sadd.s32 s18, s3  }
0xd: {  	s15 =	sadd.s32 $0x18, s19;
	s25 =	sshll.u32 s14, $0xA;
	[dreg:$0x4] =	wrdreg s21  }
0xe: {  	s5 =	sadd.s32 s18, s1;
	s2 =	sadd.s32 s18, s6;
	[dreg:$0x5] =	wrdreg s22  }
0xf: {  	s8 =	sadd.s32 s18, s7;
	s7 =	sadd.s32 $0x4E, s19;
	[dreg:$0x8] =	wrdreg s5  }
0x10: {  	s26 =	sshll.u32 s15, $0xA;
	s0 =	sadd.s32 s18, s25;
	[dreg:$0x9] =	wrdreg s2  }
0x11: {  	[dreg:$0xa] =	wrdreg s8;
	s8 =	sadd.s32 $0x36, s19;
	s2 =	sadd.s32 $0x42, s19  }
0x12: {  	s6 =	sshll.u32 s7, $0xA;
	[dreg:$0x6] =	wrdreg s0;
	s4 =	sadd.s32 s18, s26  }
0x13: {  	s0 =	sadd.s32 $0x30, s19;
	s21 =	sshll.u32 s8, $0xA;
	s5 =	sshll.u32 s2, $0xA  }
0x14: {  	[dreg:$0x7] =	wrdreg s4;
	s4 =	sshll.u32 s0, $0xA;
	s3 =	sadd.s32 s18, s21  }
0x15: {  	s26 =	sadd.s32 s18, s5;
	s9 =	sadd.s32 s18, s4;
	[dreg:$0xc] =	wrdreg s3  }
0x16: {  	[dreg:$0xe] =	wrdreg s26;
	s3 =	sadd.s32 $0x48, s19;
	s4 =	sadd.s32 $0x54, s19  }
0x17: {  	[dreg:$0xb] =	wrdreg s9;
	s9 =	sadd.s32 $0x3C, s19;
	s1 =	sshll.u32 s3, $0xA  }
0x18: {  	s22 =	sshll.u32 s9, $0xA;
	s5 =	sadd.s32 s18, s1;
	s1 =	rddreg [dreg:$0x0]  }
0x19: {  	s21 =	sshll.u32 s4, $0xA;
	s25 =	sadd.s32 s18, s22;
	[dreg:$0xf] =	wrdreg s5  }
0x1a: {  	s22 =	sadd.s32 s18, s6;
	s5 =	sadd.s32 $0x5A, s19;
	[dreg:$0xd] =	wrdreg s25  }
0x1b: {  	s6 =	sadd.s32 $0x60, s19;
	[dreg:$0x10] =	wrdreg s22;
	s25 =	sadd.s32 s18, s21  }
0x1c: {  	s26 =	sshll.u32 s5, $0xA;
	s22 =	sshll.u32 s6, $0xA;
	[dreg:$0x11] =	wrdreg s25  }
0x1d: {  	s21 =	sadd.s32 s18, s26;
	s18 =	sadd.s32 s18, s22;
	s22 =	sshll.u32 s19, $0xD  }
0x1e: {  	s25 =	sshll.u32 s19, $0x3;
	s26 =	sshll.u32 s20, $0xD;
	[dreg:$0x12] =	wrdreg s21  }
0x1f: {  	s19 =	sshll.u32 s0, $0x3;
	s0 =	sshll.u32 s0, $0xD;
	[dreg:$0x13] =	wrdreg s18  }
0x20: {  	s18 =	sand.u32 $0xF, s17;
	s21 =	sadd.s32 $0xC000, s22;
	s17 =	sshll.u32 s20, $0x3  }
0x21: {  	v0 =	vmov s22;
	v1 =	vmov s25;
	s20 =	sadd.s32 $0xC000, s26;
	s22 =	sshll.u32 s14, $0x3;
	s25 =	sshll.u32 s15, $0x3  }
0x22: {  	v2 =	vmov s26;
	s26 =	sshll.u32 s10, $0x3;
	v10 =	vmov s19;
	s19 =	sshll.u32 s7, $0x3;
	s10 =	sshll.u32 s10, $0xD  }
0x23: {  	s31 =	sadd.s32 $0xC000, s0;
	_ =	strace $0x80000047;
	[dreg:$0x14] =	wrdreg s16  }
0x24: {  	v51 =	vmov s18;
	s18 =	sshll.u32 s13, $0x3;
	v3 =	vmov s17;
	v5 =	vmov s22;
	s17 =	sshll.u32 s11, $0x3;
	s22 =	sshll.u32 s8, $0x3  }
0x25: {  	v6 =	vmov s25;
	v7 =	vmov s26;
	s25 =	sshll.u32 s9, $0x3;
	s26 =	sshll.u32 s2, $0x3;
	s13 =	sshll.u32 s13, $0xD  }
0x26: {  	v52 =	vlaneseq.u32;
	v53 =	vimm.s32 $0x0;
	v15 =	vmov s19;
	s16 =	sshll.u32 s14, $0xD;
	s28 =	sadd.s32 $0xC000, s10;
	s19 =	sshll.u32 s11, $0xD  }
0x27: {  	v31 =	vmov s0;
	v20 =	vmov s21;
	v25 =	vmov s10;
	s8 =	sshll.u32 s8, $0xD;
	s10 =	sshll.u32 s9, $0xD;
	[dreg:$0x15] =	wrdreg s21  }
0x28: {  	v23 =	vmov s20;
	s2 =	sshll.u32 s2, $0xD;
	v36 =	vmov s31;
	s11 =	sshll.u32 s3, $0xD;
	[dreg:$0x16] =	wrdreg s20;
	v4 =	vmov s18  }
0x29: {  	s18 =	sshll.u32 s12, $0x3;
	v8 =	vmov s17;
	v11 =	vmov s22;
	v12 =	vmov s25;
	s22 =	sshll.u32 s4, $0x3;
	s25 =	sshll.u32 s5, $0x3  }
0x2a: {  	v13 =	vmov s26;
	s26 =	sshll.u32 s6, $0x3;
	v19 =	vmov s13;
	s17 =	sadd.s32 $0xC000, s13;
	v21 =	vmov s16;
	s29 =	sadd.s32 $0xC000, s19  }
0x2b: {  	v27 =	vmov s19;
	v30 =	vmov s28;
	v33 =	vmov s8;
	s14 =	sadd.s32 $0xC000, s8;
	s0 =	sadd.s32 $0xC000, s10;
	s4 =	sshll.u32 s4, $0xD  }
0x2c: {  	v34 =	vmov s10;
	v37 =	vmov s2;
	v39 =	vmov s11;
	s5 =	sshll.u32 s5, $0xD;
	s6 =	sshll.u32 s6, $0xD;
	s19 =	smax.u32 s24, $0x1  }
0x2d: {  	s24 =	sadd.s32 $0xE00, s1;
	s1 =	sadd.s32 $0x1000, s1;
	s10 =	simm.s32 $0x6900;
	vm0 =	veq.s32 v51, v52;
	v51 =	vimm.s32 $0x40000000;
	v52 =	vimm.s32 $0x1  }
0x2e: {  	v9 =	vmov s18;
	s18 =	sshll.u32 s3, $0x3;
	v16 =	vmov s22;
	v17 =	vmov s25;
	s25 =	sadd.s32 $0xC000, s16;
	[dreg:$0x1a] =	wrdreg s19  }
0x2f: {  	v18 =	vmov s26;
	v24 =	vmov s17;
	s22 =	sshll.u32 s12, $0xD;
	v32 =	vmov s29;
	s12 =	sshll.u32 s7, $0xD;
	[dreg:$0x1b] =	wrdreg s24  }
0x30: {  	v38 =	vmov s14;
	v41 =	vmov s0;
	v43 =	vmov s4;
	s4 =	sadd.s32 $0xC000, s4;
	s13 =	sadd.s32 $0xC000, s5;
	[dreg:$0x1c] =	wrdreg s1  }
.Ltmp0:
0x31: {  	v45 =	vmov s5;
	v46 =	vmov s6;
	s24 =	simm.s32 $0x1;
	s19 =	simm.s32 $0x2;
	v14 =	vmov s18;
	(pc) =	sbr.rel .LBB2_1-.Ltmp0, $4  }
0x32: {  	[dreg:$0x18] =	wrdreg s17;
	s18 =	sshll.u32 s15, $0xD;
	v26 =	vmov s25;
	v28 =	vmov s22;
	s30 =	sadd.s32 $0xC000, s22;
	v40 =	vmov s12  }
0x33: {  	s3 =	sadd.s32 $0xC000, s12;
	s15 =	sadd.s32 $0xC000, s6;
	v48 =	vmov s4;
	v49 =	vmov s13;
	[dreg:$0x17] =	wrdreg s13;
	v22 =	vmov s18  }
0x34: {  	s26 =	sadd.s32 $0xC000, s18;
	v35 =	vmov s30;
	s18 =	sadd.s32 $0xC000, s2;
	s2 =	sadd.s32 $0xC000, s11;
	v47 =	vmov s3;
	v50 =	vmov s15  }
0x35: {  	s5 =	simm.s32 $0x0;
	s11 =	simm.s32 $0x12900;
	[dreg:$0x19] =	wrdreg s15;
	v29 =	vmov s26;
	v42 =	vmov s18;
	v44 =	vmov s2  }
.LBB2_92:
0x36: {  	s23 =	simm.s32 $0x0;
	s1 =	rddreg [dreg:$0x13]  }
0x37: {  	[hbm4b:s1+s23] =	stream.linear.scatter [tilespmem:s10], [sflag:$0x1], $0xC000, $0x38;
	[tilespmem:$0x1E900] =	vst v63  }
0x38: {  	_ =	swait.ge [sflag:s24], $0xC000  }
0x39: {  	[sflag:s24] =	ssyncset.done $0x0  }
0x3a: {  	s19 =	simm.s32 $0x2;
	[sflag:s24] =	ssyncadd.s32 $0xFFFF4000  }
0x3b: {  	_ =	swait.ge [sflag:s19], $0xC000  }
0x3c: {  	s5 =	rddreg [dreg:$0x1d]  }
0x3d: {  	s22 =	rddreg [dreg:$0x1a];
	s5 =	sadd.s32 $0x1, s5  }
0x3e: {  	p0 =	sne.s32 s5, s22  }
.Ltmp1:
0x3f: {  	_ = 	snop;
	(pc) =	sbr.rel @!p0 .LBB2_93-.Ltmp1, $4  }
0x40: {  	_ = 	snop  }
0x41: {  	s21 =	rddreg [dreg:$0x15]  }
0x42: {  	[sflag:s19] =	ssyncset.done $0x0;
	s20 =	rddreg [dreg:$0x16]  }
0x43: {  	s17 =	rddreg [dreg:$0x18];
	[sflag:s19] =	ssyncadd.s32 $0xFFFF4000  }
.LBB2_1:
0x44: {  	s1 =	rddreg [dreg:$0x0]  }
0x45: {  	[tilespmem:s23], [sflag:$0x1] =	stream.linear.gather [hbm4b:s1+s23], $0x6800, $0x38;
	[tilespmem:$0x1E900] =	vst v63  }
0x46: {  	s8 =	rddreg [dreg:$0x1c]  }
0x47: {  	[tilespmem:s10], [sflag:$0x2] =	stream.linear.gather [hbm4b:s8+s23], $0xC000, $0x38;
	[tilespmem:$0x1E900] =	vst v63  }
0x48: {  	[dreg:$0x1d] =	wrdreg s5  }
0x49: {  	[tilespmem:s11], [sflag:$0x2] =	stream.linear.gather [hbm4b:s8+s23], $0xC000, $0x38;
	[tilespmem:$0x1E900] =	vst v63  }
0x4a: {  	s9 =	rddreg [dreg:$0x1b];
	s12 =	simm.s32 $0x6880;
	s13 =	simm.s32 $0x3  }
0x4b: {  	[tilespmem:s12], [sflag:$0x3] =	stream.linear.gather [hbm4b:s9+s23], $0x80, $0x38;
	[tilespmem:$0x1E900] =	vst v63  }
0x4c: {  	_ =	swait.ge [sflag:s13], $0x80  }
0x4d: {  	[sflag:s13] =	ssyncset.done $0x0  }
0x4e: {  	[sflag:s13] =	ssyncadd.s32 $0xFFFFFF80  }
0x4f: {  	_ =	swait.ge [sflag:s24], $0x6800  }
0x50: {  	[sflag:s24] =	ssyncset.done $0x0  }
0x51: {  	[sflag:s24] =	ssyncadd.s32 $0xFFFF9800  }
0x52: {  	s15 =	rddreg [dreg:$0x14];
	[tilespmem:$0x6800] =	vst v51  }
0x53: {  	v54 =	vld [tilespmem:s15+$0x6880];
	_ =	sdelay $0x4  }
0x54: {  	v54 =	vnsel vm0, $0x0, v54  }
0x55: {  	(xrf0) =	vadd.scan.msk.s32 $0xffff, v54;
	_ =	sdelay $0x5  }
0x56: {  	v54, _, _ =	vpop (xrf0)  }
0x57: {  	(v2sf) =	vpush v54, $0xF;
	_ =	sdelay $0xe  }
0x58: {  	s16 =	spop (v2sf)  }
0x59: {  	s13 =	sshra.s32 s16, $0x4;
	_ =	swait.ge [sflag:s19], $0xC000  }
0x5a: {  	[sflag:s19] =	ssyncset.done $0x0;
	s1 =	sshll.u32 s13, $0x6  }
0x5b: {  	[sflag:s19] =	ssyncadd.s32 $0xFFFF4000;
	s8 =	sshra.s32 s1, $0x2  }
0x5c: {  	v54 =	vld [tilespmem:s8+$0x0];
	_ =	sdelay $0x4  }
0x5d: {  	(v2sf) =	vpush v54, $0x0;
	_ =	sdelay $0xe  }
0x5e: {  	s22 =	spop (v2sf)  }
0x5f: {  	p0 =	sge.s32 s22, s21  }
.Ltmp2:
0x60: {  	_ = 	snop;
	(pc) =	sbr.rel @p0 .LBB2_4-.Ltmp2, $2  }
0x61: {  	_ =	sdelay $0x2  }
0x62: {  	s1 =	smov.u32 s13;
	s6 =	sadd.s32 $0x10, s8  }
0x63: {  	s5 =	sadd.s32 $0x10, s8;
	s1 =	smov.u32 s13  }
.LBB2_3:
0x64: {  	vm1 =	vge.s32 v54, v0;
	v55 =	vshll.u32 v54, $0x3  }
0x65: {  	v56 =	vshra.s32 v54, $0xA;
	v57 =	vand.u32 $0x7F, v54;
	vm2 =	vlt.s32 v54, v20  }
0x66: {  	v55 =	vand.u32 $0x1C00, v55;
	v62 =	vsub.s32 v56, v1;
	v56 =	vshll.u32 v56, $0x7  }
0x67: {  	v55 =	vor.u32 v57, v55;
	v63 =	vshll.u32 v62, $0xA;
	v56 =	vand.u32 $0x380, v56  }
0x68: {  	vm1 =	vmand vm1, vm2;
	v54 =	vand.u32 $0xFFFFE000, v63;
	v55 =	vor.u32 v56, v55  }
0x69: {  	v54 =	vor.u32 v54, v55;
	_ =	sdelay $0x4  }
0x6a: {  	[tilespmem:v54+s10+$0x0] =	vst.idx.msk vm1, v52  }
0x6b: {  	v54 =	vld [tilespmem:s5+$0x0];
	_ =	sdelay $0x4  }
0x6c: {  	(v2sf) =	vpush v54, $0x0;
	_ =	sdelay $0xe  }
0x6d: {  	s7 =	spop (v2sf)  }
0x6e: {  	p0 =	slt.s32 s7, s21  }
.Ltmp3:
0x6f: {  	_ = 	snop;
	(pc) =	sbr.rel @p0 .LBB2_3-.Ltmp3, $2  }
0x70: {  	_ =	sdelay $0x2  }
0x71: {  	s1 =	sadd.s32 $0x1, s1;
	s5 =	sadd.s32 $0x10, s5  }
.LBB2_4:
0x72: {  	s7 =	sadd.s32 $0xFFFFFFFF, s1;
	s5 =	rddreg [dreg:$0x3]  }
0x73: {  	[hbm4b:s5+s23] =	stream.linear.scatter [tilespmem:s10], [sflag:$0x1], $0xC000, $0x38;
	[tilespmem:$0x1E900] =	vst v63  }
0x74: {  	s1 =	smov.u32 s13;
	p0 =	sgt.s32 s7, s13;
	[dreg:$0x1e] =	wrdreg s7  }
0x75: {  	s1 =	smov.u32 @p0 s7;
	_ =	swait.ge [sflag:s19], $0xC000  }
0x76: {  	[sflag:s19] =	ssyncset.done $0x0;
	s16 =	sshll.u32 s1, $0x6  }
0x77: {  	[sflag:s19] =	ssyncadd.s32 $0xFFFF4000;
	s7 =	sshra.s32 s16, $0x2  }
0x78: {  	v54 =	vld [tilespmem:s7+$0x0];
	_ =	sdelay $0x4  }
0x79: {  	(v2sf) =	vpush v54, $0x0;
	_ =	sdelay $0xe  }
0x7a: {  	s22 =	spop (v2sf)  }
0x7b: {  	p0 =	sge.s32 s22, s20  }
.Ltmp4:
0x7c: {  	_ = 	snop;
	(pc) =	sbr.rel @p0 .LBB2_7-.Ltmp4, $2  }
0x7d: {  	_ =	sdelay $0x2  }
0x7e: {  	s9 =	smov.u32 s1;
	s5 =	sadd.s32 $0x10, s7  }
0x7f: {  	s12 =	sadd.s32 $0x10, s7;
	s9 =	smov.u32 s1  }
.LBB2_6:
0x80: {  	vm1 =	vge.s32 v54, v2;
	v55 =	vshll.u32 v54, $0x3  }
0x81: {  	v56 =	vshra.s32 v54, $0xA;
	v57 =	vand.u32 $0x7F, v54;
	vm2 =	vlt.s32 v54, v23  }
0x82: {  	v55 =	vand.u32 $0x1C00, v55;
	v62 =	vsub.s32 v56, v3;
	v56 =	vshll.u32 v56, $0x7  }
0x83: {  	v55 =	vor.u32 v57, v55;
	v63 =	vshll.u32 v62, $0xA;
	v56 =	vand.u32 $0x380, v56  }
0x84: {  	vm1 =	vmand vm1, vm2;
	v54 =	vand.u32 $0xFFFFE000, v63;
	v55 =	vor.u32 v56, v55  }
0x85: {  	v54 =	vor.u32 v54, v55;
	_ =	sdelay $0x4  }
0x86: {  	[tilespmem:v54+s11+$0x0] =	vst.idx.msk vm1, v52  }
0x87: {  	v54 =	vld [tilespmem:s12+$0x0];
	_ =	sdelay $0x4  }
0x88: {  	(v2sf) =	vpush v54, $0x0;
	_ =	sdelay $0xe  }
0x89: {  	s15 =	spop (v2sf)  }
0x8a: {  	p0 =	slt.s32 s15, s20  }
.Ltmp5:
0x8b: {  	_ = 	snop;
	(pc) =	sbr.rel @p0 .LBB2_6-.Ltmp5, $2  }
0x8c: {  	_ =	sdelay $0x2  }
0x8d: {  	s9 =	sadd.s32 $0x1, s9;
	s12 =	sadd.s32 $0x10, s12  }
.LBB2_7:
0x8e: {  	s12 =	rddreg [dreg:$0x4]  }
0x8f: {  	[hbm4b:s12+s23] =	stream.linear.scatter [tilespmem:s11], [sflag:$0x2], $0xC000, $0x38;
	[tilespmem:$0x1E900] =	vst v63  }
0x90: {  	_ =	swait.ge [sflag:s24], $0xC000  }
0x91: {  	[sflag:s24] =	ssyncset.done $0x0  }
0x92: {  	[sflag:s24] =	ssyncadd.s32 $0xFFFF4000  }
0x93: {  	v54 =	vld [tilespmem:s8+$0x0];
	_ =	sdelay $0x4  }
0x94: {  	(v2sf) =	vpush v54, $0x0;
	_ =	sdelay $0xe  }
0x95: {  	s22 =	spop (v2sf)  }
0x96: {  	p0 =	sge.s32 s22, s21  }
.Ltmp6:
0x97: {  	_ = 	snop;
	(pc) =	sbr.rel @p0 .LBB2_9-.Ltmp6, $1  }
0x98: {  	_ =	sdelay $0x3  }
.LBB2_8:
0x99: {  	vm1 =	vge.s32 v54, v0;
	v55 =	vshll.u32 v54, $0x3  }
0x9a: {  	v56 =	vshra.s32 v54, $0xA;
	v57 =	vand.u32 $0x7F, v54;
	vm2 =	vlt.s32 v54, v20  }
0x9b: {  	v55 =	vand.u32 $0x1C00, v55;
	v62 =	vsub.s32 v56, v1;
	v56 =	vshll.u32 v56, $0x7  }
0x9c: {  	v55 =	vor.u32 v57, v55;
	v63 =	vshll.u32 v62, $0xA;
	v56 =	vand.u32 $0x380, v56  }
0x9d: {  	vm1 =	vmand vm1, vm2;
	v54 =	vand.u32 $0xFFFFE000, v63;
	v55 =	vor.u32 v56, v55  }
0x9e: {  	v54 =	vor.u32 v54, v55;
	_ =	sdelay $0x4  }
0x9f: {  	[tilespmem:v54+s10+$0x0] =	vst.idx.msk vm1, v53  }
0xa0: {  	v54 =	vld [tilespmem:s6+$0x0];
	_ =	sdelay $0x4  }
0xa1: {  	(v2sf) =	vpush v54, $0x0;
	_ =	sdelay $0xe  }
0xa2: {  	s8 =	spop (v2sf)  }
0xa3: {  	p0 =	slt.s32 s8, s21  }
.Ltmp7:
0xa4: {  	_ = 	snop;
	(pc) =	sbr.rel @p0 .LBB2_8-.Ltmp7, $2  }
0xa5: {  	_ =	sdelay $0x2  }
0xa6: {  	s6 =	sadd.s32 $0x10, s6  }
.LBB2_9:
0xa7: {  	s6 =	sadd.s32 $0xFFFFFFFF, s9  }
0xa8: {  	p0 =	sgt.s32 s6, s1  }
0xa9: {  	s1 =	smov.u32 @p0 s6  }
0xaa: {  	[dreg:$0x1f] =	wrdreg s6;
	s6 =	sshll.u32 s1, $0x6  }
0xab: {  	s9 =	sshra.s32 s6, $0x2  }
0xac: {  	v54 =	vld [tilespmem:s9+$0x0];
	_ =	sdelay $0x4  }
0xad: {  	(v2sf) =	vpush v54, $0x0;
	_ =	sdelay $0xe  }
0xae: {  	s22 =	spop (v2sf)  }
0xaf: {  	p0 =	sge.s32 s22, s17  }
.Ltmp8:
0xb0: {  	_ = 	snop;
	(pc) =	sbr.rel @p0 .LBB2_12-.Ltmp8, $2  }
0xb1: {  	_ =	sdelay $0x2  }
0xb2: {  	s8 =	smov.u32 s1;
	s6 =	sadd.s32 $0x10, s9  }
0xb3: {  	s12 =	sadd.s32 $0x10, s9;
	s8 =	smov.u32 s1  }
.LBB2_11:
0xb4: {  	vm1 =	vge.s32 v54, v19;
	v55 =	vshll.u32 v54, $0x3  }
0xb5: {  	v56 =	vshra.s32 v54, $0xA;
	v57 =	vand.u32 $0x7F, v54;
	vm2 =	vlt.s32 v54, v24  }
0xb6: {  	v55 =	vand.u32 $0x1C00, v55;
	v62 =	vsub.s32 v56, v4;
	v56 =	vshll.u32 v56, $0x7  }
0xb7: {  	v55 =	vor.u32 v57, v55;
	v63 =	vshll.u32 v62, $0xA;
	v56 =	vand.u32 $0x380, v56  }
0xb8: {  	vm1 =	vmand vm1, vm2;
	v54 =	vand.u32 $0xFFFFE000, v63;
	v55 =	vor.u32 v56, v55  }
0xb9: {  	v54 =	vor.u32 v54, v55;
	_ =	sdelay $0x4  }
0xba: {  	[tilespmem:v54+s10+$0x0] =	vst.idx.msk vm1, v52  }
0xbb: {  	v54 =	vld [tilespmem:s12+$0x0];
	_ =	sdelay $0x4  }
0xbc: {  	(v2sf) =	vpush v54, $0x0;
	_ =	sdelay $0xe  }
0xbd: {  	s15 =	spop (v2sf)  }
0xbe: {  	p0 =	slt.s32 s15, s17  }
.Ltmp9:
0xbf: {  	_ = 	snop;
	(pc) =	sbr.rel @p0 .LBB2_11-.Ltmp9, $2  }
0xc0: {  	_ =	sdelay $0x2  }
0xc1: {  	s8 =	sadd.s32 $0x1, s8;
	s12 =	sadd.s32 $0x10, s12  }
.LBB2_12:
0xc2: {  	s12 =	rddreg [dreg:$0x5]  }
0xc3: {  	[hbm4b:s12+s23] =	stream.linear.scatter [tilespmem:s10], [sflag:$0x1], $0xC000, $0x38;
	[tilespmem:$0x1E900] =	vst v63  }
0xc4: {  	_ =	swait.ge [sflag:s19], $0xC000  }
0xc5: {  	[sflag:s19] =	ssyncset.done $0x0  }
0xc6: {  	[sflag:s19] =	ssyncadd.s32 $0xFFFF4000  }
0xc7: {  	v54 =	vld [tilespmem:s7+$0x0];
	_ =	sdelay $0x4  }
0xc8: {  	(v2sf) =	vpush v54, $0x0;
	_ =	sdelay $0xe  }
0xc9: {  	s22 =	spop (v2sf)  }
0xca: {  	p0 =	sge.s32 s22, s20  }
.Ltmp10:
0xcb: {  	_ = 	snop;
	(pc) =	sbr.rel @p0 .LBB2_14-.Ltmp10, $1  }
0xcc: {  	_ =	sdelay $0x3  }
.LBB2_13:
0xcd: {  	vm1 =	vge.s32 v54, v2;
	v55 =	vshll.u32 v54, $0x3  }
0xce: {  	v56 =	vshra.s32 v54, $0xA;
	v57 =	vand.u32 $0x7F, v54;
	vm2 =	vlt.s32 v54, v23  }
0xcf: {  	v55 =	vand.u32 $0x1C00, v55;
	v62 =	vsub.s32 v56, v3;
	v56 =	vshll.u32 v56, $0x7  }
0xd0: {  	v55 =	vor.u32 v57, v55;
	v63 =	vshll.u32 v62, $0xA;
	v56 =	vand.u32 $0x380, v56  }
0xd1: {  	vm1 =	vmand vm1, vm2;
	v54 =	vand.u32 $0xFFFFE000, v63;
	v55 =	vor.u32 v56, v55  }
0xd2: {  	v54 =	vor.u32 v54, v55;
	_ =	sdelay $0x4  }
0xd3: {  	[tilespmem:v54+s11+$0x0] =	vst.idx.msk vm1, v53  }
0xd4: {  	v54 =	vld [tilespmem:s5+$0x0];
	_ =	sdelay $0x4  }
0xd5: {  	(v2sf) =	vpush v54, $0x0;
	_ =	sdelay $0xe  }
0xd6: {  	s7 =	spop (v2sf)  }
0xd7: {  	p0 =	slt.s32 s7, s20  }
.Ltmp11:
0xd8: {  	_ = 	snop;
	(pc) =	sbr.rel @p0 .LBB2_13-.Ltmp11, $2  }
0xd9: {  	_ =	sdelay $0x2  }
0xda: {  	s5 =	sadd.s32 $0x10, s5  }
.LBB2_14:
0xdb: {  	s5 =	sadd.s32 $0xFFFFFFFF, s8  }
0xdc: {  	p0 =	sgt.s32 s5, s1  }
0xdd: {  	s1 =	smov.u32 @p0 s5  }
0xde: {  	[smem:$0x7FD] =	sst s5;
	s5 =	sshll.u32 s1, $0x6  }
0xdf: {  	s12 =	sshra.s32 s5, $0x2  }
0xe0: {  	v54 =	vld [tilespmem:s12+$0x0];
	_ =	sdelay $0x4  }
0xe1: {  	(v2sf) =	vpush v54, $0x0;
	_ =	sdelay $0xe  }
0xe2: {  	s22 =	spop (v2sf)  }
0xe3: {  	p0 =	sge.s32 s22, s25  }
.Ltmp12:
0xe4: {  	_ = 	snop;
	(pc) =	sbr.rel @p0 .LBB2_17-.Ltmp12, $2  }
0xe5: {  	_ =	sdelay $0x2  }
0xe6: {  	s5 =	smov.u32 s1;
	s8 =	sadd.s32 $0x10, s12  }
0xe7: {  	s7 =	sadd.s32 $0x10, s12;
	s5 =	smov.u32 s1  }
.LBB2_16:
0xe8: {  	vm1 =	vge.s32 v54, v21;
	v55 =	vshll.u32 v54, $0x3  }
0xe9: {  	v56 =	vshra.s32 v54, $0xA;
	v57 =	vand.u32 $0x7F, v54;
	vm2 =	vlt.s32 v54, v26  }
0xea: {  	v55 =	vand.u32 $0x1C00, v55;
	v62 =	vsub.s32 v56, v5;
	v56 =	vshll.u32 v56, $0x7  }
0xeb: {  	v55 =	vor.u32 v57, v55;
	v63 =	vshll.u32 v62, $0xA;
	v56 =	vand.u32 $0x380, v56  }
0xec: {  	vm1 =	vmand vm1, vm2;
	v54 =	vand.u32 $0xFFFFE000, v63;
	v55 =	vor.u32 v56, v55  }
0xed: {  	v54 =	vor.u32 v54, v55;
	_ =	sdelay $0x4  }
0xee: {  	[tilespmem:v54+s11+$0x0] =	vst.idx.msk vm1, v52  }
0xef: {  	v54 =	vld [tilespmem:s7+$0x0];
	_ =	sdelay $0x4  }
0xf0: {  	(v2sf) =	vpush v54, $0x0;
	_ =	sdelay $0xe  }
0xf1: {  	s15 =	spop (v2sf)  }
0xf2: {  	p0 =	slt.s32 s15, s25  }
.Ltmp13:
0xf3: {  	_ = 	snop;
	(pc) =	sbr.rel @p0 .LBB2_16-.Ltmp13, $2  }
0xf4: {  	_ =	sdelay $0x2  }
0xf5: {  	s5 =	sadd.s32 $0x1, s5;
	s7 =	sadd.s32 $0x10, s7  }
.LBB2_17:
0xf6: {  	s7 =	rddreg [dreg:$0x6]  }
0xf7: {  	[hbm4b:s7+s23] =	stream.linear.scatter [tilespmem:s11], [sflag:$0x2], $0xC000, $0x38;
	[tilespmem:$0x1E900] =	vst v63  }
0xf8: {  	_ =	swait.ge [sflag:s24], $0xC000  }
0xf9: {  	[sflag:s24] =	ssyncset.done $0x0  }
0xfa: {  	[sflag:s24] =	ssyncadd.s32 $0xFFFF4000  }
0xfb: {  	v54 =	vld [tilespmem:s9+$0x0];
	_ =	sdelay $0x4  }
0xfc: {  	(v2sf) =	vpush v54, $0x0;
	_ =	sdelay $0xe  }
0xfd: {  	s22 =	spop (v2sf)  }
0xfe: {  	p0 =	sge.s32 s22, s17  }
.Ltmp14:
0xff: {  	_ = 	snop;
	(pc) =	sbr.rel @p0 .LBB2_19-.Ltmp14, $1  }
0x100: {  	_ =	sdelay $0x3  }
.LBB2_18:
0x101: {  	vm1 =	vge.s32 v54, v19;
	v55 =	vshll.u32 v54, $0x3  }
0x102: {  	v56 =	vshra.s32 v54, $0xA;
	v57 =	vand.u32 $0x7F, v54;
	vm2 =	vlt.s32 v54, v24  }
0x103: {  	v55 =	vand.u32 $0x1C00, v55;
	v62 =	vsub.s32 v56, v4;
	v56 =	vshll.u32 v56, $0x7  }
0x104: {  	v55 =	vor.u32 v57, v55;
	v63 =	vshll.u32 v62, $0xA;
	v56 =	vand.u32 $0x380, v56  }
0x105: {  	vm1 =	vmand vm1, vm2;
	v54 =	vand.u32 $0xFFFFE000, v63;
	v55 =	vor.u32 v56, v55  }
0x106: {  	v54 =	vor.u32 v54, v55;
	_ =	sdelay $0x4  }
0x107: {  	[tilespmem:v54+s10+$0x0] =	vst.idx.msk vm1, v53  }
0x108: {  	v54 =	vld [tilespmem:s6+$0x0];
	_ =	sdelay $0x4  }
0x109: {  	(v2sf) =	vpush v54, $0x0;
	_ =	sdelay $0xe  }
0x10a: {  	s7 =	spop (v2sf)  }
0x10b: {  	p0 =	slt.s32 s7, s17  }
.Ltmp15:
0x10c: {  	_ = 	snop;
	(pc) =	sbr.rel @p0 .LBB2_18-.Ltmp15, $2  }
0x10d: {  	_ =	sdelay $0x2  }
0x10e: {  	s6 =	sadd.s32 $0x10, s6  }
.LBB2_19:
0x10f: {  	s7 =	sadd.s32 $0xFFFFFFFF, s5  }
0x110: {  	p0 =	sgt.s32 s7, s1  }
0x111: {  	s1 =	smov.u32 @p0 s7  }
0x112: {  	s21 =	sshll.u32 s1, $0x6  }
0x113: {  	s9 =	sshra.s32 s21, $0x2  }
0x114: {  	v54 =	vld [tilespmem:s9+$0x0];
	_ =	sdelay $0x4  }
0x115: {  	(v2sf) =	vpush v54, $0x0;
	_ =	sdelay $0xe  }
0x116: {  	s22 =	spop (v2sf)  }
0x117: {  	p0 =	sge.s32 s22, s26  }
.Ltmp16:
0x118: {  	_ = 	snop;
	(pc) =	sbr.rel @p0 .LBB2_22-.Ltmp16, $2  }
0x119: {  	_ =	sdelay $0x2  }
0x11a: {  	s6 =	smov.u32 s1;
	s5 =	sadd.s32 $0x10, s9  }
0x11b: {  	s15 =	sadd.s32 $0x10, s9;
	s6 =	smov.u32 s1  }
.LBB2_21:
0x11c: {  	vm1 =	vge.s32 v54, v22;
	v55 =	vshll.u32 v54, $0x3  }
0x11d: {  	v56 =	vshra.s32 v54, $0xA;
	v57 =	vand.u32 $0x7F, v54;
	vm2 =	vlt.s32 v54, v29  }
0x11e: {  	v55 =	vand.u32 $0x1C00, v55;
	v62 =	vsub.s32 v56, v6;
	v56 =	vshll.u32 v56, $0x7  }
0x11f: {  	v55 =	vor.u32 v57, v55;
	v63 =	vshll.u32 v62, $0xA;
	v56 =	vand.u32 $0x380, v56  }
0x120: {  	vm1 =	vmand vm1, vm2;
	v54 =	vand.u32 $0xFFFFE000, v63;
	v55 =	vor.u32 v56, v55  }
0x121: {  	v54 =	vor.u32 v54, v55;
	_ =	sdelay $0x4  }
0x122: {  	[tilespmem:v54+s10+$0x0] =	vst.idx.msk vm1, v52  }
0x123: {  	v54 =	vld [tilespmem:s15+$0x0];
	_ =	sdelay $0x4  }
0x124: {  	(v2sf) =	vpush v54, $0x0;
	_ =	sdelay $0xe  }
0x125: {  	s16 =	spop (v2sf)  }
0x126: {  	p0 =	slt.s32 s16, s26  }
.Ltmp17:
0x127: {  	_ = 	snop;
	(pc) =	sbr.rel @p0 .LBB2_21-.Ltmp17, $2  }
0x128: {  	_ =	sdelay $0x2  }
0x129: {  	s6 =	sadd.s32 $0x1, s6;
	s15 =	sadd.s32 $0x10, s15  }
.LBB2_22:
0x12a: {  	s15 =	rddreg [dreg:$0x7]  }
0x12b: {  	[hbm4b:s15+s23] =	stream.linear.scatter [tilespmem:s10], [sflag:$0x1], $0xC000, $0x38;
	[tilespmem:$0x1E900] =	vst v63  }
0x12c: {  	_ =	swait.ge [sflag:s19], $0xC000  }
0x12d: {  	[sflag:s19] =	ssyncset.done $0x0  }
0x12e: {  	[sflag:s19] =	ssyncadd.s32 $0xFFFF4000  }
0x12f: {  	v54 =	vld [tilespmem:s12+$0x0];
	_ =	sdelay $0x4  }
0x130: {  	(v2sf) =	vpush v54, $0x0;
	_ =	sdelay $0xe  }
0x131: {  	s22 =	spop (v2sf)  }
0x132: {  	p0 =	sge.s32 s22, s25  }
.Ltmp18:
0x133: {  	_ = 	snop;
	(pc) =	sbr.rel @p0 .LBB2_24-.Ltmp18, $1  }
0x134: {  	_ =	sdelay $0x3  }
.LBB2_23:
0x135: {  	vm1 =	vge.s32 v54, v21;
	v55 =	vshll.u32 v54, $0x3  }
0x136: {  	v56 =	vshra.s32 v54, $0xA;
	v57 =	vand.u32 $0x7F, v54;
	vm2 =	vlt.s32 v54, v26  }
0x137: {  	v55 =	vand.u32 $0x1C00, v55;
	v62 =	vsub.s32 v56, v5;
	v56 =	vshll.u32 v56, $0x7  }
0x138: {  	v55 =	vor.u32 v57, v55;
	v63 =	vshll.u32 v62, $0xA;
	v56 =	vand.u32 $0x380, v56  }
0x139: {  	vm1 =	vmand vm1, vm2;
	v54 =	vand.u32 $0xFFFFE000, v63;
	v55 =	vor.u32 v56, v55  }
0x13a: {  	v54 =	vor.u32 v54, v55;
	_ =	sdelay $0x4  }
0x13b: {  	[tilespmem:v54+s11+$0x0] =	vst.idx.msk vm1, v53  }
0x13c: {  	v54 =	vld [tilespmem:s8+$0x0];
	_ =	sdelay $0x4  }
0x13d: {  	(v2sf) =	vpush v54, $0x0;
	_ =	sdelay $0xe  }
0x13e: {  	s12 =	spop (v2sf)  }
0x13f: {  	p0 =	slt.s32 s12, s25  }
.Ltmp19:
0x140: {  	_ = 	snop;
	(pc) =	sbr.rel @p0 .LBB2_23-.Ltmp19, $2  }
0x141: {  	_ =	sdelay $0x2  }
0x142: {  	s8 =	sadd.s32 $0x10, s8  }
.LBB2_24:
0x143: {  	s8 =	sadd.s32 $0xFFFFFFFF, s6  }
0x144: {  	p0 =	sgt.s32 s8, s1  }
0x145: {  	s1 =	smov.u32 @p0 s8  }
0x146: {  	s22 =	sshll.u32 s1, $0x6  }
0x147: {  	s6 =	sshra.s32 s22, $0x2  }
0x148: {  	v54 =	vld [tilespmem:s6+$0x0];
	_ =	sdelay $0x4  }
0x149: {  	(v2sf) =	vpush v54, $0x0;
	_ =	sdelay $0xe  }
0x14a: {  	s12 =	spop (v2sf)  }
0x14b: {  	p0 =	sge.s32 s12, s28  }
.Ltmp20:
0x14c: {  	_ = 	snop;
	(pc) =	sbr.rel @p0 .LBB2_27-.Ltmp20, $4  }
0x14d: {  	s12 =	rddreg [dreg:$0x1e]  }
0x14e: {  	p1 =	sgt.s32 s13, s12  }
0x14f: {  	s12 =	smov.u32 @p1 s13  }
0x150: {  	[dreg:$0x1e] =	wrdreg s12;
	s12 =	smov.u32 s1  }
0x151: {  	s13 =	rddreg [dreg:$0x1e]  }
0x152: {  	s12 =	rddreg [dreg:$0x1f]  }
0x153: {  	p0 =	sgt.s32 s13, s12  }
0x154: {  	s12 =	smov.u32 @p0 s13;
	s13 =	sld [smem:$0x7FD];
	_ =	sdelay $0x2  }
0x155: {  	p0 =	sgt.s32 s12, s13  }
0x156: {  	s13 =	smov.u32 @p0 s12  }
0x157: {  	s12 =	smov.u32 s7;
	p0 =	sgt.s32 s13, s7  }
0x158: {  	s12 =	smov.u32 @p0 s13  }
0x159: {  	s13 =	smov.u32 s8;
	p0 =	sgt.s32 s12, s8  }
0x15a: {  	s13 =	smov.u32 @p0 s12  }
0x15b: {  	s12 =	sshll.u32 s13, $0x6  }
0x15c: {  	s12 =	sshra.s32 s12, $0x2  }
0x15d: {  	s13 =	sadd.s32 $0x10, s12;
	s12 =	smov.u32 s1  }
.LBB2_26:
0x15e: {  	vm1 =	vge.s32 v54, v25;
	v55 =	vshll.u32 v54, $0x3  }
0x15f: {  	v56 =	vshra.s32 v54, $0xA;
	v57 =	vand.u32 $0x7F, v54;
	vm2 =	vlt.s32 v54, v30  }
0x160: {  	v55 =	vand.u32 $0x1C00, v55;
	v62 =	vsub.s32 v56, v7;
	v56 =	vshll.u32 v56, $0x7  }
0x161: {  	v55 =	vor.u32 v57, v55;
	v63 =	vshll.u32 v62, $0xA;
	v56 =	vand.u32 $0x380, v56  }
0x162: {  	vm1 =	vmand vm1, vm2;
	v54 =	vand.u32 $0xFFFFE000, v63;
	v55 =	vor.u32 v56, v55  }
0x163: {  	v54 =	vor.u32 v54, v55;
	_ =	sdelay $0x4  }
0x164: {  	[tilespmem:v54+s11+$0x0] =	vst.idx.msk vm1, v52  }
0x165: {  	v54 =	vld [tilespmem:s13+$0x0];
	_ =	sdelay $0x4  }
0x166: {  	(v2sf) =	vpush v54, $0x0;
	_ =	sdelay $0xe  }
0x167: {  	s15 =	spop (v2sf)  }
0x168: {  	p0 =	slt.s32 s15, s28  }
.Ltmp21:
0x169: {  	_ = 	snop;
	(pc) =	sbr.rel @p0 .LBB2_26-.Ltmp21, $2  }
0x16a: {  	_ =	sdelay $0x2  }
0x16b: {  	s12 =	sadd.s32 $0x1, s12;
	s13 =	sadd.s32 $0x10, s13  }
.LBB2_27:
0x16c: {  	s13 =	rddreg [dreg:$0x8]  }
0x16d: {  	[hbm4b:s13+s23] =	stream.linear.scatter [tilespmem:s11], [sflag:$0x2], $0xC000, $0x38;
	[tilespmem:$0x1E900] =	vst v63  }
0x16e: {  	_ =	swait.ge [sflag:s24], $0xC000  }
0x16f: {  	[sflag:s24] =	ssyncset.done $0x0  }
0x170: {  	[sflag:s24] =	ssyncadd.s32 $0xFFFF4000  }
0x171: {  	v54 =	vld [tilespmem:s9+$0x0];
	_ =	sdelay $0x4  }
0x172: {  	(v2sf) =	vpush v54, $0x0;
	_ =	sdelay $0xe  }
0x173: {  	s22 =	spop (v2sf)  }
0x174: {  	p0 =	sge.s32 s22, s26  }
.Ltmp22:
0x175: {  	_ = 	snop;
	(pc) =	sbr.rel @p0 .LBB2_29-.Ltmp22, $1  }
0x176: {  	_ =	sdelay $0x3  }
.LBB2_28:
0x177: {  	vm1 =	vge.s32 v54, v22;
	v55 =	vshll.u32 v54, $0x3  }
0x178: {  	v56 =	vshra.s32 v54, $0xA;
	v57 =	vand.u32 $0x7F, v54;
	vm2 =	vlt.s32 v54, v29  }
0x179: {  	v55 =	vand.u32 $0x1C00, v55;
	v62 =	vsub.s32 v56, v6;
	v56 =	vshll.u32 v56, $0x7  }
0x17a: {  	v55 =	vor.u32 v57, v55;
	v63 =	vshll.u32 v62, $0xA;
	v56 =	vand.u32 $0x380, v56  }
0x17b: {  	vm1 =	vmand vm1, vm2;
	v54 =	vand.u32 $0xFFFFE000, v63;
	v55 =	vor.u32 v56, v55  }
0x17c: {  	v54 =	vor.u32 v54, v55;
	_ =	sdelay $0x4  }
0x17d: {  	[tilespmem:v54+s10+$0x0] =	vst.idx.msk vm1, v53  }
0x17e: {  	v54 =	vld [tilespmem:s5+$0x0];
	_ =	sdelay $0x4  }
0x17f: {  	(v2sf) =	vpush v54, $0x0;
	_ =	sdelay $0xe  }
0x180: {  	s9 =	spop (v2sf)  }
0x181: {  	p0 =	slt.s32 s9, s26  }
.Ltmp23:
0x182: {  	_ = 	snop;
	(pc) =	sbr.rel @p0 .LBB2_28-.Ltmp23, $2  }
0x183: {  	_ =	sdelay $0x2  }
0x184: {  	s5 =	sadd.s32 $0x10, s5  }
.LBB2_29:
0x185: {  	s12 =	sadd.s32 $0xFFFFFFFF, s12  }
0x186: {  	p0 =	sgt.s32 s12, s1  }
0x187: {  	s1 =	smov.u32 @p0 s12  }
0x188: {  	s5 =	sshll.u32 s1, $0x6  }
0x189: {  	s5 =	sshra.s32 s5, $0x2  }
0x18a: {  	v54 =	vld [tilespmem:s5+$0x0];
	_ =	sdelay $0x4  }
0x18b: {  	(v2sf) =	vpush v54, $0x0;
	_ =	sdelay $0xe  }
0x18c: {  	s9 =	spop (v2sf)  }
0x18d: {  	p0 =	sge.s32 s9, s29  }
.Ltmp24:
0x18e: {  	_ = 	snop;
	(pc) =	sbr.rel @p0 .LBB2_32-.Ltmp24, $2  }
0x18f: {  	_ =	sdelay $0x2  }
0x190: {  	s9 =	smov.u32 s1  }
0x191: {  	s13 =	rddreg [dreg:$0x1e]  }
0x192: {  	s9 =	rddreg [dreg:$0x1f]  }
0x193: {  	p0 =	sgt.s32 s13, s9  }
0x194: {  	s9 =	smov.u32 @p0 s13;
	s13 =	sld [smem:$0x7FD];
	_ =	sdelay $0x2  }
0x195: {  	p0 =	sgt.s32 s9, s13  }
0x196: {  	s13 =	smov.u32 @p0 s9  }
0x197: {  	s9 =	smov.u32 s7;
	p0 =	sgt.s32 s13, s7  }
0x198: {  	s9 =	smov.u32 @p0 s13  }
0x199: {  	s13 =	smov.u32 s8;
	p0 =	sgt.s32 s9, s8  }
0x19a: {  	s13 =	smov.u32 @p0 s9  }
0x19b: {  	s9 =	smov.u32 s12;
	p0 =	sgt.s32 s13, s12  }
0x19c: {  	s9 =	smov.u32 @p0 s13  }
0x19d: {  	s9 =	sshll.u32 s9, $0x6  }
0x19e: {  	s9 =	sshra.s32 s9, $0x2  }
0x19f: {  	s13 =	sadd.s32 $0x10, s9;
	s9 =	smov.u32 s1  }
.LBB2_31:
0x1a0: {  	vm1 =	vge.s32 v54, v27;
	v55 =	vshll.u32 v54, $0x3  }
0x1a1: {  	v56 =	vshra.s32 v54, $0xA;
	v57 =	vand.u32 $0x7F, v54;
	vm2 =	vlt.s32 v54, v32  }
0x1a2: {  	v55 =	vand.u32 $0x1C00, v55;
	v62 =	vsub.s32 v56, v8;
	v56 =	vshll.u32 v56, $0x7  }
0x1a3: {  	v55 =	vor.u32 v57, v55;
	v63 =	vshll.u32 v62, $0xA;
	v56 =	vand.u32 $0x380, v56  }
0x1a4: {  	vm1 =	vmand vm1, vm2;
	v54 =	vand.u32 $0xFFFFE000, v63;
	v55 =	vor.u32 v56, v55  }
0x1a5: {  	v54 =	vor.u32 v54, v55;
	_ =	sdelay $0x4  }
0x1a6: {  	[tilespmem:v54+s10+$0x0] =	vst.idx.msk vm1, v52  }
0x1a7: {  	v54 =	vld [tilespmem:s13+$0x0];
	_ =	sdelay $0x4  }
0x1a8: {  	(v2sf) =	vpush v54, $0x0;
	_ =	sdelay $0xe  }
0x1a9: {  	s15 =	spop (v2sf)  }
0x1aa: {  	p0 =	slt.s32 s15, s29  }
.Ltmp25:
0x1ab: {  	_ = 	snop;
	(pc) =	sbr.rel @p0 .LBB2_31-.Ltmp25, $2  }
0x1ac: {  	_ =	sdelay $0x2  }
0x1ad: {  	s9 =	sadd.s32 $0x1, s9;
	s13 =	sadd.s32 $0x10, s13  }
.LBB2_32:
0x1ae: {  	s13 =	rddreg [dreg:$0x9]  }
0x1af: {  	[hbm4b:s13+s23] =	stream.linear.scatter [tilespmem:s10], [sflag:$0x1], $0xC000, $0x38;
	[tilespmem:$0x1E900] =	vst v63  }
0x1b0: {  	_ =	swait.ge [sflag:s19], $0xC000  }
0x1b1: {  	[sflag:s19] =	ssyncset.done $0x0  }
0x1b2: {  	[sflag:s19] =	ssyncadd.s32 $0xFFFF4000  }
0x1b3: {  	v54 =	vld [tilespmem:s6+$0x0];
	_ =	sdelay $0x4  }
0x1b4: {  	(v2sf) =	vpush v54, $0x0;
	_ =	sdelay $0xe  }
0x1b5: {  	s22 =	spop (v2sf)  }
0x1b6: {  	p0 =	sge.s32 s22, s28  }
.Ltmp26:
0x1b7: {  	_ = 	snop;
	(pc) =	sbr.rel @p0 .LBB2_35-.Ltmp26, $1  }
0x1b8: {  	_ =	sdelay $0x3  }
0x1b9: {  	s13 =	rddreg [dreg:$0x1e]  }
0x1ba: {  	s6 =	rddreg [dreg:$0x1f]  }
0x1bb: {  	p0 =	sgt.s32 s13, s6  }
0x1bc: {  	s6 =	smov.u32 @p0 s13;
	s13 =	sld [smem:$0x7FD];
	_ =	sdelay $0x2  }
0x1bd: {  	p0 =	sgt.s32 s6, s13  }
0x1be: {  	s13 =	smov.u32 @p0 s6  }
0x1bf: {  	s6 =	smov.u32 s7;
	p0 =	sgt.s32 s13, s7  }
0x1c0: {  	s6 =	smov.u32 @p0 s13  }
0x1c1: {  	s13 =	smov.u32 s8;
	p0 =	sgt.s32 s6, s8  }
0x1c2: {  	s13 =	smov.u32 @p0 s6  }
0x1c3: {  	s6 =	sshll.u32 s13, $0x6  }
0x1c4: {  	s6 =	sshra.s32 s6, $0x2  }
0x1c5: {  	s6 =	sadd.s32 $0x10, s6  }
.LBB2_34:
0x1c6: {  	vm1 =	vge.s32 v54, v25;
	v55 =	vshll.u32 v54, $0x3  }
0x1c7: {  	v56 =	vshra.s32 v54, $0xA;
	v57 =	vand.u32 $0x7F, v54;
	vm2 =	vlt.s32 v54, v30  }
0x1c8: {  	v55 =	vand.u32 $0x1C00, v55;
	v62 =	vsub.s32 v56, v7;
	v56 =	vshll.u32 v56, $0x7  }
0x1c9: {  	v55 =	vor.u32 v57, v55;
	v63 =	vshll.u32 v62, $0xA;
	v56 =	vand.u32 $0x380, v56  }
0x1ca: {  	vm1 =	vmand vm1, vm2;
	v54 =	vand.u32 $0xFFFFE000, v63;
	v55 =	vor.u32 v56, v55  }
0x1cb: {  	v54 =	vor.u32 v54, v55;
	_ =	sdelay $0x4  }
0x1cc: {  	[tilespmem:v54+s11+$0x0] =	vst.idx.msk vm1, v53  }
0x1cd: {  	v54 =	vld [tilespmem:s6+$0x0];
	_ =	sdelay $0x4  }
0x1ce: {  	(v2sf) =	vpush v54, $0x0;
	_ =	sdelay $0xe  }
0x1cf: {  	s13 =	spop (v2sf)  }
0x1d0: {  	p0 =	slt.s32 s13, s28  }
.Ltmp27:
0x1d1: {  	_ = 	snop;
	(pc) =	sbr.rel @p0 .LBB2_34-.Ltmp27, $2  }
0x1d2: {  	_ =	sdelay $0x2  }
0x1d3: {  	s6 =	sadd.s32 $0x10, s6  }
.LBB2_35:
0x1d4: {  	s9 =	sadd.s32 $0xFFFFFFFF, s9  }
0x1d5: {  	p0 =	sgt.s32 s9, s1  }
0x1d6: {  	s1 =	smov.u32 @p0 s9  }
0x1d7: {  	s6 =	sshll.u32 s1, $0x6  }
0x1d8: {  	s6 =	sshra.s32 s6, $0x2  }
0x1d9: {  	v54 =	vld [tilespmem:s6+$0x0];
	_ =	sdelay $0x4  }
0x1da: {  	(v2sf) =	vpush v54, $0x0;
	_ =	sdelay $0xe  }
0x1db: {  	s13 =	spop (v2sf)  }
0x1dc: {  	p0 =	sge.s32 s13, s30  }
.Ltmp28:
0x1dd: {  	_ = 	snop;
	(pc) =	sbr.rel @p0 .LBB2_38-.Ltmp28, $2  }
0x1de: {  	_ =	sdelay $0x2  }
0x1df: {  	s13 =	smov.u32 s1  }
0x1e0: {  	s15 =	rddreg [dreg:$0x1e]  }
0x1e1: {  	s13 =	rddreg [dreg:$0x1f]  }
0x1e2: {  	p0 =	sgt.s32 s15, s13  }
0x1e3: {  	s13 =	smov.u32 @p0 s15;
	s15 =	sld [smem:$0x7FD];
	_ =	sdelay $0x2  }
0x1e4: {  	p0 =	sgt.s32 s13, s15  }
0x1e5: {  	s15 =	smov.u32 @p0 s13  }
0x1e6: {  	s13 =	smov.u32 s7;
	p0 =	sgt.s32 s15, s7  }
0x1e7: {  	s13 =	smov.u32 @p0 s15  }
0x1e8: {  	s15 =	smov.u32 s8;
	p0 =	sgt.s32 s13, s8  }
0x1e9: {  	s15 =	smov.u32 @p0 s13  }
0x1ea: {  	s13 =	smov.u32 s12;
	p0 =	sgt.s32 s15, s12  }
0x1eb: {  	s13 =	smov.u32 @p0 s15  }
0x1ec: {  	s15 =	smov.u32 s9;
	p0 =	sgt.s32 s13, s9  }
0x1ed: {  	s15 =	smov.u32 @p0 s13  }
0x1ee: {  	s13 =	sshll.u32 s15, $0x6  }
0x1ef: {  	s13 =	sshra.s32 s13, $0x2  }
0x1f0: {  	s15 =	sadd.s32 $0x10, s13;
	s13 =	smov.u32 s1  }
.LBB2_37:
0x1f1: {  	vm1 =	vge.s32 v54, v28;
	v55 =	vshll.u32 v54, $0x3  }
0x1f2: {  	v56 =	vshra.s32 v54, $0xA;
	v57 =	vand.u32 $0x7F, v54;
	vm2 =	vlt.s32 v54, v35  }
0x1f3: {  	v55 =	vand.u32 $0x1C00, v55;
	v62 =	vsub.s32 v56, v9;
	v56 =	vshll.u32 v56, $0x7  }
0x1f4: {  	v55 =	vor.u32 v57, v55;
	v63 =	vshll.u32 v62, $0xA;
	v56 =	vand.u32 $0x380, v56  }
0x1f5: {  	vm1 =	vmand vm1, vm2;
	v54 =	vand.u32 $0xFFFFE000, v63;
	v55 =	vor.u32 v56, v55  }
0x1f6: {  	v54 =	vor.u32 v54, v55;
	_ =	sdelay $0x4  }
0x1f7: {  	[tilespmem:v54+s11+$0x0] =	vst.idx.msk vm1, v52  }
0x1f8: {  	v54 =	vld [tilespmem:s15+$0x0];
	_ =	sdelay $0x4  }
0x1f9: {  	(v2sf) =	vpush v54, $0x0;
	_ =	sdelay $0xe  }
0x1fa: {  	s16 =	spop (v2sf)  }
0x1fb: {  	p0 =	slt.s32 s16, s30  }
.Ltmp29:
0x1fc: {  	_ = 	snop;
	(pc) =	sbr.rel @p0 .LBB2_37-.Ltmp29, $2  }
0x1fd: {  	_ =	sdelay $0x2  }
0x1fe: {  	s13 =	sadd.s32 $0x1, s13;
	s15 =	sadd.s32 $0x10, s15  }
.LBB2_38:
0x1ff: {  	s15 =	rddreg [dreg:$0xa]  }
0x200: {  	[hbm4b:s15+s23] =	stream.linear.scatter [tilespmem:s11], [sflag:$0x2], $0xC000, $0x38;
	[tilespmem:$0x1E900] =	vst v63  }
0x201: {  	_ =	swait.ge [sflag:s24], $0xC000  }
0x202: {  	[sflag:s24] =	ssyncset.done $0x0  }
0x203: {  	[sflag:s24] =	ssyncadd.s32 $0xFFFF4000  }
0x204: {  	v54 =	vld [tilespmem:s5+$0x0];
	_ =	sdelay $0x4  }
0x205: {  	(v2sf) =	vpush v54, $0x0;
	_ =	sdelay $0xe  }
0x206: {  	s22 =	spop (v2sf)  }
0x207: {  	p0 =	sge.s32 s22, s29  }
.Ltmp30:
0x208: {  	_ = 	snop;
	(pc) =	sbr.rel @p0 .LBB2_41-.Ltmp30, $1  }
0x209: {  	_ =	sdelay $0x3  }
0x20a: {  	s15 =	rddreg [dreg:$0x1e]  }
0x20b: {  	s5 =	rddreg [dreg:$0x1f]  }
0x20c: {  	p0 =	sgt.s32 s15, s5  }
0x20d: {  	s5 =	smov.u32 @p0 s15;
	s15 =	sld [smem:$0x7FD];
	_ =	sdelay $0x2  }
0x20e: {  	p0 =	sgt.s32 s5, s15  }
0x20f: {  	s15 =	smov.u32 @p0 s5  }
0x210: {  	s5 =	smov.u32 s7;
	p0 =	sgt.s32 s15, s7  }
0x211: {  	s5 =	smov.u32 @p0 s15  }
0x212: {  	s15 =	smov.u32 s8;
	p0 =	sgt.s32 s5, s8  }
0x213: {  	s15 =	smov.u32 @p0 s5  }
0x214: {  	s5 =	smov.u32 s12;
	p0 =	sgt.s32 s15, s12  }
0x215: {  	s5 =	smov.u32 @p0 s15  }
0x216: {  	s5 =	sshll.u32 s5, $0x6  }
0x217: {  	s5 =	sshra.s32 s5, $0x2  }
0x218: {  	s5 =	sadd.s32 $0x10, s5  }
.LBB2_40:
0x219: {  	vm1 =	vge.s32 v54, v27;
	v55 =	vshll.u32 v54, $0x3  }
0x21a: {  	v56 =	vshra.s32 v54, $0xA;
	v57 =	vand.u32 $0x7F, v54;
	vm2 =	vlt.s32 v54, v32  }
0x21b: {  	v55 =	vand.u32 $0x1C00, v55;
	v62 =	vsub.s32 v56, v8;
	v56 =	vshll.u32 v56, $0x7  }
0x21c: {  	v55 =	vor.u32 v57, v55;
	v63 =	vshll.u32 v62, $0xA;
	v56 =	vand.u32 $0x380, v56  }
0x21d: {  	vm1 =	vmand vm1, vm2;
	v54 =	vand.u32 $0xFFFFE000, v63;
	v55 =	vor.u32 v56, v55  }
0x21e: {  	v54 =	vor.u32 v54, v55;
	_ =	sdelay $0x4  }
0x21f: {  	[tilespmem:v54+s10+$0x0] =	vst.idx.msk vm1, v53  }
0x220: {  	v54 =	vld [tilespmem:s5+$0x0];
	_ =	sdelay $0x4  }
0x221: {  	(v2sf) =	vpush v54, $0x0;
	_ =	sdelay $0xe  }
0x222: {  	s15 =	spop (v2sf)  }
0x223: {  	p0 =	slt.s32 s15, s29  }
.Ltmp31:
0x224: {  	_ = 	snop;
	(pc) =	sbr.rel @p0 .LBB2_40-.Ltmp31, $2  }
0x225: {  	_ =	sdelay $0x2  }
0x226: {  	s5 =	sadd.s32 $0x10, s5  }
.LBB2_41:
0x227: {  	s16 =	sadd.s32 $0xFFFFFFFF, s13  }
0x228: {  	p0 =	sgt.s32 s16, s1  }
0x229: {  	s1 =	smov.u32 @p0 s16  }
0x22a: {  	s5 =	sshll.u32 s1, $0x6  }
0x22b: {  	s5 =	sshra.s32 s5, $0x2  }
0x22c: {  	v54 =	vld [tilespmem:s5+$0x0];
	_ =	sdelay $0x4  }
0x22d: {  	(v2sf) =	vpush v54, $0x0;
	_ =	sdelay $0xe  }
0x22e: {  	s22 =	spop (v2sf)  }
0x22f: {  	p0 =	sge.s32 s22, s31  }
.Ltmp32:
0x230: {  	_ = 	snop;
	(pc) =	sbr.rel @p0 .LBB2_44-.Ltmp32, $2  }
0x231: {  	_ =	sdelay $0x2  }
0x232: {  	s13 =	smov.u32 s1  }
0x233: {  	s15 =	rddreg [dreg:$0x1e]  }
0x234: {  	s13 =	rddreg [dreg:$0x1f]  }
0x235: {  	p0 =	sgt.s32 s15, s13  }
0x236: {  	s13 =	smov.u32 @p0 s15;
	s15 =	sld [smem:$0x7FD];
	_ =	sdelay $0x2  }
0x237: {  	p0 =	sgt.s32 s13, s15  }
0x238: {  	s15 =	smov.u32 @p0 s13  }
0x239: {  	s13 =	smov.u32 s7;
	p0 =	sgt.s32 s15, s7  }
0x23a: {  	s13 =	smov.u32 @p0 s15  }
0x23b: {  	s15 =	smov.u32 s8;
	p0 =	sgt.s32 s13, s8  }
0x23c: {  	s15 =	smov.u32 @p0 s13  }
0x23d: {  	s13 =	smov.u32 s12;
	p0 =	sgt.s32 s15, s12  }
0x23e: {  	s13 =	smov.u32 @p0 s15  }
0x23f: {  	s15 =	smov.u32 s9;
	p0 =	sgt.s32 s13, s9  }
0x240: {  	s15 =	smov.u32 @p0 s13  }
0x241: {  	s13 =	smov.u32 s16;
	p0 =	sgt.s32 s15, s16  }
0x242: {  	s13 =	smov.u32 @p0 s15  }
0x243: {  	s13 =	sshll.u32 s13, $0x6  }
0x244: {  	s13 =	sshra.s32 s13, $0x2  }
0x245: {  	s15 =	sadd.s32 $0x10, s13;
	s13 =	smov.u32 s1  }
.LBB2_43:
0x246: {  	vm1 =	vge.s32 v54, v31;
	v55 =	vshll.u32 v54, $0x3  }
0x247: {  	v56 =	vshra.s32 v54, $0xA;
	v57 =	vand.u32 $0x7F, v54;
	vm2 =	vlt.s32 v54, v36  }
0x248: {  	v55 =	vand.u32 $0x1C00, v55;
	v62 =	vsub.s32 v56, v10;
	v56 =	vshll.u32 v56, $0x7  }
0x249: {  	v55 =	vor.u32 v57, v55;
	v63 =	vshll.u32 v62, $0xA;
	v56 =	vand.u32 $0x380, v56  }
0x24a: {  	vm1 =	vmand vm1, vm2;
	v54 =	vand.u32 $0xFFFFE000, v63;
	v55 =	vor.u32 v56, v55  }
0x24b: {  	v54 =	vor.u32 v54, v55;
	_ =	sdelay $0x4  }
0x24c: {  	[tilespmem:v54+s10+$0x0] =	vst.idx.msk vm1, v52  }
0x24d: {  	v54 =	vld [tilespmem:s15+$0x0];
	_ =	sdelay $0x4  }
0x24e: {  	(v2sf) =	vpush v54, $0x0;
	_ =	sdelay $0xe  }
0x24f: {  	s17 =	spop (v2sf)  }
0x250: {  	p0 =	slt.s32 s17, s31  }
.Ltmp33:
0x251: {  	_ = 	snop;
	(pc) =	sbr.rel @p0 .LBB2_43-.Ltmp33, $2  }
0x252: {  	_ =	sdelay $0x2  }
0x253: {  	s13 =	sadd.s32 $0x1, s13;
	s15 =	sadd.s32 $0x10, s15  }
.LBB2_44:
0x254: {  	s15 =	rddreg [dreg:$0xb]  }
0x255: {  	[hbm4b:s15+s23] =	stream.linear.scatter [tilespmem:s10], [sflag:$0x1], $0xC000, $0x38;
	[tilespmem:$0x1E900] =	vst v63  }
0x256: {  	_ =	swait.ge [sflag:s19], $0xC000  }
0x257: {  	[sflag:s19] =	ssyncset.done $0x0  }
0x258: {  	[sflag:s19] =	ssyncadd.s32 $0xFFFF4000  }
0x259: {  	v54 =	vld [tilespmem:s6+$0x0];
	_ =	sdelay $0x4  }
0x25a: {  	(v2sf) =	vpush v54, $0x0;
	_ =	sdelay $0xe  }
0x25b: {  	s22 =	spop (v2sf)  }
0x25c: {  	p0 =	sge.s32 s22, s30  }
.Ltmp34:
0x25d: {  	_ = 	snop;
	(pc) =	sbr.rel @p0 .LBB2_47-.Ltmp34, $1  }
0x25e: {  	_ =	sdelay $0x3  }
0x25f: {  	s15 =	rddreg [dreg:$0x1e]  }
0x260: {  	s6 =	rddreg [dreg:$0x1f]  }
0x261: {  	p0 =	sgt.s32 s15, s6  }
0x262: {  	s6 =	smov.u32 @p0 s15;
	s15 =	sld [smem:$0x7FD];
	_ =	sdelay $0x2  }
0x263: {  	p0 =	sgt.s32 s6, s15  }
0x264: {  	s15 =	smov.u32 @p0 s6  }
0x265: {  	s6 =	smov.u32 s7;
	p0 =	sgt.s32 s15, s7  }
0x266: {  	s6 =	smov.u32 @p0 s15  }
0x267: {  	s15 =	smov.u32 s8;
	p0 =	sgt.s32 s6, s8  }
0x268: {  	s15 =	smov.u32 @p0 s6  }
0x269: {  	s6 =	smov.u32 s12;
	p0 =	sgt.s32 s15, s12  }
0x26a: {  	s6 =	smov.u32 @p0 s15  }
0x26b: {  	s15 =	smov.u32 s9;
	p0 =	sgt.s32 s6, s9  }
0x26c: {  	s15 =	smov.u32 @p0 s6  }
0x26d: {  	s6 =	sshll.u32 s15, $0x6  }
0x26e: {  	s6 =	sshra.s32 s6, $0x2  }
0x26f: {  	s6 =	sadd.s32 $0x10, s6  }
.LBB2_46:
0x270: {  	vm1 =	vge.s32 v54, v28;
	v55 =	vshll.u32 v54, $0x3  }
0x271: {  	v56 =	vshra.s32 v54, $0xA;
	v57 =	vand.u32 $0x7F, v54;
	vm2 =	vlt.s32 v54, v35  }
0x272: {  	v55 =	vand.u32 $0x1C00, v55;
	v62 =	vsub.s32 v56, v9;
	v56 =	vshll.u32 v56, $0x7  }
0x273: {  	v55 =	vor.u32 v57, v55;
	v63 =	vshll.u32 v62, $0xA;
	v56 =	vand.u32 $0x380, v56  }
0x274: {  	vm1 =	vmand vm1, vm2;
	v54 =	vand.u32 $0xFFFFE000, v63;
	v55 =	vor.u32 v56, v55  }
0x275: {  	v54 =	vor.u32 v54, v55;
	_ =	sdelay $0x4  }
0x276: {  	[tilespmem:v54+s11+$0x0] =	vst.idx.msk vm1, v53  }
0x277: {  	v54 =	vld [tilespmem:s6+$0x0];
	_ =	sdelay $0x4  }
0x278: {  	(v2sf) =	vpush v54, $0x0;
	_ =	sdelay $0xe  }
0x279: {  	s15 =	spop (v2sf)  }
0x27a: {  	p0 =	slt.s32 s15, s30  }
.Ltmp35:
0x27b: {  	_ = 	snop;
	(pc) =	sbr.rel @p0 .LBB2_46-.Ltmp35, $2  }
0x27c: {  	_ =	sdelay $0x2  }
0x27d: {  	s6 =	sadd.s32 $0x10, s6  }
.LBB2_47:
0x27e: {  	s21 =	sadd.s32 $0xFFFFFFFF, s13  }
0x27f: {  	p0 =	sgt.s32 s21, s1  }
0x280: {  	s1 =	smov.u32 @p0 s21  }
0x281: {  	s6 =	sshll.u32 s1, $0x6  }
0x282: {  	s6 =	sshra.s32 s6, $0x2  }
0x283: {  	v54 =	vld [tilespmem:s6+$0x0];
	_ =	sdelay $0x4  }
0x284: {  	(v2sf) =	vpush v54, $0x0;
	_ =	sdelay $0xe  }
0x285: {  	s22 =	spop (v2sf)  }
0x286: {  	p0 =	sge.s32 s22, s14  }
.Ltmp36:
0x287: {  	_ = 	snop;
	(pc) =	sbr.rel @p0 .LBB2_50-.Ltmp36, $2  }
0x288: {  	_ =	sdelay $0x2  }
0x289: {  	s13 =	smov.u32 s1  }
0x28a: {  	s15 =	rddreg [dreg:$0x1e]  }
0x28b: {  	s13 =	rddreg [dreg:$0x1f]  }
0x28c: {  	p0 =	sgt.s32 s15, s13  }
0x28d: {  	s13 =	smov.u32 @p0 s15;
	s15 =	sld [smem:$0x7FD];
	_ =	sdelay $0x2  }
0x28e: {  	p0 =	sgt.s32 s13, s15  }
0x28f: {  	s15 =	smov.u32 @p0 s13  }
0x290: {  	s13 =	smov.u32 s7;
	p0 =	sgt.s32 s15, s7  }
0x291: {  	s13 =	smov.u32 @p0 s15  }
0x292: {  	s15 =	smov.u32 s8;
	p0 =	sgt.s32 s13, s8  }
0x293: {  	s15 =	smov.u32 @p0 s13  }
0x294: {  	s13 =	smov.u32 s12;
	p0 =	sgt.s32 s15, s12  }
0x295: {  	s13 =	smov.u32 @p0 s15  }
0x296: {  	s15 =	smov.u32 s9;
	p0 =	sgt.s32 s13, s9  }
0x297: {  	s15 =	smov.u32 @p0 s13  }
0x298: {  	s13 =	smov.u32 s16;
	p0 =	sgt.s32 s15, s16  }
0x299: {  	s13 =	smov.u32 @p0 s15  }
0x29a: {  	s15 =	smov.u32 s21;
	p0 =	sgt.s32 s13, s21  }
0x29b: {  	s15 =	smov.u32 @p0 s13  }
0x29c: {  	s13 =	sshll.u32 s15, $0x6  }
0x29d: {  	s13 =	sshra.s32 s13, $0x2  }
0x29e: {  	s15 =	sadd.s32 $0x10, s13;
	s13 =	smov.u32 s1  }
.LBB2_49:
0x29f: {  	vm1 =	vge.s32 v54, v33;
	v55 =	vshll.u32 v54, $0x3  }
0x2a0: {  	v56 =	vshra.s32 v54, $0xA;
	v57 =	vand.u32 $0x7F, v54;
	vm2 =	vlt.s32 v54, v38  }
0x2a1: {  	v55 =	vand.u32 $0x1C00, v55;
	v62 =	vsub.s32 v56, v11;
	v56 =	vshll.u32 v56, $0x7  }
0x2a2: {  	v55 =	vor.u32 v57, v55;
	v63 =	vshll.u32 v62, $0xA;
	v56 =	vand.u32 $0x380, v56  }
0x2a3: {  	vm1 =	vmand vm1, vm2;
	v54 =	vand.u32 $0xFFFFE000, v63;
	v55 =	vor.u32 v56, v55  }
0x2a4: {  	v54 =	vor.u32 v54, v55;
	_ =	sdelay $0x4  }
0x2a5: {  	[tilespmem:v54+s11+$0x0] =	vst.idx.msk vm1, v52  }
0x2a6: {  	v54 =	vld [tilespmem:s15+$0x0];
	_ =	sdelay $0x4  }
0x2a7: {  	(v2sf) =	vpush v54, $0x0;
	_ =	sdelay $0xe  }
0x2a8: {  	s17 =	spop (v2sf)  }
0x2a9: {  	p0 =	slt.s32 s17, s14  }
.Ltmp37:
0x2aa: {  	_ = 	snop;
	(pc) =	sbr.rel @p0 .LBB2_49-.Ltmp37, $2  }
0x2ab: {  	_ =	sdelay $0x2  }
0x2ac: {  	s13 =	sadd.s32 $0x1, s13;
	s15 =	sadd.s32 $0x10, s15  }
.LBB2_50:
0x2ad: {  	s15 =	rddreg [dreg:$0xc]  }
0x2ae: {  	[hbm4b:s15+s23] =	stream.linear.scatter [tilespmem:s11], [sflag:$0x2], $0xC000, $0x38;
	[tilespmem:$0x1E900] =	vst v63  }
0x2af: {  	_ =	swait.ge [sflag:s24], $0xC000  }
0x2b0: {  	[sflag:s24] =	ssyncset.done $0x0  }
0x2b1: {  	[sflag:s24] =	ssyncadd.s32 $0xFFFF4000  }
0x2b2: {  	v54 =	vld [tilespmem:s5+$0x0];
	_ =	sdelay $0x4  }
0x2b3: {  	(v2sf) =	vpush v54, $0x0;
	_ =	sdelay $0xe  }
0x2b4: {  	s22 =	spop (v2sf)  }
0x2b5: {  	p0 =	sge.s32 s22, s31  }
.Ltmp38:
0x2b6: {  	_ = 	snop;
	(pc) =	sbr.rel @p0 .LBB2_53-.Ltmp38, $1  }
0x2b7: {  	_ =	sdelay $0x3  }
0x2b8: {  	s15 =	rddreg [dreg:$0x1e]  }
0x2b9: {  	s5 =	rddreg [dreg:$0x1f]  }
0x2ba: {  	p0 =	sgt.s32 s15, s5  }
0x2bb: {  	s5 =	smov.u32 @p0 s15;
	s15 =	sld [smem:$0x7FD];
	_ =	sdelay $0x2  }
0x2bc: {  	p0 =	sgt.s32 s5, s15  }
0x2bd: {  	s15 =	smov.u32 @p0 s5  }
0x2be: {  	s5 =	smov.u32 s7;
	p0 =	sgt.s32 s15, s7  }
0x2bf: {  	s5 =	smov.u32 @p0 s15  }
0x2c0: {  	s15 =	smov.u32 s8;
	p0 =	sgt.s32 s5, s8  }
0x2c1: {  	s15 =	smov.u32 @p0 s5  }
0x2c2: {  	s5 =	smov.u32 s12;
	p0 =	sgt.s32 s15, s12  }
0x2c3: {  	s5 =	smov.u32 @p0 s15  }
0x2c4: {  	s15 =	smov.u32 s9;
	p0 =	sgt.s32 s5, s9  }
0x2c5: {  	s15 =	smov.u32 @p0 s5  }
0x2c6: {  	s5 =	smov.u32 s16;
	p0 =	sgt.s32 s15, s16  }
0x2c7: {  	s5 =	smov.u32 @p0 s15  }
0x2c8: {  	s5 =	sshll.u32 s5, $0x6  }
0x2c9: {  	s5 =	sshra.s32 s5, $0x2  }
0x2ca: {  	s5 =	sadd.s32 $0x10, s5  }
.LBB2_52:
0x2cb: {  	vm1 =	vge.s32 v54, v31;
	v55 =	vshll.u32 v54, $0x3  }
0x2cc: {  	v56 =	vshra.s32 v54, $0xA;
	v57 =	vand.u32 $0x7F, v54;
	vm2 =	vlt.s32 v54, v36  }
0x2cd: {  	v55 =	vand.u32 $0x1C00, v55;
	v62 =	vsub.s32 v56, v10;
	v56 =	vshll.u32 v56, $0x7  }
0x2ce: {  	v55 =	vor.u32 v57, v55;
	v63 =	vshll.u32 v62, $0xA;
	v56 =	vand.u32 $0x380, v56  }
0x2cf: {  	vm1 =	vmand vm1, vm2;
	v54 =	vand.u32 $0xFFFFE000, v63;
	v55 =	vor.u32 v56, v55  }
0x2d0: {  	v54 =	vor.u32 v54, v55;
	_ =	sdelay $0x4  }
0x2d1: {  	[tilespmem:v54+s10+$0x0] =	vst.idx.msk vm1, v53  }
0x2d2: {  	v54 =	vld [tilespmem:s5+$0x0];
	_ =	sdelay $0x4  }
0x2d3: {  	(v2sf) =	vpush v54, $0x0;
	_ =	sdelay $0xe  }
0x2d4: {  	s15 =	spop (v2sf)  }
0x2d5: {  	p0 =	slt.s32 s15, s31  }
.Ltmp39:
0x2d6: {  	_ = 	snop;
	(pc) =	sbr.rel @p0 .LBB2_52-.Ltmp39, $2  }
0x2d7: {  	_ =	sdelay $0x2  }
0x2d8: {  	s5 =	sadd.s32 $0x10, s5  }
.LBB2_53:
0x2d9: {  	s13 =	sadd.s32 $0xFFFFFFFF, s13  }
0x2da: {  	p0 =	sgt.s32 s13, s1  }
0x2db: {  	s1 =	smov.u32 @p0 s13  }
0x2dc: {  	s5 =	sshll.u32 s1, $0x6  }
0x2dd: {  	s5 =	sshra.s32 s5, $0x2  }
0x2de: {  	v54 =	vld [tilespmem:s5+$0x0];
	_ =	sdelay $0x4  }
0x2df: {  	(v2sf) =	vpush v54, $0x0;
	_ =	sdelay $0xe  }
0x2e0: {  	s15 =	spop (v2sf)  }
0x2e1: {  	p0 =	sge.s32 s15, s0  }
.Ltmp40:
0x2e2: {  	_ = 	snop;
	(pc) =	sbr.rel @p0 .LBB2_56-.Ltmp40, $2  }
0x2e3: {  	_ =	sdelay $0x2  }
0x2e4: {  	s15 =	smov.u32 s1  }
0x2e5: {  	s17 =	rddreg [dreg:$0x1e]  }
0x2e6: {  	s15 =	rddreg [dreg:$0x1f]  }
0x2e7: {  	p0 =	sgt.s32 s17, s15  }
0x2e8: {  	s15 =	smov.u32 @p0 s17;
	s17 =	sld [smem:$0x7FD];
	_ =	sdelay $0x2  }
0x2e9: {  	p0 =	sgt.s32 s15, s17  }
0x2ea: {  	s17 =	smov.u32 @p0 s15  }
0x2eb: {  	s15 =	smov.u32 s7;
	p0 =	sgt.s32 s17, s7  }
0x2ec: {  	s15 =	smov.u32 @p0 s17  }
0x2ed: {  	s17 =	smov.u32 s8;
	p0 =	sgt.s32 s15, s8  }
0x2ee: {  	s17 =	smov.u32 @p0 s15  }
0x2ef: {  	s15 =	smov.u32 s12;
	p0 =	sgt.s32 s17, s12  }
0x2f0: {  	s15 =	smov.u32 @p0 s17  }
0x2f1: {  	s17 =	smov.u32 s9;
	p0 =	sgt.s32 s15, s9  }
0x2f2: {  	s17 =	smov.u32 @p0 s15  }
0x2f3: {  	s15 =	smov.u32 s16;
	p0 =	sgt.s32 s17, s16  }
0x2f4: {  	s15 =	smov.u32 @p0 s17  }
0x2f5: {  	s17 =	smov.u32 s21;
	p0 =	sgt.s32 s15, s21  }
0x2f6: {  	s17 =	smov.u32 @p0 s15  }
0x2f7: {  	s15 =	smov.u32 s13;
	p0 =	sgt.s32 s17, s13  }
0x2f8: {  	s15 =	smov.u32 @p0 s17  }
0x2f9: {  	s15 =	sshll.u32 s15, $0x6  }
0x2fa: {  	s15 =	sshra.s32 s15, $0x2  }
0x2fb: {  	s17 =	sadd.s32 $0x10, s15;
	s15 =	smov.u32 s1  }
.LBB2_55:
0x2fc: {  	vm1 =	vge.s32 v54, v34;
	v55 =	vshll.u32 v54, $0x3  }
0x2fd: {  	v56 =	vshra.s32 v54, $0xA;
	v57 =	vand.u32 $0x7F, v54;
	vm2 =	vlt.s32 v54, v41  }
0x2fe: {  	v55 =	vand.u32 $0x1C00, v55;
	v62 =	vsub.s32 v56, v12;
	v56 =	vshll.u32 v56, $0x7  }
0x2ff: {  	v55 =	vor.u32 v57, v55;
	v63 =	vshll.u32 v62, $0xA;
	v56 =	vand.u32 $0x380, v56  }
0x300: {  	vm1 =	vmand vm1, vm2;
	v54 =	vand.u32 $0xFFFFE000, v63;
	v55 =	vor.u32 v56, v55  }
0x301: {  	v54 =	vor.u32 v54, v55;
	_ =	sdelay $0x4  }
0x302: {  	[tilespmem:v54+s10+$0x0] =	vst.idx.msk vm1, v52  }
0x303: {  	v54 =	vld [tilespmem:s17+$0x0];
	_ =	sdelay $0x4  }
0x304: {  	(v2sf) =	vpush v54, $0x0;
	_ =	sdelay $0xe  }
0x305: {  	s19 =	spop (v2sf)  }
0x306: {  	p0 =	slt.s32 s19, s0  }
.Ltmp41:
0x307: {  	_ = 	snop;
	(pc) =	sbr.rel @p0 .LBB2_55-.Ltmp41, $2  }
0x308: {  	_ =	sdelay $0x2  }
0x309: {  	s15 =	sadd.s32 $0x1, s15;
	s17 =	sadd.s32 $0x10, s17  }
.LBB2_56:
0x30a: {  	s17 =	rddreg [dreg:$0xd];
	s20 =	simm.s32 $0x2  }
0x30b: {  	[hbm4b:s17+s23] =	stream.linear.scatter [tilespmem:s10], [sflag:$0x1], $0xC000, $0x38;
	[tilespmem:$0x1E900] =	vst v63  }
0x30c: {  	_ =	swait.ge [sflag:s20], $0xC000  }
0x30d: {  	[sflag:s20] =	ssyncset.done $0x0  }
0x30e: {  	[sflag:s20] =	ssyncadd.s32 $0xFFFF4000  }
0x30f: {  	v54 =	vld [tilespmem:s6+$0x0];
	_ =	sdelay $0x4  }
0x310: {  	(v2sf) =	vpush v54, $0x0;
	_ =	sdelay $0xe  }
0x311: {  	s22 =	spop (v2sf)  }
0x312: {  	p0 =	sge.s32 s22, s14  }
.Ltmp42:
0x313: {  	_ = 	snop;
	(pc) =	sbr.rel @p0 .LBB2_59-.Ltmp42, $1  }
0x314: {  	_ =	sdelay $0x3  }
0x315: {  	s17 =	rddreg [dreg:$0x1e]  }
0x316: {  	s6 =	rddreg [dreg:$0x1f]  }
0x317: {  	p0 =	sgt.s32 s17, s6  }
0x318: {  	s6 =	smov.u32 @p0 s17;
	s17 =	sld [smem:$0x7FD];
	_ =	sdelay $0x2  }
0x319: {  	p0 =	sgt.s32 s6, s17  }
0x31a: {  	s17 =	smov.u32 @p0 s6  }
0x31b: {  	s6 =	smov.u32 s7;
	p0 =	sgt.s32 s17, s7  }
0x31c: {  	s6 =	smov.u32 @p0 s17  }
0x31d: {  	s17 =	smov.u32 s8;
	p0 =	sgt.s32 s6, s8  }
0x31e: {  	s17 =	smov.u32 @p0 s6  }
0x31f: {  	s6 =	smov.u32 s12;
	p0 =	sgt.s32 s17, s12  }
0x320: {  	s6 =	smov.u32 @p0 s17  }
0x321: {  	s17 =	smov.u32 s9;
	p0 =	sgt.s32 s6, s9  }
0x322: {  	s17 =	smov.u32 @p0 s6  }
0x323: {  	s6 =	smov.u32 s16;
	p0 =	sgt.s32 s17, s16  }
0x324: {  	s6 =	smov.u32 @p0 s17  }
0x325: {  	s17 =	smov.u32 s21;
	p0 =	sgt.s32 s6, s21  }
0x326: {  	s17 =	smov.u32 @p0 s6  }
0x327: {  	s6 =	sshll.u32 s17, $0x6  }
0x328: {  	s6 =	sshra.s32 s6, $0x2  }
0x329: {  	s6 =	sadd.s32 $0x10, s6  }
.LBB2_58:
0x32a: {  	vm1 =	vge.s32 v54, v33;
	v55 =	vshll.u32 v54, $0x3  }
0x32b: {  	v56 =	vshra.s32 v54, $0xA;
	v57 =	vand.u32 $0x7F, v54;
	vm2 =	vlt.s32 v54, v38  }
0x32c: {  	v55 =	vand.u32 $0x1C00, v55;
	v62 =	vsub.s32 v56, v11;
	v56 =	vshll.u32 v56, $0x7  }
0x32d: {  	v55 =	vor.u32 v57, v55;
	v63 =	vshll.u32 v62, $0xA;
	v56 =	vand.u32 $0x380, v56  }
0x32e: {  	vm1 =	vmand vm1, vm2;
	v54 =	vand.u32 $0xFFFFE000, v63;
	v55 =	vor.u32 v56, v55  }
0x32f: {  	v54 =	vor.u32 v54, v55;
	_ =	sdelay $0x4  }
0x330: {  	[tilespmem:v54+s11+$0x0] =	vst.idx.msk vm1, v53  }
0x331: {  	v54 =	vld [tilespmem:s6+$0x0];
	_ =	sdelay $0x4  }
0x332: {  	(v2sf) =	vpush v54, $0x0;
	_ =	sdelay $0xe  }
0x333: {  	s17 =	spop (v2sf)  }
0x334: {  	p0 =	slt.s32 s17, s14  }
.Ltmp43:
0x335: {  	_ = 	snop;
	(pc) =	sbr.rel @p0 .LBB2_58-.Ltmp43, $2  }
0x336: {  	_ =	sdelay $0x2  }
0x337: {  	s6 =	sadd.s32 $0x10, s6  }
.LBB2_59:
0x338: {  	s15 =	sadd.s32 $0xFFFFFFFF, s15  }
0x339: {  	p0 =	sgt.s32 s15, s1  }
0x33a: {  	s1 =	smov.u32 @p0 s15  }
0x33b: {  	s6 =	sshll.u32 s1, $0x6  }
0x33c: {  	s6 =	sshra.s32 s6, $0x2  }
0x33d: {  	v54 =	vld [tilespmem:s6+$0x0];
	_ =	sdelay $0x4  }
0x33e: {  	(v2sf) =	vpush v54, $0x0;
	_ =	sdelay $0xe  }
0x33f: {  	s17 =	spop (v2sf)  }
0x340: {  	p0 =	sge.s32 s17, s18  }
.Ltmp44:
0x341: {  	_ = 	snop;
	(pc) =	sbr.rel @p0 .LBB2_62-.Ltmp44, $2  }
0x342: {  	_ =	sdelay $0x2  }
0x343: {  	s17 =	smov.u32 s1  }
0x344: {  	s19 =	rddreg [dreg:$0x1e]  }
0x345: {  	s17 =	rddreg [dreg:$0x1f]  }
0x346: {  	p0 =	sgt.s32 s19, s17  }
0x347: {  	s17 =	smov.u32 @p0 s19;
	s19 =	sld [smem:$0x7FD];
	_ =	sdelay $0x2  }
0x348: {  	p0 =	sgt.s32 s17, s19  }
0x349: {  	s19 =	smov.u32 @p0 s17  }
0x34a: {  	s17 =	smov.u32 s7;
	p0 =	sgt.s32 s19, s7  }
0x34b: {  	s17 =	smov.u32 @p0 s19  }
0x34c: {  	s19 =	smov.u32 s8;
	p0 =	sgt.s32 s17, s8  }
0x34d: {  	s19 =	smov.u32 @p0 s17  }
0x34e: {  	s17 =	smov.u32 s12;
	p0 =	sgt.s32 s19, s12  }
0x34f: {  	s17 =	smov.u32 @p0 s19  }
0x350: {  	s19 =	smov.u32 s9;
	p0 =	sgt.s32 s17, s9  }
0x351: {  	s19 =	smov.u32 @p0 s17  }
0x352: {  	s17 =	smov.u32 s16;
	p0 =	sgt.s32 s19, s16  }
0x353: {  	s17 =	smov.u32 @p0 s19  }
0x354: {  	s19 =	smov.u32 s21;
	p0 =	sgt.s32 s17, s21  }
0x355: {  	s19 =	smov.u32 @p0 s17  }
0x356: {  	s17 =	smov.u32 s13;
	p0 =	sgt.s32 s19, s13  }
0x357: {  	s17 =	smov.u32 @p0 s19  }
0x358: {  	s19 =	smov.u32 s15;
	p0 =	sgt.s32 s17, s15  }
0x359: {  	s19 =	smov.u32 @p0 s17  }
0x35a: {  	s17 =	sshll.u32 s19, $0x6  }
0x35b: {  	s17 =	sshra.s32 s17, $0x2  }
0x35c: {  	s19 =	sadd.s32 $0x10, s17;
	s17 =	smov.u32 s1  }
.LBB2_61:
0x35d: {  	vm1 =	vge.s32 v54, v37;
	v55 =	vshll.u32 v54, $0x3  }
0x35e: {  	v56 =	vshra.s32 v54, $0xA;
	v57 =	vand.u32 $0x7F, v54;
	vm2 =	vlt.s32 v54, v42  }
0x35f: {  	v55 =	vand.u32 $0x1C00, v55;
	v62 =	vsub.s32 v56, v13;
	v56 =	vshll.u32 v56, $0x7  }
0x360: {  	v55 =	vor.u32 v57, v55;
	v63 =	vshll.u32 v62, $0xA;
	v56 =	vand.u32 $0x380, v56  }
0x361: {  	vm1 =	vmand vm1, vm2;
	v54 =	vand.u32 $0xFFFFE000, v63;
	v55 =	vor.u32 v56, v55  }
0x362: {  	v54 =	vor.u32 v54, v55;
	_ =	sdelay $0x4  }
0x363: {  	[tilespmem:v54+s11+$0x0] =	vst.idx.msk vm1, v52  }
0x364: {  	v54 =	vld [tilespmem:s19+$0x0];
	_ =	sdelay $0x4  }
0x365: {  	(v2sf) =	vpush v54, $0x0;
	_ =	sdelay $0xe  }
0x366: {  	s20 =	spop (v2sf)  }
0x367: {  	p0 =	slt.s32 s20, s18  }
.Ltmp45:
0x368: {  	_ = 	snop;
	(pc) =	sbr.rel @p0 .LBB2_61-.Ltmp45, $2  }
0x369: {  	_ =	sdelay $0x2  }
0x36a: {  	s17 =	sadd.s32 $0x1, s17;
	s19 =	sadd.s32 $0x10, s19  }
.LBB2_62:
0x36b: {  	s19 =	rddreg [dreg:$0xe]  }
0x36c: {  	[hbm4b:s19+s23] =	stream.linear.scatter [tilespmem:s11], [sflag:$0x2], $0xC000, $0x38;
	[tilespmem:$0x1E900] =	vst v63  }
0x36d: {  	_ =	swait.ge [sflag:s24], $0xC000  }
0x36e: {  	[sflag:s24] =	ssyncset.done $0x0  }
0x36f: {  	[sflag:s24] =	ssyncadd.s32 $0xFFFF4000  }
0x370: {  	v54 =	vld [tilespmem:s5+$0x0];
	_ =	sdelay $0x4  }
0x371: {  	(v2sf) =	vpush v54, $0x0;
	_ =	sdelay $0xe  }
0x372: {  	s22 =	spop (v2sf)  }
0x373: {  	p0 =	sge.s32 s22, s0  }
.Ltmp46:
0x374: {  	_ = 	snop;
	(pc) =	sbr.rel @p0 .LBB2_65-.Ltmp46, $1  }
0x375: {  	_ =	sdelay $0x3  }
0x376: {  	s19 =	rddreg [dreg:$0x1e]  }
0x377: {  	s5 =	rddreg [dreg:$0x1f]  }
0x378: {  	p0 =	sgt.s32 s19, s5  }
0x379: {  	s5 =	smov.u32 @p0 s19;
	s19 =	sld [smem:$0x7FD];
	_ =	sdelay $0x2  }
0x37a: {  	p0 =	sgt.s32 s5, s19  }
0x37b: {  	s19 =	smov.u32 @p0 s5  }
0x37c: {  	s5 =	smov.u32 s7;
	p0 =	sgt.s32 s19, s7  }
0x37d: {  	s5 =	smov.u32 @p0 s19  }
0x37e: {  	s19 =	smov.u32 s8;
	p0 =	sgt.s32 s5, s8  }
0x37f: {  	s19 =	smov.u32 @p0 s5  }
0x380: {  	s5 =	smov.u32 s12;
	p0 =	sgt.s32 s19, s12  }
0x381: {  	s5 =	smov.u32 @p0 s19  }
0x382: {  	s19 =	smov.u32 s9;
	p0 =	sgt.s32 s5, s9  }
0x383: {  	s19 =	smov.u32 @p0 s5  }
0x384: {  	s5 =	smov.u32 s16;
	p0 =	sgt.s32 s19, s16  }
0x385: {  	s5 =	smov.u32 @p0 s19  }
0x386: {  	s19 =	smov.u32 s21;
	p0 =	sgt.s32 s5, s21  }
0x387: {  	s19 =	smov.u32 @p0 s5  }
0x388: {  	s5 =	smov.u32 s13;
	p0 =	sgt.s32 s19, s13  }
0x389: {  	s5 =	smov.u32 @p0 s19  }
0x38a: {  	s5 =	sshll.u32 s5, $0x6  }
0x38b: {  	s5 =	sshra.s32 s5, $0x2  }
0x38c: {  	s5 =	sadd.s32 $0x10, s5  }
.LBB2_64:
0x38d: {  	vm1 =	vge.s32 v54, v34;
	v55 =	vshll.u32 v54, $0x3  }
0x38e: {  	v56 =	vshra.s32 v54, $0xA;
	v57 =	vand.u32 $0x7F, v54;
	vm2 =	vlt.s32 v54, v41  }
0x38f: {  	v55 =	vand.u32 $0x1C00, v55;
	v62 =	vsub.s32 v56, v12;
	v56 =	vshll.u32 v56, $0x7  }
0x390: {  	v55 =	vor.u32 v57, v55;
	v63 =	vshll.u32 v62, $0xA;
	v56 =	vand.u32 $0x380, v56  }
0x391: {  	vm1 =	vmand vm1, vm2;
	v54 =	vand.u32 $0xFFFFE000, v63;
	v55 =	vor.u32 v56, v55  }
0x392: {  	v54 =	vor.u32 v54, v55;
	_ =	sdelay $0x4  }
0x393: {  	[tilespmem:v54+s10+$0x0] =	vst.idx.msk vm1, v53  }
0x394: {  	v54 =	vld [tilespmem:s5+$0x0];
	_ =	sdelay $0x4  }
0x395: {  	(v2sf) =	vpush v54, $0x0;
	_ =	sdelay $0xe  }
0x396: {  	s19 =	spop (v2sf)  }
0x397: {  	p0 =	slt.s32 s19, s0  }
.Ltmp47:
0x398: {  	_ = 	snop;
	(pc) =	sbr.rel @p0 .LBB2_64-.Ltmp47, $2  }
0x399: {  	_ =	sdelay $0x2  }
0x39a: {  	s5 =	sadd.s32 $0x10, s5  }
.LBB2_65:
0x39b: {  	s5 =	sadd.s32 $0xFFFFFFFF, s17  }
0x39c: {  	p0 =	sgt.s32 s5, s1  }
0x39d: {  	s1 =	smov.u32 @p0 s5  }
0x39e: {  	s22 =	sshll.u32 s1, $0x6  }
0x39f: {  	s17 =	sshra.s32 s22, $0x2  }
0x3a0: {  	v54 =	vld [tilespmem:s17+$0x0];
	_ =	sdelay $0x4  }
0x3a1: {  	(v2sf) =	vpush v54, $0x0;
	_ =	sdelay $0xe  }
0x3a2: {  	s19 =	spop (v2sf)  }
0x3a3: {  	p0 =	sge.s32 s19, s2  }
.Ltmp48:
0x3a4: {  	_ = 	snop;
	(pc) =	sbr.rel @p0 .LBB2_68-.Ltmp48, $2  }
0x3a5: {  	_ =	sdelay $0x2  }
0x3a6: {  	s19 =	smov.u32 s1  }
0x3a7: {  	s20 =	rddreg [dreg:$0x1e]  }
0x3a8: {  	s19 =	rddreg [dreg:$0x1f]  }
0x3a9: {  	p0 =	sgt.s32 s20, s19  }
0x3aa: {  	s19 =	smov.u32 @p0 s20;
	s20 =	sld [smem:$0x7FD];
	_ =	sdelay $0x2  }
0x3ab: {  	p0 =	sgt.s32 s19, s20  }
0x3ac: {  	s20 =	smov.u32 @p0 s19  }
0x3ad: {  	s19 =	smov.u32 s7;
	p0 =	sgt.s32 s20, s7  }
0x3ae: {  	s19 =	smov.u32 @p0 s20  }
0x3af: {  	s20 =	smov.u32 s8;
	p0 =	sgt.s32 s19, s8  }
0x3b0: {  	s20 =	smov.u32 @p0 s19  }
0x3b1: {  	s19 =	smov.u32 s12;
	p0 =	sgt.s32 s20, s12  }
0x3b2: {  	s19 =	smov.u32 @p0 s20  }
0x3b3: {  	s20 =	smov.u32 s9;
	p0 =	sgt.s32 s19, s9  }
0x3b4: {  	s20 =	smov.u32 @p0 s19  }
0x3b5: {  	s19 =	smov.u32 s16;
	p0 =	sgt.s32 s20, s16  }
0x3b6: {  	s19 =	smov.u32 @p0 s20  }
0x3b7: {  	s20 =	smov.u32 s21;
	p0 =	sgt.s32 s19, s21  }
0x3b8: {  	s20 =	smov.u32 @p0 s19  }
0x3b9: {  	s19 =	smov.u32 s13;
	p0 =	sgt.s32 s20, s13  }
0x3ba: {  	s19 =	smov.u32 @p0 s20  }
0x3bb: {  	s20 =	smov.u32 s15;
	p0 =	sgt.s32 s19, s15  }
0x3bc: {  	s20 =	smov.u32 @p0 s19  }
0x3bd: {  	s19 =	smov.u32 s5;
	p0 =	sgt.s32 s20, s5  }
0x3be: {  	s19 =	smov.u32 @p0 s20  }
0x3bf: {  	s19 =	sshll.u32 s19, $0x6  }
0x3c0: {  	s19 =	sshra.s32 s19, $0x2  }
0x3c1: {  	s20 =	sadd.s32 $0x10, s19;
	s19 =	smov.u32 s1  }
.LBB2_67:
0x3c2: {  	vm1 =	vge.s32 v54, v39;
	v55 =	vshll.u32 v54, $0x3  }
0x3c3: {  	v56 =	vshra.s32 v54, $0xA;
	v57 =	vand.u32 $0x7F, v54;
	vm2 =	vlt.s32 v54, v44  }
0x3c4: {  	v55 =	vand.u32 $0x1C00, v55;
	v62 =	vsub.s32 v56, v14;
	v56 =	vshll.u32 v56, $0x7  }
0x3c5: {  	v55 =	vor.u32 v57, v55;
	v63 =	vshll.u32 v62, $0xA;
	v56 =	vand.u32 $0x380, v56  }
0x3c6: {  	vm1 =	vmand vm1, vm2;
	v54 =	vand.u32 $0xFFFFE000, v63;
	v55 =	vor.u32 v56, v55  }
0x3c7: {  	v54 =	vor.u32 v54, v55;
	_ =	sdelay $0x4  }
0x3c8: {  	[tilespmem:v54+s10+$0x0] =	vst.idx.msk vm1, v52  }
0x3c9: {  	v54 =	vld [tilespmem:s20+$0x0];
	_ =	sdelay $0x4  }
0x3ca: {  	(v2sf) =	vpush v54, $0x0;
	_ =	sdelay $0xe  }
0x3cb: {  	s22 =	spop (v2sf)  }
0x3cc: {  	p0 =	slt.s32 s22, s2  }
.Ltmp49:
0x3cd: {  	_ = 	snop;
	(pc) =	sbr.rel @p0 .LBB2_67-.Ltmp49, $2  }
0x3ce: {  	_ =	sdelay $0x2  }
0x3cf: {  	s19 =	sadd.s32 $0x1, s19;
	s20 =	sadd.s32 $0x10, s20  }
.LBB2_68:
0x3d0: {  	s20 =	rddreg [dreg:$0xf];
	s22 =	simm.s32 $0x2  }
0x3d1: {  	[hbm4b:s20+s23] =	stream.linear.scatter [tilespmem:s10], [sflag:$0x1], $0xC000, $0x38;
	[tilespmem:$0x1E900] =	vst v63  }
0x3d2: {  	_ =	swait.ge [sflag:s22], $0xC000  }
0x3d3: {  	[sflag:s22] =	ssyncset.done $0x0  }
0x3d4: {  	[sflag:s22] =	ssyncadd.s32 $0xFFFF4000  }
0x3d5: {  	v54 =	vld [tilespmem:s6+$0x0];
	_ =	sdelay $0x4  }
0x3d6: {  	(v2sf) =	vpush v54, $0x0;
	_ =	sdelay $0xe  }
0x3d7: {  	s22 =	spop (v2sf)  }
0x3d8: {  	p0 =	sge.s32 s22, s18  }
.Ltmp50:
0x3d9: {  	_ = 	snop;
	(pc) =	sbr.rel @p0 .LBB2_71-.Ltmp50, $1  }
0x3da: {  	_ =	sdelay $0x3  }
0x3db: {  	s20 =	rddreg [dreg:$0x1e]  }
0x3dc: {  	s6 =	rddreg [dreg:$0x1f]  }
0x3dd: {  	p0 =	sgt.s32 s20, s6  }
0x3de: {  	s6 =	smov.u32 @p0 s20;
	s20 =	sld [smem:$0x7FD];
	_ =	sdelay $0x2  }
0x3df: {  	p0 =	sgt.s32 s6, s20  }
0x3e0: {  	s20 =	smov.u32 @p0 s6  }
0x3e1: {  	s6 =	smov.u32 s7;
	p0 =	sgt.s32 s20, s7  }
0x3e2: {  	s6 =	smov.u32 @p0 s20  }
0x3e3: {  	s20 =	smov.u32 s8;
	p0 =	sgt.s32 s6, s8  }
0x3e4: {  	s20 =	smov.u32 @p0 s6  }
0x3e5: {  	s6 =	smov.u32 s12;
	p0 =	sgt.s32 s20, s12  }
0x3e6: {  	s6 =	smov.u32 @p0 s20  }
0x3e7: {  	s20 =	smov.u32 s9;
	p0 =	sgt.s32 s6, s9  }
0x3e8: {  	s20 =	smov.u32 @p0 s6  }
0x3e9: {  	s6 =	smov.u32 s16;
	p0 =	sgt.s32 s20, s16  }
0x3ea: {  	s6 =	smov.u32 @p0 s20  }
0x3eb: {  	s20 =	smov.u32 s21;
	p0 =	sgt.s32 s6, s21  }
0x3ec: {  	s20 =	smov.u32 @p0 s6  }
0x3ed: {  	s6 =	smov.u32 s13;
	p0 =	sgt.s32 s20, s13  }
0x3ee: {  	s6 =	smov.u32 @p0 s20  }
0x3ef: {  	s20 =	smov.u32 s15;
	p0 =	sgt.s32 s6, s15  }
0x3f0: {  	s20 =	smov.u32 @p0 s6  }
0x3f1: {  	s6 =	sshll.u32 s20, $0x6  }
0x3f2: {  	s6 =	sshra.s32 s6, $0x2  }
0x3f3: {  	s6 =	sadd.s32 $0x10, s6  }
.LBB2_70:
0x3f4: {  	vm1 =	vge.s32 v54, v37;
	v55 =	vshll.u32 v54, $0x3  }
0x3f5: {  	v56 =	vshra.s32 v54, $0xA;
	v57 =	vand.u32 $0x7F, v54;
	vm2 =	vlt.s32 v54, v42  }
0x3f6: {  	v55 =	vand.u32 $0x1C00, v55;
	v62 =	vsub.s32 v56, v13;
	v56 =	vshll.u32 v56, $0x7  }
0x3f7: {  	v55 =	vor.u32 v57, v55;
	v63 =	vshll.u32 v62, $0xA;
	v56 =	vand.u32 $0x380, v56  }
0x3f8: {  	vm1 =	vmand vm1, vm2;
	v54 =	vand.u32 $0xFFFFE000, v63;
	v55 =	vor.u32 v56, v55  }
0x3f9: {  	v54 =	vor.u32 v54, v55;
	_ =	sdelay $0x4  }
0x3fa: {  	[tilespmem:v54+s11+$0x0] =	vst.idx.msk vm1, v53  }
0x3fb: {  	v54 =	vld [tilespmem:s6+$0x0];
	_ =	sdelay $0x4  }
0x3fc: {  	(v2sf) =	vpush v54, $0x0;
	_ =	sdelay $0xe  }
0x3fd: {  	s20 =	spop (v2sf)  }
0x3fe: {  	p0 =	slt.s32 s20, s18  }
.Ltmp51:
0x3ff: {  	_ = 	snop;
	(pc) =	sbr.rel @p0 .LBB2_70-.Ltmp51, $2  }
0x400: {  	_ =	sdelay $0x2  }
0x401: {  	s6 =	sadd.s32 $0x10, s6  }
.LBB2_71:
0x402: {  	s6 =	sadd.s32 $0xFFFFFFFF, s19  }
0x403: {  	p0 =	sgt.s32 s6, s1  }
0x404: {  	s1 =	smov.u32 @p0 s6  }
0x405: {  	s20 =	sshll.u32 s1, $0x6  }
0x406: {  	s19 =	sshra.s32 s20, $0x2  }
0x407: {  	v54 =	vld [tilespmem:s19+$0x0];
	_ =	sdelay $0x4  }
0x408: {  	(v2sf) =	vpush v54, $0x0;
	_ =	sdelay $0xe  }
0x409: {  	s22 =	spop (v2sf)  }
0x40a: {  	p0 =	sge.s32 s22, s3  }
.Ltmp52:
0x40b: {  	_ = 	snop;
	(pc) =	sbr.rel @p0 .LBB2_74-.Ltmp52, $2  }
0x40c: {  	_ =	sdelay $0x2  }
0x40d: {  	[smem:$0x7FC] =	sst s19;
	s19 =	smov.u32 s1  }
0x40e: {  	s20 =	rddreg [dreg:$0x1e]  }
0x40f: {  	s19 =	rddreg [dreg:$0x1f]  }
0x410: {  	p0 =	sgt.s32 s20, s19  }
0x411: {  	s19 =	smov.u32 @p0 s20;
	s20 =	sld [smem:$0x7FD];
	_ =	sdelay $0x2  }
0x412: {  	p0 =	sgt.s32 s19, s20  }
0x413: {  	s20 =	smov.u32 @p0 s19  }
0x414: {  	s19 =	smov.u32 s7;
	p0 =	sgt.s32 s20, s7  }
0x415: {  	s19 =	smov.u32 @p0 s20  }
0x416: {  	s20 =	smov.u32 s8;
	p0 =	sgt.s32 s19, s8  }
0x417: {  	s20 =	smov.u32 @p0 s19  }
0x418: {  	s19 =	smov.u32 s12;
	p0 =	sgt.s32 s20, s12  }
0x419: {  	s19 =	smov.u32 @p0 s20  }
0x41a: {  	s20 =	smov.u32 s9;
	p0 =	sgt.s32 s19, s9  }
0x41b: {  	s20 =	smov.u32 @p0 s19  }
0x41c: {  	s19 =	smov.u32 s16;
	p0 =	sgt.s32 s20, s16  }
0x41d: {  	s19 =	smov.u32 @p0 s20  }
0x41e: {  	s20 =	smov.u32 s21;
	p0 =	sgt.s32 s19, s21  }
0x41f: {  	s20 =	smov.u32 @p0 s19  }
0x420: {  	s19 =	smov.u32 s13;
	p0 =	sgt.s32 s20, s13  }
0x421: {  	s19 =	smov.u32 @p0 s20  }
0x422: {  	s20 =	smov.u32 s15;
	p0 =	sgt.s32 s19, s15  }
0x423: {  	s20 =	smov.u32 @p0 s19  }
0x424: {  	s19 =	smov.u32 s5;
	p0 =	sgt.s32 s20, s5  }
0x425: {  	s19 =	smov.u32 @p0 s20  }
0x426: {  	s20 =	smov.u32 s6;
	p0 =	sgt.s32 s19, s6  }
0x427: {  	s20 =	smov.u32 @p0 s19  }
0x428: {  	s19 =	sshll.u32 s20, $0x6  }
0x429: {  	s19 =	sshra.s32 s19, $0x2  }
0x42a: {  	s20 =	sadd.s32 $0x10, s19;
	s19 =	smov.u32 s1  }
.LBB2_73:
0x42b: {  	vm1 =	vge.s32 v54, v40;
	v55 =	vshll.u32 v54, $0x3  }
0x42c: {  	v56 =	vshra.s32 v54, $0xA;
	v57 =	vand.u32 $0x7F, v54;
	vm2 =	vlt.s32 v54, v47  }
0x42d: {  	v55 =	vand.u32 $0x1C00, v55;
	v62 =	vsub.s32 v56, v15;
	v56 =	vshll.u32 v56, $0x7  }
0x42e: {  	v55 =	vor.u32 v57, v55;
	v63 =	vshll.u32 v62, $0xA;
	v56 =	vand.u32 $0x380, v56  }
0x42f: {  	vm1 =	vmand vm1, vm2;
	v54 =	vand.u32 $0xFFFFE000, v63;
	v55 =	vor.u32 v56, v55  }
0x430: {  	v54 =	vor.u32 v54, v55;
	_ =	sdelay $0x4  }
0x431: {  	[tilespmem:v54+s11+$0x0] =	vst.idx.msk vm1, v52  }
0x432: {  	v54 =	vld [tilespmem:s20+$0x0];
	_ =	sdelay $0x4  }
0x433: {  	(v2sf) =	vpush v54, $0x0;
	_ =	sdelay $0xe  }
0x434: {  	s22 =	spop (v2sf)  }
0x435: {  	p0 =	slt.s32 s22, s3  }
.Ltmp53:
0x436: {  	_ = 	snop;
	(pc) =	sbr.rel @p0 .LBB2_73-.Ltmp53, $2  }
0x437: {  	_ =	sdelay $0x2  }
0x438: {  	s19 =	sadd.s32 $0x1, s19;
	s20 =	sadd.s32 $0x10, s20  }
.LBB2_74:
0x439: {  	s20 =	rddreg [dreg:$0x10]  }
0x43a: {  	[hbm4b:s20+s23] =	stream.linear.scatter [tilespmem:s11], [sflag:$0x2], $0xC000, $0x38;
	[tilespmem:$0x1E900] =	vst v63  }
0x43b: {  	_ =	swait.ge [sflag:s24], $0xC000  }
0x43c: {  	[sflag:s24] =	ssyncset.done $0x0  }
0x43d: {  	[sflag:s24] =	ssyncadd.s32 $0xFFFF4000  }
0x43e: {  	v54 =	vld [tilespmem:s17+$0x0];
	_ =	sdelay $0x4  }
0x43f: {  	(v2sf) =	vpush v54, $0x0;
	_ =	sdelay $0xe  }
0x440: {  	s24 =	spop (v2sf)  }
0x441: {  	p0 =	sge.s32 s24, s2  }
.Ltmp54:
0x442: {  	_ = 	snop;
	(pc) =	sbr.rel @p0 .LBB2_77-.Ltmp54, $1  }
0x443: {  	_ =	sdelay $0x3  }
0x444: {  	s20 =	rddreg [dreg:$0x1e]  }
0x445: {  	s17 =	rddreg [dreg:$0x1f]  }
0x446: {  	p0 =	sgt.s32 s20, s17  }
0x447: {  	s17 =	smov.u32 @p0 s20;
	s20 =	sld [smem:$0x7FD];
	_ =	sdelay $0x2  }
0x448: {  	p0 =	sgt.s32 s17, s20  }
0x449: {  	s20 =	smov.u32 @p0 s17  }
0x44a: {  	s17 =	smov.u32 s7;
	p0 =	sgt.s32 s20, s7  }
0x44b: {  	s17 =	smov.u32 @p0 s20  }
0x44c: {  	s20 =	smov.u32 s8;
	p0 =	sgt.s32 s17, s8  }
0x44d: {  	s20 =	smov.u32 @p0 s17  }
0x44e: {  	s17 =	smov.u32 s12;
	p0 =	sgt.s32 s20, s12  }
0x44f: {  	s17 =	smov.u32 @p0 s20  }
0x450: {  	s20 =	smov.u32 s9;
	p0 =	sgt.s32 s17, s9  }
0x451: {  	s20 =	smov.u32 @p0 s17  }
0x452: {  	s17 =	smov.u32 s16;
	p0 =	sgt.s32 s20, s16  }
0x453: {  	s17 =	smov.u32 @p0 s20  }
0x454: {  	s20 =	smov.u32 s21;
	p0 =	sgt.s32 s17, s21  }
0x455: {  	s20 =	smov.u32 @p0 s17  }
0x456: {  	s17 =	smov.u32 s13;
	p0 =	sgt.s32 s20, s13  }
0x457: {  	s17 =	smov.u32 @p0 s20  }
0x458: {  	s20 =	smov.u32 s15;
	p0 =	sgt.s32 s17, s15  }
0x459: {  	s20 =	smov.u32 @p0 s17  }
0x45a: {  	s17 =	smov.u32 s5;
	p0 =	sgt.s32 s20, s5  }
0x45b: {  	s17 =	smov.u32 @p0 s20  }
0x45c: {  	s17 =	sshll.u32 s17, $0x6  }
0x45d: {  	s17 =	sshra.s32 s17, $0x2  }
0x45e: {  	s17 =	sadd.s32 $0x10, s17  }
.LBB2_76:
0x45f: {  	vm1 =	vge.s32 v54, v39;
	v55 =	vshll.u32 v54, $0x3  }
0x460: {  	v56 =	vshra.s32 v54, $0xA;
	v57 =	vand.u32 $0x7F, v54;
	vm2 =	vlt.s32 v54, v44  }
0x461: {  	v55 =	vand.u32 $0x1C00, v55;
	v62 =	vsub.s32 v56, v14;
	v56 =	vshll.u32 v56, $0x7  }
0x462: {  	v55 =	vor.u32 v57, v55;
	v63 =	vshll.u32 v62, $0xA;
	v56 =	vand.u32 $0x380, v56  }
0x463: {  	vm1 =	vmand vm1, vm2;
	v54 =	vand.u32 $0xFFFFE000, v63;
	v55 =	vor.u32 v56, v55  }
0x464: {  	v54 =	vor.u32 v54, v55;
	_ =	sdelay $0x4  }
0x465: {  	[tilespmem:v54+s10+$0x0] =	vst.idx.msk vm1, v53  }
0x466: {  	v54 =	vld [tilespmem:s17+$0x0];
	_ =	sdelay $0x4  }
0x467: {  	(v2sf) =	vpush v54, $0x0;
	_ =	sdelay $0xe  }
0x468: {  	s20 =	spop (v2sf)  }
0x469: {  	p0 =	slt.s32 s20, s2  }
.Ltmp55:
0x46a: {  	_ = 	snop;
	(pc) =	sbr.rel @p0 .LBB2_76-.Ltmp55, $2  }
0x46b: {  	_ =	sdelay $0x2  }
0x46c: {  	s17 =	sadd.s32 $0x10, s17  }
.LBB2_77:
0x46d: {  	s17 =	sadd.s32 $0xFFFFFFFF, s19  }
0x46e: {  	p0 =	sgt.s32 s17, s1  }
0x46f: {  	s1 =	smov.u32 @p0 s17  }
0x470: {  	s22 =	sshll.u32 s1, $0x6  }
0x471: {  	s19 =	sshra.s32 s22, $0x2  }
0x472: {  	v54 =	vld [tilespmem:s19+$0x0];
	_ =	sdelay $0x4  }
0x473: {  	(v2sf) =	vpush v54, $0x0;
	_ =	sdelay $0xe  }
0x474: {  	s24 =	spop (v2sf)  }
0x475: {  	p0 =	sge.s32 s24, s4  }
.Ltmp56:
0x476: {  	_ = 	snop;
	(pc) =	sbr.rel @p0 .LBB2_80-.Ltmp56, $2  }
0x477: {  	_ =	sdelay $0x2  }
0x478: {  	[smem:$0x7FB] =	sst s19;
	s19 =	smov.u32 s1  }
0x479: {  	s20 =	rddreg [dreg:$0x1e]  }
0x47a: {  	s19 =	rddreg [dreg:$0x1f]  }
0x47b: {  	p0 =	sgt.s32 s20, s19  }
0x47c: {  	s19 =	smov.u32 @p0 s20;
	s20 =	sld [smem:$0x7FD];
	_ =	sdelay $0x2  }
0x47d: {  	p0 =	sgt.s32 s19, s20  }
0x47e: {  	s20 =	smov.u32 @p0 s19  }
0x47f: {  	s19 =	smov.u32 s7;
	p0 =	sgt.s32 s20, s7  }
0x480: {  	s19 =	smov.u32 @p0 s20  }
0x481: {  	s20 =	smov.u32 s8;
	p0 =	sgt.s32 s19, s8  }
0x482: {  	s20 =	smov.u32 @p0 s19  }
0x483: {  	s19 =	smov.u32 s12;
	p0 =	sgt.s32 s20, s12  }
0x484: {  	s19 =	smov.u32 @p0 s20  }
0x485: {  	s20 =	smov.u32 s9;
	p0 =	sgt.s32 s19, s9  }
0x486: {  	s20 =	smov.u32 @p0 s19  }
0x487: {  	s19 =	smov.u32 s16;
	p0 =	sgt.s32 s20, s16  }
0x488: {  	s19 =	smov.u32 @p0 s20  }
0x489: {  	s20 =	smov.u32 s21;
	p0 =	sgt.s32 s19, s21  }
0x48a: {  	s20 =	smov.u32 @p0 s19  }
0x48b: {  	s19 =	smov.u32 s13;
	p0 =	sgt.s32 s20, s13  }
0x48c: {  	s19 =	smov.u32 @p0 s20  }
0x48d: {  	s20 =	smov.u32 s15;
	p0 =	sgt.s32 s19, s15  }
0x48e: {  	s20 =	smov.u32 @p0 s19  }
0x48f: {  	s19 =	smov.u32 s5;
	p0 =	sgt.s32 s20, s5  }
0x490: {  	s19 =	smov.u32 @p0 s20  }
0x491: {  	s20 =	smov.u32 s6;
	p0 =	sgt.s32 s19, s6  }
0x492: {  	s20 =	smov.u32 @p0 s19  }
0x493: {  	s19 =	smov.u32 s17;
	p0 =	sgt.s32 s20, s17  }
0x494: {  	s19 =	smov.u32 @p0 s20  }
0x495: {  	s19 =	sshll.u32 s19, $0x6  }
0x496: {  	s19 =	sshra.s32 s19, $0x2  }
0x497: {  	s20 =	sadd.s32 $0x10, s19;
	s19 =	smov.u32 s1  }
.LBB2_79:
0x498: {  	vm1 =	vge.s32 v54, v43;
	v55 =	vshll.u32 v54, $0x3  }
0x499: {  	v56 =	vshra.s32 v54, $0xA;
	v57 =	vand.u32 $0x7F, v54;
	vm2 =	vlt.s32 v54, v48  }
0x49a: {  	v55 =	vand.u32 $0x1C00, v55;
	v62 =	vsub.s32 v56, v16;
	v56 =	vshll.u32 v56, $0x7  }
0x49b: {  	v55 =	vor.u32 v57, v55;
	v63 =	vshll.u32 v62, $0xA;
	v56 =	vand.u32 $0x380, v56  }
0x49c: {  	vm1 =	vmand vm1, vm2;
	v54 =	vand.u32 $0xFFFFE000, v63;
	v55 =	vor.u32 v56, v55  }
0x49d: {  	v54 =	vor.u32 v54, v55;
	_ =	sdelay $0x4  }
0x49e: {  	[tilespmem:v54+s10+$0x0] =	vst.idx.msk vm1, v52  }
0x49f: {  	v54 =	vld [tilespmem:s20+$0x0];
	_ =	sdelay $0x4  }
0x4a0: {  	(v2sf) =	vpush v54, $0x0;
	_ =	sdelay $0xe  }
0x4a1: {  	s22 =	spop (v2sf)  }
0x4a2: {  	p0 =	slt.s32 s22, s4  }
.Ltmp57:
0x4a3: {  	_ = 	snop;
	(pc) =	sbr.rel @p0 .LBB2_79-.Ltmp57, $2  }
0x4a4: {  	_ =	sdelay $0x2  }
0x4a5: {  	s19 =	sadd.s32 $0x1, s19;
	s20 =	sadd.s32 $0x10, s20  }
.LBB2_80:
0x4a6: {  	s20 =	rddreg [dreg:$0x11];
	s22 =	simm.s32 $0x2  }
0x4a7: {  	[hbm4b:s20+s23] =	stream.linear.scatter [tilespmem:s10], [sflag:$0x1], $0xC000, $0x38;
	[tilespmem:$0x1E900] =	vst v63  }
0x4a8: {  	_ =	swait.ge [sflag:s22], $0xC000  }
0x4a9: {  	s23 =	sld [smem:$0x7FC]  }
0x4aa: {  	[sflag:s22] =	ssyncset.done $0x0  }
0x4ab: {  	[sflag:s22] =	ssyncadd.s32 $0xFFFF4000  }
0x4ac: {  	v54 =	vld [tilespmem:s23+$0x0];
	_ =	sdelay $0x4  }
0x4ad: {  	(v2sf) =	vpush v54, $0x0;
	_ =	sdelay $0xe  }
0x4ae: {  	s24 =	spop (v2sf)  }
0x4af: {  	p0 =	sge.s32 s24, s3  }
.Ltmp58:
0x4b0: {  	_ = 	snop;
	(pc) =	sbr.rel @p0 .LBB2_83-.Ltmp58, $1  }
0x4b1: {  	_ =	sdelay $0x3  }
0x4b2: {  	s22 =	rddreg [dreg:$0x1e]  }
0x4b3: {  	s20 =	rddreg [dreg:$0x1f]  }
0x4b4: {  	p0 =	sgt.s32 s22, s20  }
0x4b5: {  	s20 =	smov.u32 @p0 s22;
	s22 =	sld [smem:$0x7FD];
	_ =	sdelay $0x2  }
0x4b6: {  	p0 =	sgt.s32 s20, s22  }
0x4b7: {  	s22 =	smov.u32 @p0 s20  }
0x4b8: {  	s20 =	smov.u32 s7;
	p0 =	sgt.s32 s22, s7  }
0x4b9: {  	s20 =	smov.u32 @p0 s22  }
0x4ba: {  	s22 =	smov.u32 s8;
	p0 =	sgt.s32 s20, s8  }
0x4bb: {  	s22 =	smov.u32 @p0 s20  }
0x4bc: {  	s20 =	smov.u32 s12;
	p0 =	sgt.s32 s22, s12  }
0x4bd: {  	s20 =	smov.u32 @p0 s22  }
0x4be: {  	s22 =	smov.u32 s9;
	p0 =	sgt.s32 s20, s9  }
0x4bf: {  	s22 =	smov.u32 @p0 s20  }
0x4c0: {  	s20 =	smov.u32 s16;
	p0 =	sgt.s32 s22, s16  }
0x4c1: {  	s20 =	smov.u32 @p0 s22  }
0x4c2: {  	s22 =	smov.u32 s21;
	p0 =	sgt.s32 s20, s21  }
0x4c3: {  	s22 =	smov.u32 @p0 s20  }
0x4c4: {  	s20 =	smov.u32 s13;
	p0 =	sgt.s32 s22, s13  }
0x4c5: {  	s20 =	smov.u32 @p0 s22  }
0x4c6: {  	s22 =	smov.u32 s15;
	p0 =	sgt.s32 s20, s15  }
0x4c7: {  	s22 =	smov.u32 @p0 s20  }
0x4c8: {  	s20 =	smov.u32 s5;
	p0 =	sgt.s32 s22, s5  }
0x4c9: {  	s20 =	smov.u32 @p0 s22  }
0x4ca: {  	s22 =	smov.u32 s6;
	p0 =	sgt.s32 s20, s6  }
0x4cb: {  	s22 =	smov.u32 @p0 s20  }
0x4cc: {  	s20 =	sshll.u32 s22, $0x6  }
0x4cd: {  	s20 =	sshra.s32 s20, $0x2  }
0x4ce: {  	s20 =	sadd.s32 $0x10, s20  }
.LBB2_82:
0x4cf: {  	vm1 =	vge.s32 v54, v40;
	v55 =	vshll.u32 v54, $0x3  }
0x4d0: {  	v56 =	vshra.s32 v54, $0xA;
	v57 =	vand.u32 $0x7F, v54;
	vm2 =	vlt.s32 v54, v47  }
0x4d1: {  	v55 =	vand.u32 $0x1C00, v55;
	v62 =	vsub.s32 v56, v15;
	v56 =	vshll.u32 v56, $0x7  }
0x4d2: {  	v55 =	vor.u32 v57, v55;
	v63 =	vshll.u32 v62, $0xA;
	v56 =	vand.u32 $0x380, v56  }
0x4d3: {  	vm1 =	vmand vm1, vm2;
	v54 =	vand.u32 $0xFFFFE000, v63;
	v55 =	vor.u32 v56, v55  }
0x4d4: {  	v54 =	vor.u32 v54, v55;
	_ =	sdelay $0x4  }
0x4d5: {  	[tilespmem:v54+s11+$0x0] =	vst.idx.msk vm1, v53  }
0x4d6: {  	v54 =	vld [tilespmem:s20+$0x0];
	_ =	sdelay $0x4  }
0x4d7: {  	(v2sf) =	vpush v54, $0x0;
	_ =	sdelay $0xe  }
0x4d8: {  	s22 =	spop (v2sf)  }
0x4d9: {  	p0 =	slt.s32 s22, s3  }
.Ltmp59:
0x4da: {  	_ = 	snop;
	(pc) =	sbr.rel @p0 .LBB2_82-.Ltmp59, $2  }
0x4db: {  	_ =	sdelay $0x2  }
0x4dc: {  	s20 =	sadd.s32 $0x10, s20  }
.LBB2_83:
0x4dd: {  	s20 =	sadd.s32 $0xFFFFFFFF, s19  }
0x4de: {  	p0 =	sgt.s32 s20, s1  }
0x4df: {  	s1 =	smov.u32 @p0 s20  }
0x4e0: {  	s22 =	sshll.u32 s1, $0x6  }
0x4e1: {  	s19 =	sshra.s32 s22, $0x2  }
0x4e2: {  	v54 =	vld [tilespmem:s19+$0x0];
	_ =	sdelay $0x4  }
0x4e3: {  	(v2sf) =	vpush v54, $0x0;
	_ =	sdelay $0xe  }
0x4e4: {  	s24 =	rddreg [dreg:$0x17];
	s23 =	spop (v2sf)  }
0x4e5: {  	p0 =	sge.s32 s23, s24  }
.Ltmp60:
0x4e6: {  	_ = 	snop;
	(pc) =	sbr.rel @p0 .LBB2_86-.Ltmp60, $2  }
0x4e7: {  	_ =	sdelay $0x2  }
0x4e8: {  	s19 =	smov.u32 s1  }
0x4e9: {  	s22 =	rddreg [dreg:$0x1e]  }
0x4ea: {  	s19 =	rddreg [dreg:$0x1f]  }
0x4eb: {  	p0 =	sgt.s32 s22, s19  }
0x4ec: {  	s19 =	smov.u32 @p0 s22;
	s22 =	sld [smem:$0x7FD];
	_ =	sdelay $0x2  }
0x4ed: {  	p0 =	sgt.s32 s19, s22  }
0x4ee: {  	s22 =	smov.u32 @p0 s19  }
0x4ef: {  	s19 =	smov.u32 s7;
	p0 =	sgt.s32 s22, s7  }
0x4f0: {  	s19 =	smov.u32 @p0 s22  }
0x4f1: {  	s22 =	smov.u32 s8;
	p0 =	sgt.s32 s19, s8  }
0x4f2: {  	s22 =	smov.u32 @p0 s19  }
0x4f3: {  	s19 =	smov.u32 s12;
	p0 =	sgt.s32 s22, s12  }
0x4f4: {  	s19 =	smov.u32 @p0 s22  }
0x4f5: {  	s22 =	smov.u32 s9;
	p0 =	sgt.s32 s19, s9  }
0x4f6: {  	s22 =	smov.u32 @p0 s19  }
0x4f7: {  	s19 =	smov.u32 s16;
	p0 =	sgt.s32 s22, s16  }
0x4f8: {  	s19 =	smov.u32 @p0 s22  }
0x4f9: {  	s22 =	smov.u32 s21;
	p0 =	sgt.s32 s19, s21  }
0x4fa: {  	s22 =	smov.u32 @p0 s19  }
0x4fb: {  	s19 =	smov.u32 s13;
	p0 =	sgt.s32 s22, s13  }
0x4fc: {  	s19 =	smov.u32 @p0 s22  }
0x4fd: {  	s22 =	smov.u32 s15;
	p0 =	sgt.s32 s19, s15  }
0x4fe: {  	s22 =	smov.u32 @p0 s19  }
0x4ff: {  	s19 =	smov.u32 s5;
	p0 =	sgt.s32 s22, s5  }
0x500: {  	s19 =	smov.u32 @p0 s22  }
0x501: {  	s22 =	smov.u32 s6;
	p0 =	sgt.s32 s19, s6  }
0x502: {  	s22 =	smov.u32 @p0 s19  }
0x503: {  	s19 =	smov.u32 s17;
	p0 =	sgt.s32 s22, s17  }
0x504: {  	s19 =	smov.u32 @p0 s22  }
0x505: {  	s22 =	smov.u32 s20;
	p0 =	sgt.s32 s19, s20  }
0x506: {  	s22 =	smov.u32 @p0 s19  }
0x507: {  	s19 =	sshll.u32 s22, $0x6  }
0x508: {  	s19 =	sshra.s32 s19, $0x2  }
0x509: {  	s22 =	sadd.s32 $0x10, s19;
	s19 =	smov.u32 s1  }
.LBB2_85:
0x50a: {  	vm1 =	vge.s32 v54, v45;
	v55 =	vshll.u32 v54, $0x3  }
0x50b: {  	v56 =	vshra.s32 v54, $0xA;
	v57 =	vand.u32 $0x7F, v54;
	vm2 =	vlt.s32 v54, v49  }
0x50c: {  	v55 =	vand.u32 $0x1C00, v55;
	v62 =	vsub.s32 v56, v17;
	v56 =	vshll.u32 v56, $0x7  }
0x50d: {  	v55 =	vor.u32 v57, v55;
	v63 =	vshll.u32 v62, $0xA;
	v56 =	vand.u32 $0x380, v56  }
0x50e: {  	vm1 =	vmand vm1, vm2;
	v54 =	vand.u32 $0xFFFFE000, v63;
	v55 =	vor.u32 v56, v55  }
0x50f: {  	v54 =	vor.u32 v54, v55;
	_ =	sdelay $0x4  }
0x510: {  	[tilespmem:v54+s11+$0x0] =	vst.idx.msk vm1, v52  }
0x511: {  	v54 =	vld [tilespmem:s22+$0x0];
	_ =	sdelay $0x4  }
0x512: {  	(v2sf) =	vpush v54, $0x0;
	_ =	sdelay $0xe  }
0x513: {  	s23 =	spop (v2sf)  }
0x514: {  	p0 =	slt.s32 s23, s24  }
.Ltmp61:
0x515: {  	_ = 	snop;
	(pc) =	sbr.rel @p0 .LBB2_85-.Ltmp61, $2  }
0x516: {  	_ =	sdelay $0x2  }
0x517: {  	s19 =	sadd.s32 $0x1, s19;
	s22 =	sadd.s32 $0x10, s22  }
.LBB2_86:
0x518: {  	s22 =	simm.s32 $0x0;
	s23 =	rddreg [dreg:$0x12];
	s24 =	simm.s32 $0x1  }
0x519: {  	[hbm4b:s23+s22] =	stream.linear.scatter [tilespmem:s11], [sflag:$0x2], $0xC000, $0x38;
	[tilespmem:$0x1E900] =	vst v63  }
0x51a: {  	_ =	swait.ge [sflag:s24], $0xC000  }
0x51b: {  	s23 =	sld [smem:$0x7FB]  }
0x51c: {  	[sflag:s24] =	ssyncset.done $0x0  }
0x51d: {  	[sflag:s24] =	ssyncadd.s32 $0xFFFF4000  }
0x51e: {  	v54 =	vld [tilespmem:s23+$0x0];
	_ =	sdelay $0x4  }
0x51f: {  	(v2sf) =	vpush v54, $0x0;
	_ =	sdelay $0xe  }
0x520: {  	s23 =	spop (v2sf)  }
0x521: {  	p0 =	sge.s32 s23, s4  }
.Ltmp62:
0x522: {  	_ = 	snop;
	(pc) =	sbr.rel @p0 .LBB2_89-.Ltmp62, $1  }
0x523: {  	_ =	sdelay $0x3  }
0x524: {  	s23 =	rddreg [dreg:$0x1e]  }
0x525: {  	s22 =	rddreg [dreg:$0x1f]  }
0x526: {  	p0 =	sgt.s32 s23, s22  }
0x527: {  	s22 =	smov.u32 @p0 s23;
	s23 =	sld [smem:$0x7FD];
	_ =	sdelay $0x2  }
0x528: {  	p0 =	sgt.s32 s22, s23  }
0x529: {  	s23 =	smov.u32 @p0 s22  }
0x52a: {  	s22 =	smov.u32 s7;
	p0 =	sgt.s32 s23, s7  }
0x52b: {  	s22 =	smov.u32 @p0 s23  }
0x52c: {  	s23 =	smov.u32 s8;
	p0 =	sgt.s32 s22, s8  }
0x52d: {  	s23 =	smov.u32 @p0 s22  }
0x52e: {  	s22 =	smov.u32 s12;
	p0 =	sgt.s32 s23, s12  }
0x52f: {  	s22 =	smov.u32 @p0 s23  }
0x530: {  	s23 =	smov.u32 s9;
	p0 =	sgt.s32 s22, s9  }
0x531: {  	s23 =	smov.u32 @p0 s22  }
0x532: {  	s22 =	smov.u32 s16;
	p0 =	sgt.s32 s23, s16  }
0x533: {  	s22 =	smov.u32 @p0 s23  }
0x534: {  	s23 =	smov.u32 s21;
	p0 =	sgt.s32 s22, s21  }
0x535: {  	s23 =	smov.u32 @p0 s22  }
0x536: {  	s22 =	smov.u32 s13;
	p0 =	sgt.s32 s23, s13  }
0x537: {  	s22 =	smov.u32 @p0 s23  }
0x538: {  	s23 =	smov.u32 s15;
	p0 =	sgt.s32 s22, s15  }
0x539: {  	s23 =	smov.u32 @p0 s22  }
0x53a: {  	s22 =	smov.u32 s5;
	p0 =	sgt.s32 s23, s5  }
0x53b: {  	s22 =	smov.u32 @p0 s23  }
0x53c: {  	s23 =	smov.u32 s6;
	p0 =	sgt.s32 s22, s6  }
0x53d: {  	s23 =	smov.u32 @p0 s22  }
0x53e: {  	s22 =	smov.u32 s17;
	p0 =	sgt.s32 s23, s17  }
0x53f: {  	s22 =	smov.u32 @p0 s23  }
0x540: {  	s22 =	sshll.u32 s22, $0x6  }
0x541: {  	s22 =	sshra.s32 s22, $0x2  }
0x542: {  	s22 =	sadd.s32 $0x10, s22  }
.LBB2_88:
0x543: {  	vm1 =	vge.s32 v54, v43;
	v55 =	vshll.u32 v54, $0x3  }
0x544: {  	v56 =	vshra.s32 v54, $0xA;
	v57 =	vand.u32 $0x7F, v54;
	vm2 =	vlt.s32 v54, v48  }
0x545: {  	v55 =	vand.u32 $0x1C00, v55;
	v62 =	vsub.s32 v56, v16;
	v56 =	vshll.u32 v56, $0x7  }
0x546: {  	v55 =	vor.u32 v57, v55;
	v63 =	vshll.u32 v62, $0xA;
	v56 =	vand.u32 $0x380, v56  }
0x547: {  	vm1 =	vmand vm1, vm2;
	v54 =	vand.u32 $0xFFFFE000, v63;
	v55 =	vor.u32 v56, v55  }
0x548: {  	v54 =	vor.u32 v54, v55;
	_ =	sdelay $0x4  }
0x549: {  	[tilespmem:v54+s10+$0x0] =	vst.idx.msk vm1, v53  }
0x54a: {  	v54 =	vld [tilespmem:s22+$0x0];
	_ =	sdelay $0x4  }
0x54b: {  	(v2sf) =	vpush v54, $0x0;
	_ =	sdelay $0xe  }
0x54c: {  	s23 =	spop (v2sf)  }
0x54d: {  	p0 =	slt.s32 s23, s4  }
.Ltmp63:
0x54e: {  	_ = 	snop;
	(pc) =	sbr.rel @p0 .LBB2_88-.Ltmp63, $2  }
0x54f: {  	_ =	sdelay $0x2  }
0x550: {  	s22 =	sadd.s32 $0x10, s22  }
.LBB2_89:
0x551: {  	s19 =	sadd.s32 $0xFFFFFFFF, s19  }
0x552: {  	p0 =	sgt.s32 s19, s1  }
0x553: {  	s1 =	smov.u32 @p0 s19  }
0x554: {  	s1 =	sshll.u32 s1, $0x6  }
0x555: {  	s1 =	sshra.s32 s1, $0x2  }
0x556: {  	v54 =	vld [tilespmem:s1+$0x0];
	_ =	sdelay $0x4  }
0x557: {  	(v2sf) =	vpush v54, $0x0;
	_ =	sdelay $0xe  }
0x558: {  	s22 =	rddreg [dreg:$0x19];
	s23 =	spop (v2sf)  }
0x559: {  	p0 =	sge.s32 s23, s22  }
.Ltmp64:
0x55a: {  	_ = 	snop;
	(pc) =	sbr.rel @p0 .LBB2_92-.Ltmp64, $1  }
0x55b: {  	_ =	sdelay $0x3  }
0x55c: {  	s1 =	rddreg [dreg:$0x1e]  }
0x55d: {  	s23 =	rddreg [dreg:$0x1f]  }
0x55e: {  	p0 =	sgt.s32 s1, s23  }
0x55f: {  	s23 =	smov.u32 @p0 s1;
	s1 =	sld [smem:$0x7FD];
	_ =	sdelay $0x2  }
0x560: {  	p0 =	sgt.s32 s23, s1  }
0x561: {  	s1 =	smov.u32 @p0 s23  }
0x562: {  	p0 =	sgt.s32 s1, s7  }
0x563: {  	s7 =	smov.u32 @p0 s1  }
0x564: {  	p0 =	sgt.s32 s7, s8  }
0x565: {  	s8 =	smov.u32 @p0 s7  }
0x566: {  	p0 =	sgt.s32 s8, s12  }
0x567: {  	s12 =	smov.u32 @p0 s8  }
0x568: {  	p0 =	sgt.s32 s12, s9  }
0x569: {  	s9 =	smov.u32 @p0 s12  }
0x56a: {  	p0 =	sgt.s32 s9, s16  }
0x56b: {  	s16 =	smov.u32 @p0 s9  }
0x56c: {  	p0 =	sgt.s32 s16, s21  }
0x56d: {  	s21 =	smov.u32 @p0 s16  }
0x56e: {  	p0 =	sgt.s32 s21, s13  }
0x56f: {  	s13 =	smov.u32 @p0 s21  }
0x570: {  	p0 =	sgt.s32 s13, s15  }
0x571: {  	s15 =	smov.u32 @p0 s13  }
0x572: {  	p0 =	sgt.s32 s15, s5  }
0x573: {  	s5 =	smov.u32 @p0 s15  }
0x574: {  	p0 =	sgt.s32 s5, s6  }
0x575: {  	s6 =	smov.u32 @p0 s5  }
0x576: {  	p0 =	sgt.s32 s6, s17  }
0x577: {  	s17 =	smov.u32 @p0 s6  }
0x578: {  	p0 =	sgt.s32 s17, s20  }
0x579: {  	s20 =	smov.u32 @p0 s17  }
0x57a: {  	p0 =	sgt.s32 s20, s19  }
0x57b: {  	s19 =	smov.u32 @p0 s20  }
0x57c: {  	s23 =	sshll.u32 s19, $0x6  }
0x57d: {  	s1 =	sshra.s32 s23, $0x2  }
0x57e: {  	s1 =	sadd.s32 $0x10, s1  }
.LBB2_91:
0x57f: {  	vm1 =	vge.s32 v54, v46;
	v55 =	vshll.u32 v54, $0x3  }
0x580: {  	v56 =	vshra.s32 v54, $0xA;
	v57 =	vand.u32 $0x7F, v54;
	vm2 =	vlt.s32 v54, v50  }
0x581: {  	v55 =	vand.u32 $0x1C00, v55;
	v62 =	vsub.s32 v56, v18;
	v56 =	vshll.u32 v56, $0x7  }
0x582: {  	v55 =	vor.u32 v57, v55;
	v63 =	vshll.u32 v62, $0xA;
	v56 =	vand.u32 $0x380, v56  }
0x583: {  	vm1 =	vmand vm1, vm2;
	v54 =	vand.u32 $0xFFFFE000, v63;
	v55 =	vor.u32 v56, v55  }
0x584: {  	v54 =	vor.u32 v54, v55;
	_ =	sdelay $0x4  }
0x585: {  	[tilespmem:v54+s10+$0x0] =	vst.idx.msk vm1, v52  }
0x586: {  	v54 =	vld [tilespmem:s1+$0x0];
	_ =	sdelay $0x4  }
0x587: {  	(v2sf) =	vpush v54, $0x0;
	_ =	sdelay $0xe  }
0x588: {  	s5 =	spop (v2sf)  }
0x589: {  	p0 =	slt.s32 s5, s22  }
.Ltmp65:
0x58a: {  	_ = 	snop;
	(pc) =	sbr.rel @p0 .LBB2_91-.Ltmp65, $2  }
0x58b: {  	_ =	sdelay $0x2  }
0x58c: {  	s1 =	sadd.s32 $0x10, s1  }
.Ltmp66:
0x58d: {  	_ = 	snop;
	(pc) =	sbr.rel .LBB2_92-.Ltmp66, $1  }
0x58e: {  	_ =	sdelay $0x3  }
.LBB2_93:
0x58f: {  	_ =	sfence.sel $0x180000  }
0x590: {  	[bflag:$0x0] =	sbarrier.arrive $0xFFFF  }
0x591: {  	_ =	strace $0x90000047  }
0x592: {  	s0 =	stileid.u32;
	[bflag:$0x2] =	sbarrier.arrive $0xFFFF  }
0x593: {  	p0 =	sne.s32 s0, $0x0;
	s0 =	rddreg [dreg:$0x2]  }
0x594: {  	s0 =	sadd.s32 @!p0 $0x100000, s0  }
0x595: {  	[sflag:s0] =	ssyncadd.tile.s32 @!p0 $0x1;
	_ =	shalt  }
.Lfunc_end2:
_tile_overlayer_lowered:
.L_overlay_start_2:
0x596: {  	(tag) =	ssettag $0x2  }
0x597: {  	s0 =	rddreg [dreg:$0x0];
	s2 =	stileid.u32  }
0x598: {  	s1 =	rddreg [dreg:$0x1];
	p0 =	sne.s32 s2, $0x0  }
0x599: {  	s3 =	rddreg [dreg:$0x2];
	[bflag:$0x3] =	sbarrier.arrive $0xFFFF;
	s2 =	simm.s32 @!p0 $0x1C03  }
0x59a: {  	[timem:s3], [sflag:s2] =	dma.local @!p0 [hbm:s0], s1  }
0x59b: {  	s0 =	simm.s32 @!p0 $0x3  }
0x59c: {  	_ =	swait.ge @!p0 [sflag:s0], s1  }
0x59d: {  	s1 =	ssub.s32 @!p0 $0x0, s1;
	[sflag:s0] =	ssyncset.done @!p0 $0x0  }
0x59e: {  	[sflag:s0] =	ssyncadd.s32 @!p0 s1  }
0x59f: {  	[bflag:$0x3] =	sbarrier.arrive $0xFFFF  }
0x5a0: {  	_ =	shalt  }

</sc_bundles>
